<compile_context>
chip_gen: v7x
topology: tpu7x:2x2x1
jax: 0.10.2.dev20260603
libtpu: 0.0.44.dev20260713+nightly
codegen_flags: <defaults>
</compile_context>

<pallas_src>
import functools
import math

import jax
import jax.numpy as jnp
from jax import lax
from jax.experimental import pallas as pl
from jax.experimental.pallas import tpu as pltpu
from jax.experimental.pallas import tpu_sc as plsc

_VOCAB = 1000
_D = 128
_SCALE = math.sqrt(float(_D))

_NC = 2
_NS = 16
_NW = _NC * _NS

_CHUNK = 64
_NBUF = 10
_GPB = 1


_VPAD = 1024


def _scale_table_body(w_ref, o_ref):
    o_ref[pl.ds(0, _VOCAB), :] = w_ref[...] * _SCALE


def _scale_table(W):
    return pl.pallas_call(
        _scale_table_body,
        out_shape=jax.ShapeDtypeStruct((_VPAD, _D), W.dtype),
    )(W)


def _make_sc_gather(batch, hist):
    assert batch % _NW == 0
    b_per_w = batch // _NW
    big = _GPB * _CHUNK
    assert b_per_w % big == 0
    ncb = b_per_w // big
    nchunks = hist * ncb
    assert nchunks % _NBUF == 0

    mesh = plsc.VectorSubcoreMesh(core_axis_name="c", subcore_axis_name="s")

    @functools.partial(
        pl.kernel,
        mesh=mesh,
        out_type=jax.ShapeDtypeStruct((hist, batch, _D), jnp.float32),
        scratch_types=[
            pltpu.VMEM((hist, b_per_w), jnp.int32),
            pltpu.VMEM((_NBUF, _GPB * _CHUNK, _D), jnp.float32),
            pltpu.VMEM_SHARED((_VPAD, _D), jnp.float32),
        ]
        + [pltpu.SemaphoreType.DMA] * (2 * _NBUF),
    )
    def k(table_hbm, idxT_hbm, out_hbm, idx_v, rows_v, table_sh, *sems):
        gsems, ssems = sems[:_NBUF], sems[_NBUF:]
        sid = lax.axis_index("s")
        wid = sid * _NC + lax.axis_index("c")
        wb = wid * b_per_w
        stage = _VPAD // _NS
        pltpu.sync_copy(table_hbm.at[pl.ds(sid * stage, stage)],
                        table_sh.at[pl.ds(sid * stage, stage)])
        pltpu.sync_copy(idxT_hbm.at[:, pl.ds(wb, b_per_w)], idx_v)
        plsc.subcore_barrier()

        def gather(c, h, b):
            j, cb = c // ncb, c % ncb
            return pltpu.make_async_copy(
                table_sh.at[idx_v.at[
                    j, pl.ds(cb * big + h * _CHUNK, _CHUNK)]],
                rows_v.at[b, pl.ds(h * _CHUNK, _CHUNK)], gsems[b])

        def scatter(c, b):
            j, cb = c // ncb, c % ncb
            return pltpu.make_async_copy(
                rows_v.at[b],
                out_hbm.at[j, pl.ds(wb + cb * big, big)],
                ssems[b])

        for b in range(_NBUF):
            for h in range(_GPB):
                gather(b, h, b).start()

        def body(g, carry):
            for b in range(_NBUF):
                c = g * _NBUF + b
                for h in range(_GPB):
                    gather(c, h, b).wait()
                scatter(c, b).start()
            for b in range(_NBUF):
                c = g * _NBUF + b
                scatter(c, b).wait()
                for h in range(_GPB):
                    gather(c + _NBUF, h, b).start()
            return carry

        lax.fori_loop(0, nchunks // _NBUF - 1, body, 0)

        for b in range(_NBUF):
            c = nchunks - _NBUF + b
            for h in range(_GPB):
                gather(c, h, b).wait()
            scatter(c, b).start()
        for b in range(_NBUF):
            c = nchunks - _NBUF + b
            scatter(c, b).wait()

    return k


def kernel(x, W):
    batch, hist = x.shape
    Ws = _scale_table(W)
    outT = _make_sc_gather(batch, hist)(Ws, x.T)
    return jnp.transpose(outT, (1, 0, 2))

# --- scband reference (transcript-rebuilt; emitter-appended) ---
"""Pipeline reference for scband-embeddings-32538672235111 (READ-ONLY COPY).

The authoritative reference and input builder live on the scoring server;
editing this copy changes nothing except your own understanding.
"""

import jax, jax.numpy as jnp
import numpy as np
import math

VOCAB = 1000
D_MODEL = 128
BATCH = 16384
HIST = 20


def setup_inputs(seed: int = 0) -> dict:
    key = jax.random.key(seed)
    k1, k2 = jax.random.split(key)
    x = jax.random.randint(k1, (BATCH, HIST), 0, VOCAB, dtype=jnp.int32)
    # learned embedding table, as nn.Embedding default init (N(0,1))
    W = jax.random.normal(k2, (VOCAB, D_MODEL), dtype=jnp.float32)
    return {"x": x, "W": W}


def reference(x, W):
    # Embeddings.forward: lut(x) * sqrt(d_model)
    emb = jnp.take(W, x, axis=0)
    return emb * math.sqrt(float(D_MODEL))

if __name__ == "__main__":
    import jax
    _d = setup_inputs()
    print(jax.jit(kernel)(*tuple(_d.values())))

</pallas_src>

<mosaic_0001>
#map = affine_map<(d0, d1) -> (0, 0)>
#map1 = affine_map<(d0, d1) -> (0, 0, 0)>
module attributes {stable_mosaic.version = 14 : i64} {
  func.func @k(%arg0: i32, %arg1: i32, %arg2: memref<1024x128xf32, #tpu.memory_space<hbm>>, %arg3: memref<20x16384xi32, #tpu.memory_space<hbm>>, %arg4: memref<20x16384x128xf32, #tpu.memory_space<hbm>>, %arg5: memref<20x512xi32, #tpu.memory_space<vmem>>, %arg6: memref<10x64x128xf32, #tpu.memory_space<vmem>>, %arg7: memref<1024x128xf32, #tpu.memory_space<vmem_shared>>, %arg8: memref<!tpu.dma_semaphore, #tpu.memory_space<semaphore_mem>>, %arg9: memref<!tpu.dma_semaphore, #tpu.memory_space<semaphore_mem>>, %arg10: memref<!tpu.dma_semaphore, #tpu.memory_space<semaphore_mem>>, %arg11: memref<!tpu.dma_semaphore, #tpu.memory_space<semaphore_mem>>, %arg12: memref<!tpu.dma_semaphore, #tpu.memory_space<semaphore_mem>>, %arg13: memref<!tpu.dma_semaphore, #tpu.memory_space<semaphore_mem>>, %arg14: memref<!tpu.dma_semaphore, #tpu.memory_space<semaphore_mem>>, %arg15: memref<!tpu.dma_semaphore, #tpu.memory_space<semaphore_mem>>, %arg16: memref<!tpu.dma_semaphore, #tpu.memory_space<semaphore_mem>>, %arg17: memref<!tpu.dma_semaphore, #tpu.memory_space<semaphore_mem>>, %arg18: memref<!tpu.dma_semaphore, #tpu.memory_space<semaphore_mem>>, %arg19: memref<!tpu.dma_semaphore, #tpu.memory_space<semaphore_mem>>, %arg20: memref<!tpu.dma_semaphore, #tpu.memory_space<semaphore_mem>>, %arg21: memref<!tpu.dma_semaphore, #tpu.memory_space<semaphore_mem>>, %arg22: memref<!tpu.dma_semaphore, #tpu.memory_space<semaphore_mem>>, %arg23: memref<!tpu.dma_semaphore, #tpu.memory_space<semaphore_mem>>, %arg24: memref<!tpu.dma_semaphore, #tpu.memory_space<semaphore_mem>>, %arg25: memref<!tpu.dma_semaphore, #tpu.memory_space<semaphore_mem>>, %arg26: memref<!tpu.dma_semaphore, #tpu.memory_space<semaphore_mem>>, %arg27: memref<!tpu.dma_semaphore, #tpu.memory_space<semaphore_mem>>) attributes {dimension_semantics = [#tpu.dimension_semantics<core_parallel>, #tpu.dimension_semantics<subcore_parallel>], iteration_bounds = array<i64: 2, 16>, scalar_prefetch = 0 : i64, scratch_operands = 23 : i64, tpu.core_type = #tpu.core_type<sc_vector_subcore>, window_params = [{transform_indices = #map}, {transform_indices = #map}, {transform_indices = #map1}]} {
    %mul3A = arith.constant 2 : i32
    %mul3A_0 = arith.muli %arg1, %mul3A : i32
    %add3A = arith.addi %mul3A_0, %arg0 : i32
    %mul3A_1 = arith.constant 512 : i32
    %mul3A_2 = arith.muli %add3A, %mul3A_1 : i32
    %mul3A_3 = arith.constant 64 : i32
    %mul3A_4 = arith.muli %arg1, %mul3A_3 : i32
    %mul3A_5 = arith.constant 64 : i32
    %mul3A_6 = arith.muli %arg1, %mul3A_5 : i32
    "tpu.region"() ({
      %run_scoped3A = tpu.sem_alloc : memref<!tpu.dma_semaphore, #tpu.memory_space<semaphore_mem>>
      %dma_start3A_610 = arith.constant 0 : i32
      %dma_start3A_611 = tpu.memref_slice %arg7[%mul3A_6, %dma_start3A_610] : memref<1024x128xf32, #tpu.memory_space<vmem_shared>> -> memref<64x128xf32, #tpu.memory_space<vmem_shared>>
      %dma_start3A_612 = arith.constant 0 : i32
      %dma_start3A_613 = tpu.memref_slice %arg2[%mul3A_4, %dma_start3A_612] : memref<1024x128xf32, #tpu.memory_space<hbm>> -> memref<64x128xf32, #tpu.memory_space<hbm>>
      tpu.enqueue_dma source(%dma_start3A_613 : memref<64x128xf32, #tpu.memory_space<hbm>>) target(%dma_start3A_611 : memref<64x128xf32, #tpu.memory_space<vmem_shared>>) target_semaphore(%run_scoped3A : memref<!tpu.dma_semaphore, #tpu.memory_space<semaphore_mem>>)
      %dma_wait3A_614 = arith.constant 0 : i32
      %dma_wait3A_615 = tpu.memref_slice %arg7[%mul3A_6, %dma_wait3A_614] : memref<1024x128xf32, #tpu.memory_space<vmem_shared>> -> memref<64x128xf32, #tpu.memory_space<vmem_shared>>
      %dma_wait3A_616 = arith.constant 0 : i32
      %dma_wait3A_617 = tpu.memref_slice %arg2[%mul3A_4, %dma_wait3A_616] : memref<1024x128xf32, #tpu.memory_space<hbm>> -> memref<64x128xf32, #tpu.memory_space<hbm>>
      tpu.wait_dma2 semaphore(%run_scoped3A : memref<!tpu.dma_semaphore, #tpu.memory_space<semaphore_mem>>) src(%dma_wait3A_617 : memref<64x128xf32, #tpu.memory_space<hbm>>) dst(%dma_wait3A_615 : memref<64x128xf32, #tpu.memory_space<vmem_shared>>)
      tpu.yield
    }) : () -> ()
    "tpu.region"() ({
      %run_scoped3A = tpu.sem_alloc : memref<!tpu.dma_semaphore, #tpu.memory_space<semaphore_mem>>
      %dma_start3A_610 = arith.constant 0 : i32
      %dma_start3A_611 = tpu.memref_slice %arg3[%dma_start3A_610, %mul3A_2] : memref<20x16384xi32, #tpu.memory_space<hbm>> -> memref<20x512xi32, #tpu.memory_space<hbm>>
      %dma_start3A_612 = arith.constant 0 : i32
      %dma_start3A_613 = tpu.memref_slice %arg3[%dma_start3A_612, %mul3A_2] : memref<20x16384xi32, #tpu.memory_space<hbm>> -> memref<20x512xi32, #tpu.memory_space<hbm>>
      tpu.enqueue_dma source(%dma_start3A_613 : memref<20x512xi32, #tpu.memory_space<hbm>>) target(%arg5 : memref<20x512xi32, #tpu.memory_space<vmem>>) target_semaphore(%run_scoped3A : memref<!tpu.dma_semaphore, #tpu.memory_space<semaphore_mem>>)
      %dma_wait3A_614 = arith.constant 0 : i32
      %dma_wait3A_615 = tpu.memref_slice %arg3[%dma_wait3A_614, %mul3A_2] : memref<20x16384xi32, #tpu.memory_space<hbm>> -> memref<20x512xi32, #tpu.memory_space<hbm>>
      %dma_wait3A_616 = arith.constant 0 : i32
      %dma_wait3A_617 = tpu.memref_slice %arg3[%dma_wait3A_616, %mul3A_2] : memref<20x16384xi32, #tpu.memory_space<hbm>> -> memref<20x512xi32, #tpu.memory_space<hbm>>
      tpu.wait_dma2 semaphore(%run_scoped3A : memref<!tpu.dma_semaphore, #tpu.memory_space<semaphore_mem>>) src(%dma_wait3A_617 : memref<20x512xi32, #tpu.memory_space<hbm>>) dst(%arg5 : memref<20x512xi32, #tpu.memory_space<vmem>>)
      tpu.yield
    }) : () -> ()
    %barrier3A = arith.constant 0 : index
    tpu.barrier barrier_id(%barrier3A)
    %dma_start3A = arith.constant 0 : i32
    %dma_start3A_7 = arith.constant 0 : i32
    %dma_start3A_8 = arith.constant 0 : i32
    %dma_start3A_9 = arith.constant 0 : i32
    %dma_start3A_10 = tpu.memref_slice %arg6[%dma_start3A_7, %dma_start3A_8, %dma_start3A_9] : memref<10x64x128xf32, #tpu.memory_space<vmem>> -> memref<1x64x128xf32, #tpu.memory_space<vmem>>
    %dma_start3A_11 = tpu.memref_squeeze %dma_start3A_10 : memref<1x64x128xf32, #tpu.memory_space<vmem>> -> memref<64x128xf32, #tpu.memory_space<vmem>>
    %dma_start3A_12 = arith.constant 0 : i32
    %dma_start3A_13 = tpu.memref_slice %arg5[%dma_start3A, %dma_start3A_12] : memref<20x512xi32, #tpu.memory_space<vmem>> -> memref<1x64xi32, #tpu.memory_space<vmem>>
    %dma_start3A_14 = tpu.memref_squeeze %dma_start3A_13 : memref<1x64xi32, #tpu.memory_space<vmem>> -> memref<64xi32, #tpu.memory_space<vmem>>
    %dma_start3A_15 = arith.constant 0 : i32
    %dma_start3A_16 = arith.constant 0 : i32
    %dma_start3A_17 = tpu.memref_slice %arg7[%dma_start3A_15, %dma_start3A_16] : memref<1024x128xf32, #tpu.memory_space<vmem_shared>> -> memref<1024x128xf32, #tpu.memory_space<vmem_shared>>
    tpu.enqueue_indirect_dma source(%dma_start3A_17 : memref<1024x128xf32, #tpu.memory_space<vmem_shared>>) target(%dma_start3A_11 : memref<64x128xf32, #tpu.memory_space<vmem>>) offsets(%dma_start3A_14 : memref<64xi32, #tpu.memory_space<vmem>>) semaphore(%arg8 : memref<!tpu.dma_semaphore, #tpu.memory_space<semaphore_mem>>)
    %dma_start3A_18 = arith.constant 0 : i32
    %dma_start3A_19 = arith.constant 1 : i32
    %dma_start3A_20 = arith.constant 0 : i32
    %dma_start3A_21 = arith.constant 0 : i32
    %dma_start3A_22 = tpu.memref_slice %arg6[%dma_start3A_19, %dma_start3A_20, %dma_start3A_21] : memref<10x64x128xf32, #tpu.memory_space<vmem>> -> memref<1x64x128xf32, #tpu.memory_space<vmem>>
    %dma_start3A_23 = tpu.memref_squeeze %dma_start3A_22 : memref<1x64x128xf32, #tpu.memory_space<vmem>> -> memref<64x128xf32, #tpu.memory_space<vmem>>
    %dma_start3A_24 = arith.constant 64 : i32
    %dma_start3A_25 = tpu.memref_slice %arg5[%dma_start3A_18, %dma_start3A_24] : memref<20x512xi32, #tpu.memory_space<vmem>> -> memref<1x64xi32, #tpu.memory_space<vmem>>
    %dma_start3A_26 = tpu.memref_squeeze %dma_start3A_25 : memref<1x64xi32, #tpu.memory_space<vmem>> -> memref<64xi32, #tpu.memory_space<vmem>>
    %dma_start3A_27 = arith.constant 0 : i32
    %dma_start3A_28 = arith.constant 0 : i32
    %dma_start3A_29 = tpu.memref_slice %arg7[%dma_start3A_27, %dma_start3A_28] : memref<1024x128xf32, #tpu.memory_space<vmem_shared>> -> memref<1024x128xf32, #tpu.memory_space<vmem_shared>>
    tpu.enqueue_indirect_dma source(%dma_start3A_29 : memref<1024x128xf32, #tpu.memory_space<vmem_shared>>) target(%dma_start3A_23 : memref<64x128xf32, #tpu.memory_space<vmem>>) offsets(%dma_start3A_26 : memref<64xi32, #tpu.memory_space<vmem>>) semaphore(%arg9 : memref<!tpu.dma_semaphore, #tpu.memory_space<semaphore_mem>>)
    %dma_start3A_30 = arith.constant 0 : i32
    %dma_start3A_31 = arith.constant 2 : i32
    %dma_start3A_32 = arith.constant 0 : i32
    %dma_start3A_33 = arith.constant 0 : i32
    %dma_start3A_34 = tpu.memref_slice %arg6[%dma_start3A_31, %dma_start3A_32, %dma_start3A_33] : memref<10x64x128xf32, #tpu.memory_space<vmem>> -> memref<1x64x128xf32, #tpu.memory_space<vmem>>
    %dma_start3A_35 = tpu.memref_squeeze %dma_start3A_34 : memref<1x64x128xf32, #tpu.memory_space<vmem>> -> memref<64x128xf32, #tpu.memory_space<vmem>>
    %dma_start3A_36 = arith.constant 128 : i32
    %dma_start3A_37 = tpu.memref_slice %arg5[%dma_start3A_30, %dma_start3A_36] : memref<20x512xi32, #tpu.memory_space<vmem>> -> memref<1x64xi32, #tpu.memory_space<vmem>>
    %dma_start3A_38 = tpu.memref_squeeze %dma_start3A_37 : memref<1x64xi32, #tpu.memory_space<vmem>> -> memref<64xi32, #tpu.memory_space<vmem>>
    %dma_start3A_39 = arith.constant 0 : i32
    %dma_start3A_40 = arith.constant 0 : i32
    %dma_start3A_41 = tpu.memref_slice %arg7[%dma_start3A_39, %dma_start3A_40] : memref<1024x128xf32, #tpu.memory_space<vmem_shared>> -> memref<1024x128xf32, #tpu.memory_space<vmem_shared>>
    tpu.enqueue_indirect_dma source(%dma_start3A_41 : memref<1024x128xf32, #tpu.memory_space<vmem_shared>>) target(%dma_start3A_35 : memref<64x128xf32, #tpu.memory_space<vmem>>) offsets(%dma_start3A_38 : memref<64xi32, #tpu.memory_space<vmem>>) semaphore(%arg10 : memref<!tpu.dma_semaphore, #tpu.memory_space<semaphore_mem>>)
    %dma_start3A_42 = arith.constant 0 : i32
    %dma_start3A_43 = arith.constant 3 : i32
    %dma_start3A_44 = arith.constant 0 : i32
    %dma_start3A_45 = arith.constant 0 : i32
    %dma_start3A_46 = tpu.memref_slice %arg6[%dma_start3A_43, %dma_start3A_44, %dma_start3A_45] : memref<10x64x128xf32, #tpu.memory_space<vmem>> -> memref<1x64x128xf32, #tpu.memory_space<vmem>>
    %dma_start3A_47 = tpu.memref_squeeze %dma_start3A_46 : memref<1x64x128xf32, #tpu.memory_space<vmem>> -> memref<64x128xf32, #tpu.memory_space<vmem>>
    %dma_start3A_48 = arith.constant 192 : i32
    %dma_start3A_49 = tpu.memref_slice %arg5[%dma_start3A_42, %dma_start3A_48] : memref<20x512xi32, #tpu.memory_space<vmem>> -> memref<1x64xi32, #tpu.memory_space<vmem>>
    %dma_start3A_50 = tpu.memref_squeeze %dma_start3A_49 : memref<1x64xi32, #tpu.memory_space<vmem>> -> memref<64xi32, #tpu.memory_space<vmem>>
    %dma_start3A_51 = arith.constant 0 : i32
    %dma_start3A_52 = arith.constant 0 : i32
    %dma_start3A_53 = tpu.memref_slice %arg7[%dma_start3A_51, %dma_start3A_52] : memref<1024x128xf32, #tpu.memory_space<vmem_shared>> -> memref<1024x128xf32, #tpu.memory_space<vmem_shared>>
    tpu.enqueue_indirect_dma source(%dma_start3A_53 : memref<1024x128xf32, #tpu.memory_space<vmem_shared>>) target(%dma_start3A_47 : memref<64x128xf32, #tpu.memory_space<vmem>>) offsets(%dma_start3A_50 : memref<64xi32, #tpu.memory_space<vmem>>) semaphore(%arg11 : memref<!tpu.dma_semaphore, #tpu.memory_space<semaphore_mem>>)
    %dma_start3A_54 = arith.constant 0 : i32
    %dma_start3A_55 = arith.constant 4 : i32
    %dma_start3A_56 = arith.constant 0 : i32
    %dma_start3A_57 = arith.constant 0 : i32
    %dma_start3A_58 = tpu.memref_slice %arg6[%dma_start3A_55, %dma_start3A_56, %dma_start3A_57] : memref<10x64x128xf32, #tpu.memory_space<vmem>> -> memref<1x64x128xf32, #tpu.memory_space<vmem>>
    %dma_start3A_59 = tpu.memref_squeeze %dma_start3A_58 : memref<1x64x128xf32, #tpu.memory_space<vmem>> -> memref<64x128xf32, #tpu.memory_space<vmem>>
    %dma_start3A_60 = arith.constant 256 : i32
    %dma_start3A_61 = tpu.memref_slice %arg5[%dma_start3A_54, %dma_start3A_60] : memref<20x512xi32, #tpu.memory_space<vmem>> -> memref<1x64xi32, #tpu.memory_space<vmem>>
    %dma_start3A_62 = tpu.memref_squeeze %dma_start3A_61 : memref<1x64xi32, #tpu.memory_space<vmem>> -> memref<64xi32, #tpu.memory_space<vmem>>
    %dma_start3A_63 = arith.constant 0 : i32
    %dma_start3A_64 = arith.constant 0 : i32
    %dma_start3A_65 = tpu.memref_slice %arg7[%dma_start3A_63, %dma_start3A_64] : memref<1024x128xf32, #tpu.memory_space<vmem_shared>> -> memref<1024x128xf32, #tpu.memory_space<vmem_shared>>
    tpu.enqueue_indirect_dma source(%dma_start3A_65 : memref<1024x128xf32, #tpu.memory_space<vmem_shared>>) target(%dma_start3A_59 : memref<64x128xf32, #tpu.memory_space<vmem>>) offsets(%dma_start3A_62 : memref<64xi32, #tpu.memory_space<vmem>>) semaphore(%arg12 : memref<!tpu.dma_semaphore, #tpu.memory_space<semaphore_mem>>)
    %dma_start3A_66 = arith.constant 0 : i32
    %dma_start3A_67 = arith.constant 5 : i32
    %dma_start3A_68 = arith.constant 0 : i32
    %dma_start3A_69 = arith.constant 0 : i32
    %dma_start3A_70 = tpu.memref_slice %arg6[%dma_start3A_67, %dma_start3A_68, %dma_start3A_69] : memref<10x64x128xf32, #tpu.memory_space<vmem>> -> memref<1x64x128xf32, #tpu.memory_space<vmem>>
    %dma_start3A_71 = tpu.memref_squeeze %dma_start3A_70 : memref<1x64x128xf32, #tpu.memory_space<vmem>> -> memref<64x128xf32, #tpu.memory_space<vmem>>
    %dma_start3A_72 = arith.constant 320 : i32
    %dma_start3A_73 = tpu.memref_slice %arg5[%dma_start3A_66, %dma_start3A_72] : memref<20x512xi32, #tpu.memory_space<vmem>> -> memref<1x64xi32, #tpu.memory_space<vmem>>
    %dma_start3A_74 = tpu.memref_squeeze %dma_start3A_73 : memref<1x64xi32, #tpu.memory_space<vmem>> -> memref<64xi32, #tpu.memory_space<vmem>>
    %dma_start3A_75 = arith.constant 0 : i32
    %dma_start3A_76 = arith.constant 0 : i32
    %dma_start3A_77 = tpu.memref_slice %arg7[%dma_start3A_75, %dma_start3A_76] : memref<1024x128xf32, #tpu.memory_space<vmem_shared>> -> memref<1024x128xf32, #tpu.memory_space<vmem_shared>>
    tpu.enqueue_indirect_dma source(%dma_start3A_77 : memref<1024x128xf32, #tpu.memory_space<vmem_shared>>) target(%dma_start3A_71 : memref<64x128xf32, #tpu.memory_space<vmem>>) offsets(%dma_start3A_74 : memref<64xi32, #tpu.memory_space<vmem>>) semaphore(%arg13 : memref<!tpu.dma_semaphore, #tpu.memory_space<semaphore_mem>>)
    %dma_start3A_78 = arith.constant 0 : i32
    %dma_start3A_79 = arith.constant 6 : i32
    %dma_start3A_80 = arith.constant 0 : i32
    %dma_start3A_81 = arith.constant 0 : i32
    %dma_start3A_82 = tpu.memref_slice %arg6[%dma_start3A_79, %dma_start3A_80, %dma_start3A_81] : memref<10x64x128xf32, #tpu.memory_space<vmem>> -> memref<1x64x128xf32, #tpu.memory_space<vmem>>
    %dma_start3A_83 = tpu.memref_squeeze %dma_start3A_82 : memref<1x64x128xf32, #tpu.memory_space<vmem>> -> memref<64x128xf32, #tpu.memory_space<vmem>>
    %dma_start3A_84 = arith.constant 384 : i32
    %dma_start3A_85 = tpu.memref_slice %arg5[%dma_start3A_78, %dma_start3A_84] : memref<20x512xi32, #tpu.memory_space<vmem>> -> memref<1x64xi32, #tpu.memory_space<vmem>>
    %dma_start3A_86 = tpu.memref_squeeze %dma_start3A_85 : memref<1x64xi32, #tpu.memory_space<vmem>> -> memref<64xi32, #tpu.memory_space<vmem>>
    %dma_start3A_87 = arith.constant 0 : i32
    %dma_start3A_88 = arith.constant 0 : i32
    %dma_start3A_89 = tpu.memref_slice %arg7[%dma_start3A_87, %dma_start3A_88] : memref<1024x128xf32, #tpu.memory_space<vmem_shared>> -> memref<1024x128xf32, #tpu.memory_space<vmem_shared>>
    tpu.enqueue_indirect_dma source(%dma_start3A_89 : memref<1024x128xf32, #tpu.memory_space<vmem_shared>>) target(%dma_start3A_83 : memref<64x128xf32, #tpu.memory_space<vmem>>) offsets(%dma_start3A_86 : memref<64xi32, #tpu.memory_space<vmem>>) semaphore(%arg14 : memref<!tpu.dma_semaphore, #tpu.memory_space<semaphore_mem>>)
    %dma_start3A_90 = arith.constant 0 : i32
    %dma_start3A_91 = arith.constant 7 : i32
    %dma_start3A_92 = arith.constant 0 : i32
    %dma_start3A_93 = arith.constant 0 : i32
    %dma_start3A_94 = tpu.memref_slice %arg6[%dma_start3A_91, %dma_start3A_92, %dma_start3A_93] : memref<10x64x128xf32, #tpu.memory_space<vmem>> -> memref<1x64x128xf32, #tpu.memory_space<vmem>>
    %dma_start3A_95 = tpu.memref_squeeze %dma_start3A_94 : memref<1x64x128xf32, #tpu.memory_space<vmem>> -> memref<64x128xf32, #tpu.memory_space<vmem>>
    %dma_start3A_96 = arith.constant 448 : i32
    %dma_start3A_97 = tpu.memref_slice %arg5[%dma_start3A_90, %dma_start3A_96] : memref<20x512xi32, #tpu.memory_space<vmem>> -> memref<1x64xi32, #tpu.memory_space<vmem>>
    %dma_start3A_98 = tpu.memref_squeeze %dma_start3A_97 : memref<1x64xi32, #tpu.memory_space<vmem>> -> memref<64xi32, #tpu.memory_space<vmem>>
    %dma_start3A_99 = arith.constant 0 : i32
    %dma_start3A_100 = arith.constant 0 : i32
    %dma_start3A_101 = tpu.memref_slice %arg7[%dma_start3A_99, %dma_start3A_100] : memref<1024x128xf32, #tpu.memory_space<vmem_shared>> -> memref<1024x128xf32, #tpu.memory_space<vmem_shared>>
    tpu.enqueue_indirect_dma source(%dma_start3A_101 : memref<1024x128xf32, #tpu.memory_space<vmem_shared>>) target(%dma_start3A_95 : memref<64x128xf32, #tpu.memory_space<vmem>>) offsets(%dma_start3A_98 : memref<64xi32, #tpu.memory_space<vmem>>) semaphore(%arg15 : memref<!tpu.dma_semaphore, #tpu.memory_space<semaphore_mem>>)
    %dma_start3A_102 = arith.constant 1 : i32
    %dma_start3A_103 = arith.constant 8 : i32
    %dma_start3A_104 = arith.constant 0 : i32
    %dma_start3A_105 = arith.constant 0 : i32
    %dma_start3A_106 = tpu.memref_slice %arg6[%dma_start3A_103, %dma_start3A_104, %dma_start3A_105] : memref<10x64x128xf32, #tpu.memory_space<vmem>> -> memref<1x64x128xf32, #tpu.memory_space<vmem>>
    %dma_start3A_107 = tpu.memref_squeeze %dma_start3A_106 : memref<1x64x128xf32, #tpu.memory_space<vmem>> -> memref<64x128xf32, #tpu.memory_space<vmem>>
    %dma_start3A_108 = arith.constant 0 : i32
    %dma_start3A_109 = tpu.memref_slice %arg5[%dma_start3A_102, %dma_start3A_108] : memref<20x512xi32, #tpu.memory_space<vmem>> -> memref<1x64xi32, #tpu.memory_space<vmem>>
    %dma_start3A_110 = tpu.memref_squeeze %dma_start3A_109 : memref<1x64xi32, #tpu.memory_space<vmem>> -> memref<64xi32, #tpu.memory_space<vmem>>
    %dma_start3A_111 = arith.constant 0 : i32
    %dma_start3A_112 = arith.constant 0 : i32
    %dma_start3A_113 = tpu.memref_slice %arg7[%dma_start3A_111, %dma_start3A_112] : memref<1024x128xf32, #tpu.memory_space<vmem_shared>> -> memref<1024x128xf32, #tpu.memory_space<vmem_shared>>
    tpu.enqueue_indirect_dma source(%dma_start3A_113 : memref<1024x128xf32, #tpu.memory_space<vmem_shared>>) target(%dma_start3A_107 : memref<64x128xf32, #tpu.memory_space<vmem>>) offsets(%dma_start3A_110 : memref<64xi32, #tpu.memory_space<vmem>>) semaphore(%arg16 : memref<!tpu.dma_semaphore, #tpu.memory_space<semaphore_mem>>)
    %dma_start3A_114 = arith.constant 1 : i32
    %dma_start3A_115 = arith.constant 9 : i32
    %dma_start3A_116 = arith.constant 0 : i32
    %dma_start3A_117 = arith.constant 0 : i32
    %dma_start3A_118 = tpu.memref_slice %arg6[%dma_start3A_115, %dma_start3A_116, %dma_start3A_117] : memref<10x64x128xf32, #tpu.memory_space<vmem>> -> memref<1x64x128xf32, #tpu.memory_space<vmem>>
    %dma_start3A_119 = tpu.memref_squeeze %dma_start3A_118 : memref<1x64x128xf32, #tpu.memory_space<vmem>> -> memref<64x128xf32, #tpu.memory_space<vmem>>
    %dma_start3A_120 = arith.constant 64 : i32
    %dma_start3A_121 = tpu.memref_slice %arg5[%dma_start3A_114, %dma_start3A_120] : memref<20x512xi32, #tpu.memory_space<vmem>> -> memref<1x64xi32, #tpu.memory_space<vmem>>
    %dma_start3A_122 = tpu.memref_squeeze %dma_start3A_121 : memref<1x64xi32, #tpu.memory_space<vmem>> -> memref<64xi32, #tpu.memory_space<vmem>>
    %dma_start3A_123 = arith.constant 0 : i32
    %dma_start3A_124 = arith.constant 0 : i32
    %dma_start3A_125 = tpu.memref_slice %arg7[%dma_start3A_123, %dma_start3A_124] : memref<1024x128xf32, #tpu.memory_space<vmem_shared>> -> memref<1024x128xf32, #tpu.memory_space<vmem_shared>>
    tpu.enqueue_indirect_dma source(%dma_start3A_125 : memref<1024x128xf32, #tpu.memory_space<vmem_shared>>) target(%dma_start3A_119 : memref<64x128xf32, #tpu.memory_space<vmem>>) offsets(%dma_start3A_122 : memref<64xi32, #tpu.memory_space<vmem>>) semaphore(%arg17 : memref<!tpu.dma_semaphore, #tpu.memory_space<semaphore_mem>>)
    %scan3A = arith.constant 0 : i32
    %scan3A_126 = arith.constant 0 : i32
    %scan3A_127 = arith.constant 15 : i32
    %scan3A_128 = arith.addi %scan3A_126, %scan3A_127 : i32
    %scan3A_129 = arith.constant 1 : i32
    scf.for %scan3A_610 = %scan3A_126 to %scan3A_128 step %scan3A_129  : i32 {
      %mul3A_611 = arith.constant 10 : i32
      %mul3A_612 = arith.muli %scan3A_610, %mul3A_611 : i32
      %add3A_613 = arith.constant 0 : i32
      %add3A_614 = arith.addi %mul3A_612, %add3A_613 : i32
      %jit3A = arith.constant 8 : i32
      %div3A = arith.divsi %add3A_614, %jit3A : i32
      %sign3A = arith.constant 0 : i32
      %sign3A_615 = arith.cmpi sgt, %add3A_614, %sign3A : i32
      %sign3A_616 = arith.extui %sign3A_615 : i1 to i32
      %sign3A_617 = arith.constant 0 : i32
      %sign3A_618 = arith.cmpi slt, %add3A_614, %sign3A_617 : i32
      %sign3A_619 = arith.extui %sign3A_618 : i1 to i32
      %sign3A_620 = arith.subi %sign3A_616, %sign3A_619 : i32
      %sign3A_621 = arith.constant 0 : i32
      %sign3A_622 = arith.cmpi sgt, %jit3A, %sign3A_621 : i32
      %sign3A_623 = arith.extui %sign3A_622 : i1 to i32
      %sign3A_624 = arith.constant 0 : i32
      %sign3A_625 = arith.cmpi slt, %jit3A, %sign3A_624 : i32
      %sign3A_626 = arith.extui %sign3A_625 : i1 to i32
      %sign3A_627 = arith.subi %sign3A_623, %sign3A_626 : i32
      %ne3A = arith.cmpi ne, %sign3A_620, %sign3A_627 : i32
      %rem3A = arith.remsi %add3A_614, %jit3A : i32
      %ne3A_628 = arith.constant 0 : i32
      %ne3A_629 = arith.cmpi ne, %rem3A, %ne3A_628 : i32
      %and3A = arith.andi %ne3A, %ne3A_629 : i1
      %sub3A = arith.constant 1 : i32
      %sub3A_630 = arith.subi %div3A, %sub3A : i32
      %select_n3A = arith.select %and3A, %sub3A_630, %div3A : i32
      %jit3A_631 = arith.constant 8 : i32
      %eq3A = arith.constant 0 : i32
      %eq3A_632 = arith.cmpi eq, %jit3A_631, %eq3A : i32
      %jit3A_633 = arith.constant 1 : i32
      %select_n3A_634 = arith.select %eq3A_632, %jit3A_633, %jit3A_631 : i32
      %rem3A_635 = arith.remsi %add3A_614, %select_n3A_634 : i32
      %ne3A_636 = arith.constant 0 : i32
      %ne3A_637 = arith.cmpi ne, %rem3A_635, %ne3A_636 : i32
      %lt3A = arith.constant 0 : i32
      %lt3A_638 = arith.cmpi slt, %rem3A_635, %lt3A : i32
      %lt3A_639 = arith.constant 0 : i32
      %lt3A_640 = arith.cmpi slt, %select_n3A_634, %lt3A_639 : i32
      %ne3A_641 = arith.xori %lt3A_638, %lt3A_640 : i1
      %and3A_642 = arith.andi %ne3A_641, %ne3A_637 : i1
      %add3A_643 = arith.addi %rem3A_635, %select_n3A_634 : i32
      %select_n3A_644 = arith.select %and3A_642, %add3A_643, %rem3A_635 : i32
      %mul3A_645 = arith.constant 64 : i32
      %mul3A_646 = arith.muli %select_n3A_644, %mul3A_645 : i32
      %add3A_647 = arith.constant 0 : i32
      %add3A_648 = arith.addi %mul3A_646, %add3A_647 : i32
      %dma_wait3A_649 = arith.constant 0 : i32
      %dma_wait3A_650 = arith.constant 0 : i32
      %dma_wait3A_651 = arith.constant 0 : i32
      %dma_wait3A_652 = tpu.memref_slice %arg6[%dma_wait3A_649, %dma_wait3A_650, %dma_wait3A_651] : memref<10x64x128xf32, #tpu.memory_space<vmem>> -> memref<1x64x128xf32, #tpu.memory_space<vmem>>
      %dma_wait3A_653 = tpu.memref_squeeze %dma_wait3A_652 : memref<1x64x128xf32, #tpu.memory_space<vmem>> -> memref<64x128xf32, #tpu.memory_space<vmem>>
      %dma_wait3A_654 = tpu.memref_slice %arg5[%select_n3A, %add3A_648] : memref<20x512xi32, #tpu.memory_space<vmem>> -> memref<1x64xi32, #tpu.memory_space<vmem>>
      %dma_wait3A_655 = tpu.memref_squeeze %dma_wait3A_654 : memref<1x64xi32, #tpu.memory_space<vmem>> -> memref<64xi32, #tpu.memory_space<vmem>>
      %dma_wait3A_656 = arith.constant 0 : i32
      %dma_wait3A_657 = arith.constant 0 : i32
      %dma_wait3A_658 = tpu.memref_slice %arg7[%dma_wait3A_656, %dma_wait3A_657] : memref<1024x128xf32, #tpu.memory_space<vmem_shared>> -> memref<1024x128xf32, #tpu.memory_space<vmem_shared>>
      tpu.wait_indirect_dma semaphore(%arg8 : memref<!tpu.dma_semaphore, #tpu.memory_space<semaphore_mem>>) src(%dma_wait3A_658 : memref<1024x128xf32, #tpu.memory_space<vmem_shared>>) dst(%dma_wait3A_653 : memref<64x128xf32, #tpu.memory_space<vmem>>)
      %jit3A_659 = arith.constant 8 : i32
      %div3A_660 = arith.divsi %add3A_614, %jit3A_659 : i32
      %sign3A_661 = arith.constant 0 : i32
      %sign3A_662 = arith.cmpi sgt, %add3A_614, %sign3A_661 : i32
      %sign3A_663 = arith.extui %sign3A_662 : i1 to i32
      %sign3A_664 = arith.constant 0 : i32
      %sign3A_665 = arith.cmpi slt, %add3A_614, %sign3A_664 : i32
      %sign3A_666 = arith.extui %sign3A_665 : i1 to i32
      %sign3A_667 = arith.subi %sign3A_663, %sign3A_666 : i32
      %sign3A_668 = arith.constant 0 : i32
      %sign3A_669 = arith.cmpi sgt, %jit3A_659, %sign3A_668 : i32
      %sign3A_670 = arith.extui %sign3A_669 : i1 to i32
      %sign3A_671 = arith.constant 0 : i32
      %sign3A_672 = arith.cmpi slt, %jit3A_659, %sign3A_671 : i32
      %sign3A_673 = arith.extui %sign3A_672 : i1 to i32
      %sign3A_674 = arith.subi %sign3A_670, %sign3A_673 : i32
      %ne3A_675 = arith.cmpi ne, %sign3A_667, %sign3A_674 : i32
      %rem3A_676 = arith.remsi %add3A_614, %jit3A_659 : i32
      %ne3A_677 = arith.constant 0 : i32
      %ne3A_678 = arith.cmpi ne, %rem3A_676, %ne3A_677 : i32
      %and3A_679 = arith.andi %ne3A_675, %ne3A_678 : i1
      %sub3A_680 = arith.constant 1 : i32
      %sub3A_681 = arith.subi %div3A_660, %sub3A_680 : i32
      %select_n3A_682 = arith.select %and3A_679, %sub3A_681, %div3A_660 : i32
      %jit3A_683 = arith.constant 8 : i32
      %eq3A_684 = arith.constant 0 : i32
      %eq3A_685 = arith.cmpi eq, %jit3A_683, %eq3A_684 : i32
      %jit3A_686 = arith.constant 1 : i32
      %select_n3A_687 = arith.select %eq3A_685, %jit3A_686, %jit3A_683 : i32
      %rem3A_688 = arith.remsi %add3A_614, %select_n3A_687 : i32
      %ne3A_689 = arith.constant 0 : i32
      %ne3A_690 = arith.cmpi ne, %rem3A_688, %ne3A_689 : i32
      %lt3A_691 = arith.constant 0 : i32
      %lt3A_692 = arith.cmpi slt, %rem3A_688, %lt3A_691 : i32
      %lt3A_693 = arith.constant 0 : i32
      %lt3A_694 = arith.cmpi slt, %select_n3A_687, %lt3A_693 : i32
      %ne3A_695 = arith.xori %lt3A_692, %lt3A_694 : i1
      %and3A_696 = arith.andi %ne3A_695, %ne3A_690 : i1
      %add3A_697 = arith.addi %rem3A_688, %select_n3A_687 : i32
      %select_n3A_698 = arith.select %and3A_696, %add3A_697, %rem3A_688 : i32
      %mul3A_699 = arith.constant 64 : i32
      %mul3A_700 = arith.muli %select_n3A_698, %mul3A_699 : i32
      %add3A_701 = arith.addi %mul3A_2, %mul3A_700 : i32
      %dma_start3A_702 = arith.constant 0 : i32
      %dma_start3A_703 = arith.constant 0 : i32
      %dma_start3A_704 = arith.constant 0 : i32
      %dma_start3A_705 = tpu.memref_slice %arg6[%dma_start3A_702, %dma_start3A_703, %dma_start3A_704] : memref<10x64x128xf32, #tpu.memory_space<vmem>> -> memref<1x64x128xf32, #tpu.memory_space<vmem>>
      %dma_start3A_706 = tpu.memref_squeeze %dma_start3A_705 : memref<1x64x128xf32, #tpu.memory_space<vmem>> -> memref<64x128xf32, #tpu.memory_space<vmem>>
      %dma_start3A_707 = arith.constant 0 : i32
      %dma_start3A_708 = tpu.memref_slice %arg4[%select_n3A_682, %add3A_701, %dma_start3A_707] : memref<20x16384x128xf32, #tpu.memory_space<hbm>> -> memref<1x64x128xf32, #tpu.memory_space<hbm>>
      %dma_start3A_709 = tpu.memref_squeeze %dma_start3A_708 : memref<1x64x128xf32, #tpu.memory_space<hbm>> -> memref<64x128xf32, #tpu.memory_space<hbm>>
      %dma_start3A_710 = arith.constant 0 : i32
      %dma_start3A_711 = tpu.memref_slice %arg4[%select_n3A_682, %add3A_701, %dma_start3A_710] : memref<20x16384x128xf32, #tpu.memory_space<hbm>> -> memref<1x64x128xf32, #tpu.memory_space<hbm>>
      %dma_start3A_712 = tpu.memref_squeeze %dma_start3A_711 : memref<1x64x128xf32, #tpu.memory_space<hbm>> -> memref<64x128xf32, #tpu.memory_space<hbm>>
      %dma_start3A_713 = arith.constant 0 : i32
      %dma_start3A_714 = arith.constant 0 : i32
      %dma_start3A_715 = tpu.memref_slice %arg6[%dma_start3A_702, %dma_start3A_713, %dma_start3A_714] : memref<10x64x128xf32, #tpu.memory_space<vmem>> -> memref<1x64x128xf32, #tpu.memory_space<vmem>>
      %dma_start3A_716 = tpu.memref_squeeze %dma_start3A_715 : memref<1x64x128xf32, #tpu.memory_space<vmem>> -> memref<64x128xf32, #tpu.memory_space<vmem>>
      tpu.enqueue_dma source(%dma_start3A_716 : memref<64x128xf32, #tpu.memory_space<vmem>>) target(%dma_start3A_712 : memref<64x128xf32, #tpu.memory_space<hbm>>) target_semaphore(%arg18 : memref<!tpu.dma_semaphore, #tpu.memory_space<semaphore_mem>>)
      %mul3A_717 = arith.constant 10 : i32
      %mul3A_718 = arith.muli %scan3A_610, %mul3A_717 : i32
      %add3A_719 = arith.constant 1 : i32
      %add3A_720 = arith.addi %mul3A_718, %add3A_719 : i32
      %jit3A_721 = arith.constant 8 : i32
      %div3A_722 = arith.divsi %add3A_720, %jit3A_721 : i32
      %sign3A_723 = arith.constant 0 : i32
      %sign3A_724 = arith.cmpi sgt, %add3A_720, %sign3A_723 : i32
      %sign3A_725 = arith.extui %sign3A_724 : i1 to i32
      %sign3A_726 = arith.constant 0 : i32
      %sign3A_727 = arith.cmpi slt, %add3A_720, %sign3A_726 : i32
      %sign3A_728 = arith.extui %sign3A_727 : i1 to i32
      %sign3A_729 = arith.subi %sign3A_725, %sign3A_728 : i32
      %sign3A_730 = arith.constant 0 : i32
      %sign3A_731 = arith.cmpi sgt, %jit3A_721, %sign3A_730 : i32
      %sign3A_732 = arith.extui %sign3A_731 : i1 to i32
      %sign3A_733 = arith.constant 0 : i32
      %sign3A_734 = arith.cmpi slt, %jit3A_721, %sign3A_733 : i32
      %sign3A_735 = arith.extui %sign3A_734 : i1 to i32
      %sign3A_736 = arith.subi %sign3A_732, %sign3A_735 : i32
      %ne3A_737 = arith.cmpi ne, %sign3A_729, %sign3A_736 : i32
      %rem3A_738 = arith.remsi %add3A_720, %jit3A_721 : i32
      %ne3A_739 = arith.constant 0 : i32
      %ne3A_740 = arith.cmpi ne, %rem3A_738, %ne3A_739 : i32
      %and3A_741 = arith.andi %ne3A_737, %ne3A_740 : i1
      %sub3A_742 = arith.constant 1 : i32
      %sub3A_743 = arith.subi %div3A_722, %sub3A_742 : i32
      %select_n3A_744 = arith.select %and3A_741, %sub3A_743, %div3A_722 : i32
      %jit3A_745 = arith.constant 8 : i32
      %eq3A_746 = arith.constant 0 : i32
      %eq3A_747 = arith.cmpi eq, %jit3A_745, %eq3A_746 : i32
      %jit3A_748 = arith.constant 1 : i32
      %select_n3A_749 = arith.select %eq3A_747, %jit3A_748, %jit3A_745 : i32
      %rem3A_750 = arith.remsi %add3A_720, %select_n3A_749 : i32
      %ne3A_751 = arith.constant 0 : i32
      %ne3A_752 = arith.cmpi ne, %rem3A_750, %ne3A_751 : i32
      %lt3A_753 = arith.constant 0 : i32
      %lt3A_754 = arith.cmpi slt, %rem3A_750, %lt3A_753 : i32
      %lt3A_755 = arith.constant 0 : i32
      %lt3A_756 = arith.cmpi slt, %select_n3A_749, %lt3A_755 : i32
      %ne3A_757 = arith.xori %lt3A_754, %lt3A_756 : i1
      %and3A_758 = arith.andi %ne3A_757, %ne3A_752 : i1
      %add3A_759 = arith.addi %rem3A_750, %select_n3A_749 : i32
      %select_n3A_760 = arith.select %and3A_758, %add3A_759, %rem3A_750 : i32
      %mul3A_761 = arith.constant 64 : i32
      %mul3A_762 = arith.muli %select_n3A_760, %mul3A_761 : i32
      %add3A_763 = arith.constant 0 : i32
      %add3A_764 = arith.addi %mul3A_762, %add3A_763 : i32
      %dma_wait3A_765 = arith.constant 1 : i32
      %dma_wait3A_766 = arith.constant 0 : i32
      %dma_wait3A_767 = arith.constant 0 : i32
      %dma_wait3A_768 = tpu.memref_slice %arg6[%dma_wait3A_765, %dma_wait3A_766, %dma_wait3A_767] : memref<10x64x128xf32, #tpu.memory_space<vmem>> -> memref<1x64x128xf32, #tpu.memory_space<vmem>>
      %dma_wait3A_769 = tpu.memref_squeeze %dma_wait3A_768 : memref<1x64x128xf32, #tpu.memory_space<vmem>> -> memref<64x128xf32, #tpu.memory_space<vmem>>
      %dma_wait3A_770 = tpu.memref_slice %arg5[%select_n3A_744, %add3A_764] : memref<20x512xi32, #tpu.memory_space<vmem>> -> memref<1x64xi32, #tpu.memory_space<vmem>>
      %dma_wait3A_771 = tpu.memref_squeeze %dma_wait3A_770 : memref<1x64xi32, #tpu.memory_space<vmem>> -> memref<64xi32, #tpu.memory_space<vmem>>
      %dma_wait3A_772 = arith.constant 0 : i32
      %dma_wait3A_773 = arith.constant 0 : i32
      %dma_wait3A_774 = tpu.memref_slice %arg7[%dma_wait3A_772, %dma_wait3A_773] : memref<1024x128xf32, #tpu.memory_space<vmem_shared>> -> memref<1024x128xf32, #tpu.memory_space<vmem_shared>>
      tpu.wait_indirect_dma semaphore(%arg9 : memref<!tpu.dma_semaphore, #tpu.memory_space<semaphore_mem>>) src(%dma_wait3A_774 : memref<1024x128xf32, #tpu.memory_space<vmem_shared>>) dst(%dma_wait3A_769 : memref<64x128xf32, #tpu.memory_space<vmem>>)
      %jit3A_775 = arith.constant 8 : i32
      %div3A_776 = arith.divsi %add3A_720, %jit3A_775 : i32
      %sign3A_777 = arith.constant 0 : i32
      %sign3A_778 = arith.cmpi sgt, %add3A_720, %sign3A_777 : i32
      %sign3A_779 = arith.extui %sign3A_778 : i1 to i32
      %sign3A_780 = arith.constant 0 : i32
      %sign3A_781 = arith.cmpi slt, %add3A_720, %sign3A_780 : i32
      %sign3A_782 = arith.extui %sign3A_781 : i1 to i32
      %sign3A_783 = arith.subi %sign3A_779, %sign3A_782 : i32
      %sign3A_784 = arith.constant 0 : i32
      %sign3A_785 = arith.cmpi sgt, %jit3A_775, %sign3A_784 : i32
      %sign3A_786 = arith.extui %sign3A_785 : i1 to i32
      %sign3A_787 = arith.constant 0 : i32
      %sign3A_788 = arith.cmpi slt, %jit3A_775, %sign3A_787 : i32
      %sign3A_789 = arith.extui %sign3A_788 : i1 to i32
      %sign3A_790 = arith.subi %sign3A_786, %sign3A_789 : i32
      %ne3A_791 = arith.cmpi ne, %sign3A_783, %sign3A_790 : i32
      %rem3A_792 = arith.remsi %add3A_720, %jit3A_775 : i32
      %ne3A_793 = arith.constant 0 : i32
      %ne3A_794 = arith.cmpi ne, %rem3A_792, %ne3A_793 : i32
      %and3A_795 = arith.andi %ne3A_791, %ne3A_794 : i1
      %sub3A_796 = arith.constant 1 : i32
      %sub3A_797 = arith.subi %div3A_776, %sub3A_796 : i32
      %select_n3A_798 = arith.select %and3A_795, %sub3A_797, %div3A_776 : i32
      %jit3A_799 = arith.constant 8 : i32
      %eq3A_800 = arith.constant 0 : i32
      %eq3A_801 = arith.cmpi eq, %jit3A_799, %eq3A_800 : i32
      %jit3A_802 = arith.constant 1 : i32
      %select_n3A_803 = arith.select %eq3A_801, %jit3A_802, %jit3A_799 : i32
      %rem3A_804 = arith.remsi %add3A_720, %select_n3A_803 : i32
      %ne3A_805 = arith.constant 0 : i32
      %ne3A_806 = arith.cmpi ne, %rem3A_804, %ne3A_805 : i32
      %lt3A_807 = arith.constant 0 : i32
      %lt3A_808 = arith.cmpi slt, %rem3A_804, %lt3A_807 : i32
      %lt3A_809 = arith.constant 0 : i32
      %lt3A_810 = arith.cmpi slt, %select_n3A_803, %lt3A_809 : i32
      %ne3A_811 = arith.xori %lt3A_808, %lt3A_810 : i1
      %and3A_812 = arith.andi %ne3A_811, %ne3A_806 : i1
      %add3A_813 = arith.addi %rem3A_804, %select_n3A_803 : i32
      %select_n3A_814 = arith.select %and3A_812, %add3A_813, %rem3A_804 : i32
      %mul3A_815 = arith.constant 64 : i32
      %mul3A_816 = arith.muli %select_n3A_814, %mul3A_815 : i32
      %add3A_817 = arith.addi %mul3A_2, %mul3A_816 : i32
      %dma_start3A_818 = arith.constant 1 : i32
      %dma_start3A_819 = arith.constant 0 : i32
      %dma_start3A_820 = arith.constant 0 : i32
      %dma_start3A_821 = tpu.memref_slice %arg6[%dma_start3A_818, %dma_start3A_819, %dma_start3A_820] : memref<10x64x128xf32, #tpu.memory_space<vmem>> -> memref<1x64x128xf32, #tpu.memory_space<vmem>>
      %dma_start3A_822 = tpu.memref_squeeze %dma_start3A_821 : memref<1x64x128xf32, #tpu.memory_space<vmem>> -> memref<64x128xf32, #tpu.memory_space<vmem>>
      %dma_start3A_823 = arith.constant 0 : i32
      %dma_start3A_824 = tpu.memref_slice %arg4[%select_n3A_798, %add3A_817, %dma_start3A_823] : memref<20x16384x128xf32, #tpu.memory_space<hbm>> -> memref<1x64x128xf32, #tpu.memory_space<hbm>>
      %dma_start3A_825 = tpu.memref_squeeze %dma_start3A_824 : memref<1x64x128xf32, #tpu.memory_space<hbm>> -> memref<64x128xf32, #tpu.memory_space<hbm>>
      %dma_start3A_826 = arith.constant 0 : i32
      %dma_start3A_827 = tpu.memref_slice %arg4[%select_n3A_798, %add3A_817, %dma_start3A_826] : memref<20x16384x128xf32, #tpu.memory_space<hbm>> -> memref<1x64x128xf32, #tpu.memory_space<hbm>>
      %dma_start3A_828 = tpu.memref_squeeze %dma_start3A_827 : memref<1x64x128xf32, #tpu.memory_space<hbm>> -> memref<64x128xf32, #tpu.memory_space<hbm>>
      %dma_start3A_829 = arith.constant 0 : i32
      %dma_start3A_830 = arith.constant 0 : i32
      %dma_start3A_831 = tpu.memref_slice %arg6[%dma_start3A_818, %dma_start3A_829, %dma_start3A_830] : memref<10x64x128xf32, #tpu.memory_space<vmem>> -> memref<1x64x128xf32, #tpu.memory_space<vmem>>
      %dma_start3A_832 = tpu.memref_squeeze %dma_start3A_831 : memref<1x64x128xf32, #tpu.memory_space<vmem>> -> memref<64x128xf32, #tpu.memory_space<vmem>>
      tpu.enqueue_dma source(%dma_start3A_832 : memref<64x128xf32, #tpu.memory_space<vmem>>) target(%dma_start3A_828 : memref<64x128xf32, #tpu.memory_space<hbm>>) target_semaphore(%arg19 : memref<!tpu.dma_semaphore, #tpu.memory_space<semaphore_mem>>)
      %mul3A_833 = arith.constant 10 : i32
      %mul3A_834 = arith.muli %scan3A_610, %mul3A_833 : i32
      %add3A_835 = arith.constant 2 : i32
      %add3A_836 = arith.addi %mul3A_834, %add3A_835 : i32
      %jit3A_837 = arith.constant 8 : i32
      %div3A_838 = arith.divsi %add3A_836, %jit3A_837 : i32
      %sign3A_839 = arith.constant 0 : i32
      %sign3A_840 = arith.cmpi sgt, %add3A_836, %sign3A_839 : i32
      %sign3A_841 = arith.extui %sign3A_840 : i1 to i32
      %sign3A_842 = arith.constant 0 : i32
      %sign3A_843 = arith.cmpi slt, %add3A_836, %sign3A_842 : i32
      %sign3A_844 = arith.extui %sign3A_843 : i1 to i32
      %sign3A_845 = arith.subi %sign3A_841, %sign3A_844 : i32
      %sign3A_846 = arith.constant 0 : i32
      %sign3A_847 = arith.cmpi sgt, %jit3A_837, %sign3A_846 : i32
      %sign3A_848 = arith.extui %sign3A_847 : i1 to i32
      %sign3A_849 = arith.constant 0 : i32
      %sign3A_850 = arith.cmpi slt, %jit3A_837, %sign3A_849 : i32
      %sign3A_851 = arith.extui %sign3A_850 : i1 to i32
      %sign3A_852 = arith.subi %sign3A_848, %sign3A_851 : i32
      %ne3A_853 = arith.cmpi ne, %sign3A_845, %sign3A_852 : i32
      %rem3A_854 = arith.remsi %add3A_836, %jit3A_837 : i32
      %ne3A_855 = arith.constant 0 : i32
      %ne3A_856 = arith.cmpi ne, %rem3A_854, %ne3A_855 : i32
      %and3A_857 = arith.andi %ne3A_853, %ne3A_856 : i1
      %sub3A_858 = arith.constant 1 : i32
      %sub3A_859 = arith.subi %div3A_838, %sub3A_858 : i32
      %select_n3A_860 = arith.select %and3A_857, %sub3A_859, %div3A_838 : i32
      %jit3A_861 = arith.constant 8 : i32
      %eq3A_862 = arith.constant 0 : i32
      %eq3A_863 = arith.cmpi eq, %jit3A_861, %eq3A_862 : i32
      %jit3A_864 = arith.constant 1 : i32
      %select_n3A_865 = arith.select %eq3A_863, %jit3A_864, %jit3A_861 : i32
      %rem3A_866 = arith.remsi %add3A_836, %select_n3A_865 : i32
      %ne3A_867 = arith.constant 0 : i32
      %ne3A_868 = arith.cmpi ne, %rem3A_866, %ne3A_867 : i32
      %lt3A_869 = arith.constant 0 : i32
      %lt3A_870 = arith.cmpi slt, %rem3A_866, %lt3A_869 : i32
      %lt3A_871 = arith.constant 0 : i32
      %lt3A_872 = arith.cmpi slt, %select_n3A_865, %lt3A_871 : i32
      %ne3A_873 = arith.xori %lt3A_870, %lt3A_872 : i1
      %and3A_874 = arith.andi %ne3A_873, %ne3A_868 : i1
      %add3A_875 = arith.addi %rem3A_866, %select_n3A_865 : i32
      %select_n3A_876 = arith.select %and3A_874, %add3A_875, %rem3A_866 : i32
      %mul3A_877 = arith.constant 64 : i32
      %mul3A_878 = arith.muli %select_n3A_876, %mul3A_877 : i32
      %add3A_879 = arith.constant 0 : i32
      %add3A_880 = arith.addi %mul3A_878, %add3A_879 : i32
      %dma_wait3A_881 = arith.constant 2 : i32
      %dma_wait3A_882 = arith.constant 0 : i32
      %dma_wait3A_883 = arith.constant 0 : i32
      %dma_wait3A_884 = tpu.memref_slice %arg6[%dma_wait3A_881, %dma_wait3A_882, %dma_wait3A_883] : memref<10x64x128xf32, #tpu.memory_space<vmem>> -> memref<1x64x128xf32, #tpu.memory_space<vmem>>
      %dma_wait3A_885 = tpu.memref_squeeze %dma_wait3A_884 : memref<1x64x128xf32, #tpu.memory_space<vmem>> -> memref<64x128xf32, #tpu.memory_space<vmem>>
      %dma_wait3A_886 = tpu.memref_slice %arg5[%select_n3A_860, %add3A_880] : memref<20x512xi32, #tpu.memory_space<vmem>> -> memref<1x64xi32, #tpu.memory_space<vmem>>
      %dma_wait3A_887 = tpu.memref_squeeze %dma_wait3A_886 : memref<1x64xi32, #tpu.memory_space<vmem>> -> memref<64xi32, #tpu.memory_space<vmem>>
      %dma_wait3A_888 = arith.constant 0 : i32
      %dma_wait3A_889 = arith.constant 0 : i32
      %dma_wait3A_890 = tpu.memref_slice %arg7[%dma_wait3A_888, %dma_wait3A_889] : memref<1024x128xf32, #tpu.memory_space<vmem_shared>> -> memref<1024x128xf32, #tpu.memory_space<vmem_shared>>
      tpu.wait_indirect_dma semaphore(%arg10 : memref<!tpu.dma_semaphore, #tpu.memory_space<semaphore_mem>>) src(%dma_wait3A_890 : memref<1024x128xf32, #tpu.memory_space<vmem_shared>>) dst(%dma_wait3A_885 : memref<64x128xf32, #tpu.memory_space<vmem>>)
      %jit3A_891 = arith.constant 8 : i32
      %div3A_892 = arith.divsi %add3A_836, %jit3A_891 : i32
      %sign3A_893 = arith.constant 0 : i32
      %sign3A_894 = arith.cmpi sgt, %add3A_836, %sign3A_893 : i32
      %sign3A_895 = arith.extui %sign3A_894 : i1 to i32
      %sign3A_896 = arith.constant 0 : i32
      %sign3A_897 = arith.cmpi slt, %add3A_836, %sign3A_896 : i32
      %sign3A_898 = arith.extui %sign3A_897 : i1 to i32
      %sign3A_899 = arith.subi %sign3A_895, %sign3A_898 : i32
      %sign3A_900 = arith.constant 0 : i32
      %sign3A_901 = arith.cmpi sgt, %jit3A_891, %sign3A_900 : i32
      %sign3A_902 = arith.extui %sign3A_901 : i1 to i32
      %sign3A_903 = arith.constant 0 : i32
      %sign3A_904 = arith.cmpi slt, %jit3A_891, %sign3A_903 : i32
      %sign3A_905 = arith.extui %sign3A_904 : i1 to i32
      %sign3A_906 = arith.subi %sign3A_902, %sign3A_905 : i32
      %ne3A_907 = arith.cmpi ne, %sign3A_899, %sign3A_906 : i32
      %rem3A_908 = arith.remsi %add3A_836, %jit3A_891 : i32
      %ne3A_909 = arith.constant 0 : i32
      %ne3A_910 = arith.cmpi ne, %rem3A_908, %ne3A_909 : i32
      %and3A_911 = arith.andi %ne3A_907, %ne3A_910 : i1
      %sub3A_912 = arith.constant 1 : i32
      %sub3A_913 = arith.subi %div3A_892, %sub3A_912 : i32
      %select_n3A_914 = arith.select %and3A_911, %sub3A_913, %div3A_892 : i32
      %jit3A_915 = arith.constant 8 : i32
      %eq3A_916 = arith.constant 0 : i32
      %eq3A_917 = arith.cmpi eq, %jit3A_915, %eq3A_916 : i32
      %jit3A_918 = arith.constant 1 : i32
      %select_n3A_919 = arith.select %eq3A_917, %jit3A_918, %jit3A_915 : i32
      %rem3A_920 = arith.remsi %add3A_836, %select_n3A_919 : i32
      %ne3A_921 = arith.constant 0 : i32
      %ne3A_922 = arith.cmpi ne, %rem3A_920, %ne3A_921 : i32
      %lt3A_923 = arith.constant 0 : i32
      %lt3A_924 = arith.cmpi slt, %rem3A_920, %lt3A_923 : i32
      %lt3A_925 = arith.constant 0 : i32
      %lt3A_926 = arith.cmpi slt, %select_n3A_919, %lt3A_925 : i32
      %ne3A_927 = arith.xori %lt3A_924, %lt3A_926 : i1
      %and3A_928 = arith.andi %ne3A_927, %ne3A_922 : i1
      %add3A_929 = arith.addi %rem3A_920, %select_n3A_919 : i32
      %select_n3A_930 = arith.select %and3A_928, %add3A_929, %rem3A_920 : i32
      %mul3A_931 = arith.constant 64 : i32
      %mul3A_932 = arith.muli %select_n3A_930, %mul3A_931 : i32
      %add3A_933 = arith.addi %mul3A_2, %mul3A_932 : i32
      %dma_start3A_934 = arith.constant 2 : i32
      %dma_start3A_935 = arith.constant 0 : i32
      %dma_start3A_936 = arith.constant 0 : i32
      %dma_start3A_937 = tpu.memref_slice %arg6[%dma_start3A_934, %dma_start3A_935, %dma_start3A_936] : memref<10x64x128xf32, #tpu.memory_space<vmem>> -> memref<1x64x128xf32, #tpu.memory_space<vmem>>
      %dma_start3A_938 = tpu.memref_squeeze %dma_start3A_937 : memref<1x64x128xf32, #tpu.memory_space<vmem>> -> memref<64x128xf32, #tpu.memory_space<vmem>>
      %dma_start3A_939 = arith.constant 0 : i32
      %dma_start3A_940 = tpu.memref_slice %arg4[%select_n3A_914, %add3A_933, %dma_start3A_939] : memref<20x16384x128xf32, #tpu.memory_space<hbm>> -> memref<1x64x128xf32, #tpu.memory_space<hbm>>
      %dma_start3A_941 = tpu.memref_squeeze %dma_start3A_940 : memref<1x64x128xf32, #tpu.memory_space<hbm>> -> memref<64x128xf32, #tpu.memory_space<hbm>>
      %dma_start3A_942 = arith.constant 0 : i32
      %dma_start3A_943 = tpu.memref_slice %arg4[%select_n3A_914, %add3A_933, %dma_start3A_942] : memref<20x16384x128xf32, #tpu.memory_space<hbm>> -> memref<1x64x128xf32, #tpu.memory_space<hbm>>
      %dma_start3A_944 = tpu.memref_squeeze %dma_start3A_943 : memref<1x64x128xf32, #tpu.memory_space<hbm>> -> memref<64x128xf32, #tpu.memory_space<hbm>>
      %dma_start3A_945 = arith.constant 0 : i32
      %dma_start3A_946 = arith.constant 0 : i32
      %dma_start3A_947 = tpu.memref_slice %arg6[%dma_start3A_934, %dma_start3A_945, %dma_start3A_946] : memref<10x64x128xf32, #tpu.memory_space<vmem>> -> memref<1x64x128xf32, #tpu.memory_space<vmem>>
      %dma_start3A_948 = tpu.memref_squeeze %dma_start3A_947 : memref<1x64x128xf32, #tpu.memory_space<vmem>> -> memref<64x128xf32, #tpu.memory_space<vmem>>
      tpu.enqueue_dma source(%dma_start3A_948 : memref<64x128xf32, #tpu.memory_space<vmem>>) target(%dma_start3A_944 : memref<64x128xf32, #tpu.memory_space<hbm>>) target_semaphore(%arg20 : memref<!tpu.dma_semaphore, #tpu.memory_space<semaphore_mem>>)
      %mul3A_949 = arith.constant 10 : i32
      %mul3A_950 = arith.muli %scan3A_610, %mul3A_949 : i32
      %add3A_951 = arith.constant 3 : i32
      %add3A_952 = arith.addi %mul3A_950, %add3A_951 : i32
      %jit3A_953 = arith.constant 8 : i32
      %div3A_954 = arith.divsi %add3A_952, %jit3A_953 : i32
      %sign3A_955 = arith.constant 0 : i32
      %sign3A_956 = arith.cmpi sgt, %add3A_952, %sign3A_955 : i32
      %sign3A_957 = arith.extui %sign3A_956 : i1 to i32
      %sign3A_958 = arith.constant 0 : i32
      %sign3A_959 = arith.cmpi slt, %add3A_952, %sign3A_958 : i32
      %sign3A_960 = arith.extui %sign3A_959 : i1 to i32
      %sign3A_961 = arith.subi %sign3A_957, %sign3A_960 : i32
      %sign3A_962 = arith.constant 0 : i32
      %sign3A_963 = arith.cmpi sgt, %jit3A_953, %sign3A_962 : i32
      %sign3A_964 = arith.extui %sign3A_963 : i1 to i32
      %sign3A_965 = arith.constant 0 : i32
      %sign3A_966 = arith.cmpi slt, %jit3A_953, %sign3A_965 : i32
      %sign3A_967 = arith.extui %sign3A_966 : i1 to i32
      %sign3A_968 = arith.subi %sign3A_964, %sign3A_967 : i32
      %ne3A_969 = arith.cmpi ne, %sign3A_961, %sign3A_968 : i32
      %rem3A_970 = arith.remsi %add3A_952, %jit3A_953 : i32
      %ne3A_971 = arith.constant 0 : i32
      %ne3A_972 = arith.cmpi ne, %rem3A_970, %ne3A_971 : i32
      %and3A_973 = arith.andi %ne3A_969, %ne3A_972 : i1
      %sub3A_974 = arith.constant 1 : i32
      %sub3A_975 = arith.subi %div3A_954, %sub3A_974 : i32
      %select_n3A_976 = arith.select %and3A_973, %sub3A_975, %div3A_954 : i32
      %jit3A_977 = arith.constant 8 : i32
      %eq3A_978 = arith.constant 0 : i32
      %eq3A_979 = arith.cmpi eq, %jit3A_977, %eq3A_978 : i32
      %jit3A_980 = arith.constant 1 : i32
      %select_n3A_981 = arith.select %eq3A_979, %jit3A_980, %jit3A_977 : i32
      %rem3A_982 = arith.remsi %add3A_952, %select_n3A_981 : i32
      %ne3A_983 = arith.constant 0 : i32
      %ne3A_984 = arith.cmpi ne, %rem3A_982, %ne3A_983 : i32
      %lt3A_985 = arith.constant 0 : i32
      %lt3A_986 = arith.cmpi slt, %rem3A_982, %lt3A_985 : i32
      %lt3A_987 = arith.constant 0 : i32
      %lt3A_988 = arith.cmpi slt, %select_n3A_981, %lt3A_987 : i32
      %ne3A_989 = arith.xori %lt3A_986, %lt3A_988 : i1
      %and3A_990 = arith.andi %ne3A_989, %ne3A_984 : i1
      %add3A_991 = arith.addi %rem3A_982, %select_n3A_981 : i32
      %select_n3A_992 = arith.select %and3A_990, %add3A_991, %rem3A_982 : i32
      %mul3A_993 = arith.constant 64 : i32
      %mul3A_994 = arith.muli %select_n3A_992, %mul3A_993 : i32
      %add3A_995 = arith.constant 0 : i32
      %add3A_996 = arith.addi %mul3A_994, %add3A_995 : i32
      %dma_wait3A_997 = arith.constant 3 : i32
      %dma_wait3A_998 = arith.constant 0 : i32
      %dma_wait3A_999 = arith.constant 0 : i32
      %dma_wait3A_1000 = tpu.memref_slice %arg6[%dma_wait3A_997, %dma_wait3A_998, %dma_wait3A_999] : memref<10x64x128xf32, #tpu.memory_space<vmem>> -> memref<1x64x128xf32, #tpu.memory_space<vmem>>
      %dma_wait3A_1001 = tpu.memref_squeeze %dma_wait3A_1000 : memref<1x64x128xf32, #tpu.memory_space<vmem>> -> memref<64x128xf32, #tpu.memory_space<vmem>>
      %dma_wait3A_1002 = tpu.memref_slice %arg5[%select_n3A_976, %add3A_996] : memref<20x512xi32, #tpu.memory_space<vmem>> -> memref<1x64xi32, #tpu.memory_space<vmem>>
      %dma_wait3A_1003 = tpu.memref_squeeze %dma_wait3A_1002 : memref<1x64xi32, #tpu.memory_space<vmem>> -> memref<64xi32, #tpu.memory_space<vmem>>
      %dma_wait3A_1004 = arith.constant 0 : i32
      %dma_wait3A_1005 = arith.constant 0 : i32
      %dma_wait3A_1006 = tpu.memref_slice %arg7[%dma_wait3A_1004, %dma_wait3A_1005] : memref<1024x128xf32, #tpu.memory_space<vmem_shared>> -> memref<1024x128xf32, #tpu.memory_space<vmem_shared>>
      tpu.wait_indirect_dma semaphore(%arg11 : memref<!tpu.dma_semaphore, #tpu.memory_space<semaphore_mem>>) src(%dma_wait3A_1006 : memref<1024x128xf32, #tpu.memory_space<vmem_shared>>) dst(%dma_wait3A_1001 : memref<64x128xf32, #tpu.memory_space<vmem>>)
      %jit3A_1007 = arith.constant 8 : i32
      %div3A_1008 = arith.divsi %add3A_952, %jit3A_1007 : i32
      %sign3A_1009 = arith.constant 0 : i32
      %sign3A_1010 = arith.cmpi sgt, %add3A_952, %sign3A_1009 : i32
      %sign3A_1011 = arith.extui %sign3A_1010 : i1 to i32
      %sign3A_1012 = arith.constant 0 : i32
      %sign3A_1013 = arith.cmpi slt, %add3A_952, %sign3A_1012 : i32
      %sign3A_1014 = arith.extui %sign3A_1013 : i1 to i32
      %sign3A_1015 = arith.subi %sign3A_1011, %sign3A_1014 : i32
      %sign3A_1016 = arith.constant 0 : i32
      %sign3A_1017 = arith.cmpi sgt, %jit3A_1007, %sign3A_1016 : i32
      %sign3A_1018 = arith.extui %sign3A_1017 : i1 to i32
      %sign3A_1019 = arith.constant 0 : i32
      %sign3A_1020 = arith.cmpi slt, %jit3A_1007, %sign3A_1019 : i32
      %sign3A_1021 = arith.extui %sign3A_1020 : i1 to i32
      %sign3A_1022 = arith.subi %sign3A_1018, %sign3A_1021 : i32
      %ne3A_1023 = arith.cmpi ne, %sign3A_1015, %sign3A_1022 : i32
      %rem3A_1024 = arith.remsi %add3A_952, %jit3A_1007 : i32
      %ne3A_1025 = arith.constant 0 : i32
      %ne3A_1026 = arith.cmpi ne, %rem3A_1024, %ne3A_1025 : i32
      %and3A_1027 = arith.andi %ne3A_1023, %ne3A_1026 : i1
      %sub3A_1028 = arith.constant 1 : i32
      %sub3A_1029 = arith.subi %div3A_1008, %sub3A_1028 : i32
      %select_n3A_1030 = arith.select %and3A_1027, %sub3A_1029, %div3A_1008 : i32
      %jit3A_1031 = arith.constant 8 : i32
      %eq3A_1032 = arith.constant 0 : i32
      %eq3A_1033 = arith.cmpi eq, %jit3A_1031, %eq3A_1032 : i32
      %jit3A_1034 = arith.constant 1 : i32
      %select_n3A_1035 = arith.select %eq3A_1033, %jit3A_1034, %jit3A_1031 : i32
      %rem3A_1036 = arith.remsi %add3A_952, %select_n3A_1035 : i32
      %ne3A_1037 = arith.constant 0 : i32
      %ne3A_1038 = arith.cmpi ne, %rem3A_1036, %ne3A_1037 : i32
      %lt3A_1039 = arith.constant 0 : i32
      %lt3A_1040 = arith.cmpi slt, %rem3A_1036, %lt3A_1039 : i32
      %lt3A_1041 = arith.constant 0 : i32
      %lt3A_1042 = arith.cmpi slt, %select_n3A_1035, %lt3A_1041 : i32
      %ne3A_1043 = arith.xori %lt3A_1040, %lt3A_1042 : i1
      %and3A_1044 = arith.andi %ne3A_1043, %ne3A_1038 : i1
      %add3A_1045 = arith.addi %rem3A_1036, %select_n3A_1035 : i32
      %select_n3A_1046 = arith.select %and3A_1044, %add3A_1045, %rem3A_1036 : i32
      %mul3A_1047 = arith.constant 64 : i32
      %mul3A_1048 = arith.muli %select_n3A_1046, %mul3A_1047 : i32
      %add3A_1049 = arith.addi %mul3A_2, %mul3A_1048 : i32
      %dma_start3A_1050 = arith.constant 3 : i32
      %dma_start3A_1051 = arith.constant 0 : i32
      %dma_start3A_1052 = arith.constant 0 : i32
      %dma_start3A_1053 = tpu.memref_slice %arg6[%dma_start3A_1050, %dma_start3A_1051, %dma_start3A_1052] : memref<10x64x128xf32, #tpu.memory_space<vmem>> -> memref<1x64x128xf32, #tpu.memory_space<vmem>>
      %dma_start3A_1054 = tpu.memref_squeeze %dma_start3A_1053 : memref<1x64x128xf32, #tpu.memory_space<vmem>> -> memref<64x128xf32, #tpu.memory_space<vmem>>
      %dma_start3A_1055 = arith.constant 0 : i32
      %dma_start3A_1056 = tpu.memref_slice %arg4[%select_n3A_1030, %add3A_1049, %dma_start3A_1055] : memref<20x16384x128xf32, #tpu.memory_space<hbm>> -> memref<1x64x128xf32, #tpu.memory_space<hbm>>
      %dma_start3A_1057 = tpu.memref_squeeze %dma_start3A_1056 : memref<1x64x128xf32, #tpu.memory_space<hbm>> -> memref<64x128xf32, #tpu.memory_space<hbm>>
      %dma_start3A_1058 = arith.constant 0 : i32
      %dma_start3A_1059 = tpu.memref_slice %arg4[%select_n3A_1030, %add3A_1049, %dma_start3A_1058] : memref<20x16384x128xf32, #tpu.memory_space<hbm>> -> memref<1x64x128xf32, #tpu.memory_space<hbm>>
      %dma_start3A_1060 = tpu.memref_squeeze %dma_start3A_1059 : memref<1x64x128xf32, #tpu.memory_space<hbm>> -> memref<64x128xf32, #tpu.memory_space<hbm>>
      %dma_start3A_1061 = arith.constant 0 : i32
      %dma_start3A_1062 = arith.constant 0 : i32
      %dma_start3A_1063 = tpu.memref_slice %arg6[%dma_start3A_1050, %dma_start3A_1061, %dma_start3A_1062] : memref<10x64x128xf32, #tpu.memory_space<vmem>> -> memref<1x64x128xf32, #tpu.memory_space<vmem>>
      %dma_start3A_1064 = tpu.memref_squeeze %dma_start3A_1063 : memref<1x64x128xf32, #tpu.memory_space<vmem>> -> memref<64x128xf32, #tpu.memory_space<vmem>>
      tpu.enqueue_dma source(%dma_start3A_1064 : memref<64x128xf32, #tpu.memory_space<vmem>>) target(%dma_start3A_1060 : memref<64x128xf32, #tpu.memory_space<hbm>>) target_semaphore(%arg21 : memref<!tpu.dma_semaphore, #tpu.memory_space<semaphore_mem>>)
      %mul3A_1065 = arith.constant 10 : i32
      %mul3A_1066 = arith.muli %scan3A_610, %mul3A_1065 : i32
      %add3A_1067 = arith.constant 4 : i32
      %add3A_1068 = arith.addi %mul3A_1066, %add3A_1067 : i32
      %jit3A_1069 = arith.constant 8 : i32
      %div3A_1070 = arith.divsi %add3A_1068, %jit3A_1069 : i32
      %sign3A_1071 = arith.constant 0 : i32
      %sign3A_1072 = arith.cmpi sgt, %add3A_1068, %sign3A_1071 : i32
      %sign3A_1073 = arith.extui %sign3A_1072 : i1 to i32
      %sign3A_1074 = arith.constant 0 : i32
      %sign3A_1075 = arith.cmpi slt, %add3A_1068, %sign3A_1074 : i32
      %sign3A_1076 = arith.extui %sign3A_1075 : i1 to i32
      %sign3A_1077 = arith.subi %sign3A_1073, %sign3A_1076 : i32
      %sign3A_1078 = arith.constant 0 : i32
      %sign3A_1079 = arith.cmpi sgt, %jit3A_1069, %sign3A_1078 : i32
      %sign3A_1080 = arith.extui %sign3A_1079 : i1 to i32
      %sign3A_1081 = arith.constant 0 : i32
      %sign3A_1082 = arith.cmpi slt, %jit3A_1069, %sign3A_1081 : i32
      %sign3A_1083 = arith.extui %sign3A_1082 : i1 to i32
      %sign3A_1084 = arith.subi %sign3A_1080, %sign3A_1083 : i32
      %ne3A_1085 = arith.cmpi ne, %sign3A_1077, %sign3A_1084 : i32
      %rem3A_1086 = arith.remsi %add3A_1068, %jit3A_1069 : i32
      %ne3A_1087 = arith.constant 0 : i32
      %ne3A_1088 = arith.cmpi ne, %rem3A_1086, %ne3A_1087 : i32
      %and3A_1089 = arith.andi %ne3A_1085, %ne3A_1088 : i1
      %sub3A_1090 = arith.constant 1 : i32
      %sub3A_1091 = arith.subi %div3A_1070, %sub3A_1090 : i32
      %select_n3A_1092 = arith.select %and3A_1089, %sub3A_1091, %div3A_1070 : i32
      %jit3A_1093 = arith.constant 8 : i32
      %eq3A_1094 = arith.constant 0 : i32
      %eq3A_1095 = arith.cmpi eq, %jit3A_1093, %eq3A_1094 : i32
      %jit3A_1096 = arith.constant 1 : i32
      %select_n3A_1097 = arith.select %eq3A_1095, %jit3A_1096, %jit3A_1093 : i32
      %rem3A_1098 = arith.remsi %add3A_1068, %select_n3A_1097 : i32
      %ne3A_1099 = arith.constant 0 : i32
      %ne3A_1100 = arith.cmpi ne, %rem3A_1098, %ne3A_1099 : i32
      %lt3A_1101 = arith.constant 0 : i32
      %lt3A_1102 = arith.cmpi slt, %rem3A_1098, %lt3A_1101 : i32
      %lt3A_1103 = arith.constant 0 : i32
      %lt3A_1104 = arith.cmpi slt, %select_n3A_1097, %lt3A_1103 : i32
      %ne3A_1105 = arith.xori %lt3A_1102, %lt3A_1104 : i1
      %and3A_1106 = arith.andi %ne3A_1105, %ne3A_1100 : i1
      %add3A_1107 = arith.addi %rem3A_1098, %select_n3A_1097 : i32
      %select_n3A_1108 = arith.select %and3A_1106, %add3A_1107, %rem3A_1098 : i32
      %mul3A_1109 = arith.constant 64 : i32
      %mul3A_1110 = arith.muli %select_n3A_1108, %mul3A_1109 : i32
      %add3A_1111 = arith.constant 0 : i32
      %add3A_1112 = arith.addi %mul3A_1110, %add3A_1111 : i32
      %dma_wait3A_1113 = arith.constant 4 : i32
      %dma_wait3A_1114 = arith.constant 0 : i32
      %dma_wait3A_1115 = arith.constant 0 : i32
      %dma_wait3A_1116 = tpu.memref_slice %arg6[%dma_wait3A_1113, %dma_wait3A_1114, %dma_wait3A_1115] : memref<10x64x128xf32, #tpu.memory_space<vmem>> -> memref<1x64x128xf32, #tpu.memory_space<vmem>>
      %dma_wait3A_1117 = tpu.memref_squeeze %dma_wait3A_1116 : memref<1x64x128xf32, #tpu.memory_space<vmem>> -> memref<64x128xf32, #tpu.memory_space<vmem>>
      %dma_wait3A_1118 = tpu.memref_slice %arg5[%select_n3A_1092, %add3A_1112] : memref<20x512xi32, #tpu.memory_space<vmem>> -> memref<1x64xi32, #tpu.memory_space<vmem>>
      %dma_wait3A_1119 = tpu.memref_squeeze %dma_wait3A_1118 : memref<1x64xi32, #tpu.memory_space<vmem>> -> memref<64xi32, #tpu.memory_space<vmem>>
      %dma_wait3A_1120 = arith.constant 0 : i32
      %dma_wait3A_1121 = arith.constant 0 : i32
      %dma_wait3A_1122 = tpu.memref_slice %arg7[%dma_wait3A_1120, %dma_wait3A_1121] : memref<1024x128xf32, #tpu.memory_space<vmem_shared>> -> memref<1024x128xf32, #tpu.memory_space<vmem_shared>>
      tpu.wait_indirect_dma semaphore(%arg12 : memref<!tpu.dma_semaphore, #tpu.memory_space<semaphore_mem>>) src(%dma_wait3A_1122 : memref<1024x128xf32, #tpu.memory_space<vmem_shared>>) dst(%dma_wait3A_1117 : memref<64x128xf32, #tpu.memory_space<vmem>>)
      %jit3A_1123 = arith.constant 8 : i32
      %div3A_1124 = arith.divsi %add3A_1068, %jit3A_1123 : i32
      %sign3A_1125 = arith.constant 0 : i32
      %sign3A_1126 = arith.cmpi sgt, %add3A_1068, %sign3A_1125 : i32
      %sign3A_1127 = arith.extui %sign3A_1126 : i1 to i32
      %sign3A_1128 = arith.constant 0 : i32
      %sign3A_1129 = arith.cmpi slt, %add3A_1068, %sign3A_1128 : i32
      %sign3A_1130 = arith.extui %sign3A_1129 : i1 to i32
      %sign3A_1131 = arith.subi %sign3A_1127, %sign3A_1130 : i32
      %sign3A_1132 = arith.constant 0 : i32
      %sign3A_1133 = arith.cmpi sgt, %jit3A_1123, %sign3A_1132 : i32
      %sign3A_1134 = arith.extui %sign3A_1133 : i1 to i32
      %sign3A_1135 = arith.constant 0 : i32
      %sign3A_1136 = arith.cmpi slt, %jit3A_1123, %sign3A_1135 : i32
      %sign3A_1137 = arith.extui %sign3A_1136 : i1 to i32
      %sign3A_1138 = arith.subi %sign3A_1134, %sign3A_1137 : i32
      %ne3A_1139 = arith.cmpi ne, %sign3A_1131, %sign3A_1138 : i32
      %rem3A_1140 = arith.remsi %add3A_1068, %jit3A_1123 : i32
      %ne3A_1141 = arith.constant 0 : i32
      %ne3A_1142 = arith.cmpi ne, %rem3A_1140, %ne3A_1141 : i32
      %and3A_1143 = arith.andi %ne3A_1139, %ne3A_1142 : i1
      %sub3A_1144 = arith.constant 1 : i32
      %sub3A_1145 = arith.subi %div3A_1124, %sub3A_1144 : i32
      %select_n3A_1146 = arith.select %and3A_1143, %sub3A_1145, %div3A_1124 : i32
      %jit3A_1147 = arith.constant 8 : i32
      %eq3A_1148 = arith.constant 0 : i32
      %eq3A_1149 = arith.cmpi eq, %jit3A_1147, %eq3A_1148 : i32
      %jit3A_1150 = arith.constant 1 : i32
      %select_n3A_1151 = arith.select %eq3A_1149, %jit3A_1150, %jit3A_1147 : i32
      %rem3A_1152 = arith.remsi %add3A_1068, %select_n3A_1151 : i32
      %ne3A_1153 = arith.constant 0 : i32
      %ne3A_1154 = arith.cmpi ne, %rem3A_1152, %ne3A_1153 : i32
      %lt3A_1155 = arith.constant 0 : i32
      %lt3A_1156 = arith.cmpi slt, %rem3A_1152, %lt3A_1155 : i32
      %lt3A_1157 = arith.constant 0 : i32
      %lt3A_1158 = arith.cmpi slt, %select_n3A_1151, %lt3A_1157 : i32
      %ne3A_1159 = arith.xori %lt3A_1156, %lt3A_1158 : i1
      %and3A_1160 = arith.andi %ne3A_1159, %ne3A_1154 : i1
      %add3A_1161 = arith.addi %rem3A_1152, %select_n3A_1151 : i32
      %select_n3A_1162 = arith.select %and3A_1160, %add3A_1161, %rem3A_1152 : i32
      %mul3A_1163 = arith.constant 64 : i32
      %mul3A_1164 = arith.muli %select_n3A_1162, %mul3A_1163 : i32
      %add3A_1165 = arith.addi %mul3A_2, %mul3A_1164 : i32
      %dma_start3A_1166 = arith.constant 4 : i32
      %dma_start3A_1167 = arith.constant 0 : i32
      %dma_start3A_1168 = arith.constant 0 : i32
      %dma_start3A_1169 = tpu.memref_slice %arg6[%dma_start3A_1166, %dma_start3A_1167, %dma_start3A_1168] : memref<10x64x128xf32, #tpu.memory_space<vmem>> -> memref<1x64x128xf32, #tpu.memory_space<vmem>>
      %dma_start3A_1170 = tpu.memref_squeeze %dma_start3A_1169 : memref<1x64x128xf32, #tpu.memory_space<vmem>> -> memref<64x128xf32, #tpu.memory_space<vmem>>
      %dma_start3A_1171 = arith.constant 0 : i32
      %dma_start3A_1172 = tpu.memref_slice %arg4[%select_n3A_1146, %add3A_1165, %dma_start3A_1171] : memref<20x16384x128xf32, #tpu.memory_space<hbm>> -> memref<1x64x128xf32, #tpu.memory_space<hbm>>
      %dma_start3A_1173 = tpu.memref_squeeze %dma_start3A_1172 : memref<1x64x128xf32, #tpu.memory_space<hbm>> -> memref<64x128xf32, #tpu.memory_space<hbm>>
      %dma_start3A_1174 = arith.constant 0 : i32
      %dma_start3A_1175 = tpu.memref_slice %arg4[%select_n3A_1146, %add3A_1165, %dma_start3A_1174] : memref<20x16384x128xf32, #tpu.memory_space<hbm>> -> memref<1x64x128xf32, #tpu.memory_space<hbm>>
      %dma_start3A_1176 = tpu.memref_squeeze %dma_start3A_1175 : memref<1x64x128xf32, #tpu.memory_space<hbm>> -> memref<64x128xf32, #tpu.memory_space<hbm>>
      %dma_start3A_1177 = arith.constant 0 : i32
      %dma_start3A_1178 = arith.constant 0 : i32
      %dma_start3A_1179 = tpu.memref_slice %arg6[%dma_start3A_1166, %dma_start3A_1177, %dma_start3A_1178] : memref<10x64x128xf32, #tpu.memory_space<vmem>> -> memref<1x64x128xf32, #tpu.memory_space<vmem>>
      %dma_start3A_1180 = tpu.memref_squeeze %dma_start3A_1179 : memref<1x64x128xf32, #tpu.memory_space<vmem>> -> memref<64x128xf32, #tpu.memory_space<vmem>>
      tpu.enqueue_dma source(%dma_start3A_1180 : memref<64x128xf32, #tpu.memory_space<vmem>>) target(%dma_start3A_1176 : memref<64x128xf32, #tpu.memory_space<hbm>>) target_semaphore(%arg22 : memref<!tpu.dma_semaphore, #tpu.memory_space<semaphore_mem>>)
      %mul3A_1181 = arith.constant 10 : i32
      %mul3A_1182 = arith.muli %scan3A_610, %mul3A_1181 : i32
      %add3A_1183 = arith.constant 5 : i32
      %add3A_1184 = arith.addi %mul3A_1182, %add3A_1183 : i32
      %jit3A_1185 = arith.constant 8 : i32
      %div3A_1186 = arith.divsi %add3A_1184, %jit3A_1185 : i32
      %sign3A_1187 = arith.constant 0 : i32
      %sign3A_1188 = arith.cmpi sgt, %add3A_1184, %sign3A_1187 : i32
      %sign3A_1189 = arith.extui %sign3A_1188 : i1 to i32
      %sign3A_1190 = arith.constant 0 : i32
      %sign3A_1191 = arith.cmpi slt, %add3A_1184, %sign3A_1190 : i32
      %sign3A_1192 = arith.extui %sign3A_1191 : i1 to i32
      %sign3A_1193 = arith.subi %sign3A_1189, %sign3A_1192 : i32
      %sign3A_1194 = arith.constant 0 : i32
      %sign3A_1195 = arith.cmpi sgt, %jit3A_1185, %sign3A_1194 : i32
      %sign3A_1196 = arith.extui %sign3A_1195 : i1 to i32
      %sign3A_1197 = arith.constant 0 : i32
      %sign3A_1198 = arith.cmpi slt, %jit3A_1185, %sign3A_1197 : i32
      %sign3A_1199 = arith.extui %sign3A_1198 : i1 to i32
      %sign3A_1200 = arith.subi %sign3A_1196, %sign3A_1199 : i32
      %ne3A_1201 = arith.cmpi ne, %sign3A_1193, %sign3A_1200 : i32
      %rem3A_1202 = arith.remsi %add3A_1184, %jit3A_1185 : i32
      %ne3A_1203 = arith.constant 0 : i32
      %ne3A_1204 = arith.cmpi ne, %rem3A_1202, %ne3A_1203 : i32
      %and3A_1205 = arith.andi %ne3A_1201, %ne3A_1204 : i1
      %sub3A_1206 = arith.constant 1 : i32
      %sub3A_1207 = arith.subi %div3A_1186, %sub3A_1206 : i32
      %select_n3A_1208 = arith.select %and3A_1205, %sub3A_1207, %div3A_1186 : i32
      %jit3A_1209 = arith.constant 8 : i32
      %eq3A_1210 = arith.constant 0 : i32
      %eq3A_1211 = arith.cmpi eq, %jit3A_1209, %eq3A_1210 : i32
      %jit3A_1212 = arith.constant 1 : i32
      %select_n3A_1213 = arith.select %eq3A_1211, %jit3A_1212, %jit3A_1209 : i32
      %rem3A_1214 = arith.remsi %add3A_1184, %select_n3A_1213 : i32
      %ne3A_1215 = arith.constant 0 : i32
      %ne3A_1216 = arith.cmpi ne, %rem3A_1214, %ne3A_1215 : i32
      %lt3A_1217 = arith.constant 0 : i32
      %lt3A_1218 = arith.cmpi slt, %rem3A_1214, %lt3A_1217 : i32
      %lt3A_1219 = arith.constant 0 : i32
      %lt3A_1220 = arith.cmpi slt, %select_n3A_1213, %lt3A_1219 : i32
      %ne3A_1221 = arith.xori %lt3A_1218, %lt3A_1220 : i1
      %and3A_1222 = arith.andi %ne3A_1221, %ne3A_1216 : i1
      %add3A_1223 = arith.addi %rem3A_1214, %select_n3A_1213 : i32
      %select_n3A_1224 = arith.select %and3A_1222, %add3A_1223, %rem3A_1214 : i32
      %mul3A_1225 = arith.constant 64 : i32
      %mul3A_1226 = arith.muli %select_n3A_1224, %mul3A_1225 : i32
      %add3A_1227 = arith.constant 0 : i32
      %add3A_1228 = arith.addi %mul3A_1226, %add3A_1227 : i32
      %dma_wait3A_1229 = arith.constant 5 : i32
      %dma_wait3A_1230 = arith.constant 0 : i32
      %dma_wait3A_1231 = arith.constant 0 : i32
      %dma_wait3A_1232 = tpu.memref_slice %arg6[%dma_wait3A_1229, %dma_wait3A_1230, %dma_wait3A_1231] : memref<10x64x128xf32, #tpu.memory_space<vmem>> -> memref<1x64x128xf32, #tpu.memory_space<vmem>>
      %dma_wait3A_1233 = tpu.memref_squeeze %dma_wait3A_1232 : memref<1x64x128xf32, #tpu.memory_space<vmem>> -> memref<64x128xf32, #tpu.memory_space<vmem>>
      %dma_wait3A_1234 = tpu.memref_slice %arg5[%select_n3A_1208, %add3A_1228] : memref<20x512xi32, #tpu.memory_space<vmem>> -> memref<1x64xi32, #tpu.memory_space<vmem>>
      %dma_wait3A_1235 = tpu.memref_squeeze %dma_wait3A_1234 : memref<1x64xi32, #tpu.memory_space<vmem>> -> memref<64xi32, #tpu.memory_space<vmem>>
      %dma_wait3A_1236 = arith.constant 0 : i32
      %dma_wait3A_1237 = arith.constant 0 : i32
      %dma_wait3A_1238 = tpu.memref_slice %arg7[%dma_wait3A_1236, %dma_wait3A_1237] : memref<1024x128xf32, #tpu.memory_space<vmem_shared>> -> memref<1024x128xf32, #tpu.memory_space<vmem_shared>>
      tpu.wait_indirect_dma semaphore(%arg13 : memref<!tpu.dma_semaphore, #tpu.memory_space<semaphore_mem>>) src(%dma_wait3A_1238 : memref<1024x128xf32, #tpu.memory_space<vmem_shared>>) dst(%dma_wait3A_1233 : memref<64x128xf32, #tpu.memory_space<vmem>>)
      %jit3A_1239 = arith.constant 8 : i32
      %div3A_1240 = arith.divsi %add3A_1184, %jit3A_1239 : i32
      %sign3A_1241 = arith.constant 0 : i32
      %sign3A_1242 = arith.cmpi sgt, %add3A_1184, %sign3A_1241 : i32
      %sign3A_1243 = arith.extui %sign3A_1242 : i1 to i32
      %sign3A_1244 = arith.constant 0 : i32
      %sign3A_1245 = arith.cmpi slt, %add3A_1184, %sign3A_1244 : i32
      %sign3A_1246 = arith.extui %sign3A_1245 : i1 to i32
      %sign3A_1247 = arith.subi %sign3A_1243, %sign3A_1246 : i32
      %sign3A_1248 = arith.constant 0 : i32
      %sign3A_1249 = arith.cmpi sgt, %jit3A_1239, %sign3A_1248 : i32
      %sign3A_1250 = arith.extui %sign3A_1249 : i1 to i32
      %sign3A_1251 = arith.constant 0 : i32
      %sign3A_1252 = arith.cmpi slt, %jit3A_1239, %sign3A_1251 : i32
      %sign3A_1253 = arith.extui %sign3A_1252 : i1 to i32
      %sign3A_1254 = arith.subi %sign3A_1250, %sign3A_1253 : i32
      %ne3A_1255 = arith.cmpi ne, %sign3A_1247, %sign3A_1254 : i32
      %rem3A_1256 = arith.remsi %add3A_1184, %jit3A_1239 : i32
      %ne3A_1257 = arith.constant 0 : i32
      %ne3A_1258 = arith.cmpi ne, %rem3A_1256, %ne3A_1257 : i32
      %and3A_1259 = arith.andi %ne3A_1255, %ne3A_1258 : i1
      %sub3A_1260 = arith.constant 1 : i32
      %sub3A_1261 = arith.subi %div3A_1240, %sub3A_1260 : i32
      %select_n3A_1262 = arith.select %and3A_1259, %sub3A_1261, %div3A_1240 : i32
      %jit3A_1263 = arith.constant 8 : i32
      %eq3A_1264 = arith.constant 0 : i32
      %eq3A_1265 = arith.cmpi eq, %jit3A_1263, %eq3A_1264 : i32
      %jit3A_1266 = arith.constant 1 : i32
      %select_n3A_1267 = arith.select %eq3A_1265, %jit3A_1266, %jit3A_1263 : i32
      %rem3A_1268 = arith.remsi %add3A_1184, %select_n3A_1267 : i32
      %ne3A_1269 = arith.constant 0 : i32
      %ne3A_1270 = arith.cmpi ne, %rem3A_1268, %ne3A_1269 : i32
      %lt3A_1271 = arith.constant 0 : i32
      %lt3A_1272 = arith.cmpi slt, %rem3A_1268, %lt3A_1271 : i32
      %lt3A_1273 = arith.constant 0 : i32
      %lt3A_1274 = arith.cmpi slt, %select_n3A_1267, %lt3A_1273 : i32
      %ne3A_1275 = arith.xori %lt3A_1272, %lt3A_1274 : i1
      %and3A_1276 = arith.andi %ne3A_1275, %ne3A_1270 : i1
      %add3A_1277 = arith.addi %rem3A_1268, %select_n3A_1267 : i32
      %select_n3A_1278 = arith.select %and3A_1276, %add3A_1277, %rem3A_1268 : i32
      %mul3A_1279 = arith.constant 64 : i32
      %mul3A_1280 = arith.muli %select_n3A_1278, %mul3A_1279 : i32
      %add3A_1281 = arith.addi %mul3A_2, %mul3A_1280 : i32
      %dma_start3A_1282 = arith.constant 5 : i32
      %dma_start3A_1283 = arith.constant 0 : i32
      %dma_start3A_1284 = arith.constant 0 : i32
      %dma_start3A_1285 = tpu.memref_slice %arg6[%dma_start3A_1282, %dma_start3A_1283, %dma_start3A_1284] : memref<10x64x128xf32, #tpu.memory_space<vmem>> -> memref<1x64x128xf32, #tpu.memory_space<vmem>>
      %dma_start3A_1286 = tpu.memref_squeeze %dma_start3A_1285 : memref<1x64x128xf32, #tpu.memory_space<vmem>> -> memref<64x128xf32, #tpu.memory_space<vmem>>
      %dma_start3A_1287 = arith.constant 0 : i32
      %dma_start3A_1288 = tpu.memref_slice %arg4[%select_n3A_1262, %add3A_1281, %dma_start3A_1287] : memref<20x16384x128xf32, #tpu.memory_space<hbm>> -> memref<1x64x128xf32, #tpu.memory_space<hbm>>
      %dma_start3A_1289 = tpu.memref_squeeze %dma_start3A_1288 : memref<1x64x128xf32, #tpu.memory_space<hbm>> -> memref<64x128xf32, #tpu.memory_space<hbm>>
      %dma_start3A_1290 = arith.constant 0 : i32
      %dma_start3A_1291 = tpu.memref_slice %arg4[%select_n3A_1262, %add3A_1281, %dma_start3A_1290] : memref<20x16384x128xf32, #tpu.memory_space<hbm>> -> memref<1x64x128xf32, #tpu.memory_space<hbm>>
      %dma_start3A_1292 = tpu.memref_squeeze %dma_start3A_1291 : memref<1x64x128xf32, #tpu.memory_space<hbm>> -> memref<64x128xf32, #tpu.memory_space<hbm>>
      %dma_start3A_1293 = arith.constant 0 : i32
      %dma_start3A_1294 = arith.constant 0 : i32
      %dma_start3A_1295 = tpu.memref_slice %arg6[%dma_start3A_1282, %dma_start3A_1293, %dma_start3A_1294] : memref<10x64x128xf32, #tpu.memory_space<vmem>> -> memref<1x64x128xf32, #tpu.memory_space<vmem>>
      %dma_start3A_1296 = tpu.memref_squeeze %dma_start3A_1295 : memref<1x64x128xf32, #tpu.memory_space<vmem>> -> memref<64x128xf32, #tpu.memory_space<vmem>>
      tpu.enqueue_dma source(%dma_start3A_1296 : memref<64x128xf32, #tpu.memory_space<vmem>>) target(%dma_start3A_1292 : memref<64x128xf32, #tpu.memory_space<hbm>>) target_semaphore(%arg23 : memref<!tpu.dma_semaphore, #tpu.memory_space<semaphore_mem>>)
      %mul3A_1297 = arith.constant 10 : i32
      %mul3A_1298 = arith.muli %scan3A_610, %mul3A_1297 : i32
      %add3A_1299 = arith.constant 6 : i32
      %add3A_1300 = arith.addi %mul3A_1298, %add3A_1299 : i32
      %jit3A_1301 = arith.constant 8 : i32
      %div3A_1302 = arith.divsi %add3A_1300, %jit3A_1301 : i32
      %sign3A_1303 = arith.constant 0 : i32
      %sign3A_1304 = arith.cmpi sgt, %add3A_1300, %sign3A_1303 : i32
      %sign3A_1305 = arith.extui %sign3A_1304 : i1 to i32
      %sign3A_1306 = arith.constant 0 : i32
      %sign3A_1307 = arith.cmpi slt, %add3A_1300, %sign3A_1306 : i32
      %sign3A_1308 = arith.extui %sign3A_1307 : i1 to i32
      %sign3A_1309 = arith.subi %sign3A_1305, %sign3A_1308 : i32
      %sign3A_1310 = arith.constant 0 : i32
      %sign3A_1311 = arith.cmpi sgt, %jit3A_1301, %sign3A_1310 : i32
      %sign3A_1312 = arith.extui %sign3A_1311 : i1 to i32
      %sign3A_1313 = arith.constant 0 : i32
      %sign3A_1314 = arith.cmpi slt, %jit3A_1301, %sign3A_1313 : i32
      %sign3A_1315 = arith.extui %sign3A_1314 : i1 to i32
      %sign3A_1316 = arith.subi %sign3A_1312, %sign3A_1315 : i32
      %ne3A_1317 = arith.cmpi ne, %sign3A_1309, %sign3A_1316 : i32
      %rem3A_1318 = arith.remsi %add3A_1300, %jit3A_1301 : i32
      %ne3A_1319 = arith.constant 0 : i32
      %ne3A_1320 = arith.cmpi ne, %rem3A_1318, %ne3A_1319 : i32
      %and3A_1321 = arith.andi %ne3A_1317, %ne3A_1320 : i1
      %sub3A_1322 = arith.constant 1 : i32
      %sub3A_1323 = arith.subi %div3A_1302, %sub3A_1322 : i32
      %select_n3A_1324 = arith.select %and3A_1321, %sub3A_1323, %div3A_1302 : i32
      %jit3A_1325 = arith.constant 8 : i32
      %eq3A_1326 = arith.constant 0 : i32
      %eq3A_1327 = arith.cmpi eq, %jit3A_1325, %eq3A_1326 : i32
      %jit3A_1328 = arith.constant 1 : i32
      %select_n3A_1329 = arith.select %eq3A_1327, %jit3A_1328, %jit3A_1325 : i32
      %rem3A_1330 = arith.remsi %add3A_1300, %select_n3A_1329 : i32
      %ne3A_1331 = arith.constant 0 : i32
      %ne3A_1332 = arith.cmpi ne, %rem3A_1330, %ne3A_1331 : i32
      %lt3A_1333 = arith.constant 0 : i32
      %lt3A_1334 = arith.cmpi slt, %rem3A_1330, %lt3A_1333 : i32
      %lt3A_1335 = arith.constant 0 : i32
      %lt3A_1336 = arith.cmpi slt, %select_n3A_1329, %lt3A_1335 : i32
      %ne3A_1337 = arith.xori %lt3A_1334, %lt3A_1336 : i1
      %and3A_1338 = arith.andi %ne3A_1337, %ne3A_1332 : i1
      %add3A_1339 = arith.addi %rem3A_1330, %select_n3A_1329 : i32
      %select_n3A_1340 = arith.select %and3A_1338, %add3A_1339, %rem3A_1330 : i32
      %mul3A_1341 = arith.constant 64 : i32
      %mul3A_1342 = arith.muli %select_n3A_1340, %mul3A_1341 : i32
      %add3A_1343 = arith.constant 0 : i32
      %add3A_1344 = arith.addi %mul3A_1342, %add3A_1343 : i32
      %dma_wait3A_1345 = arith.constant 6 : i32
      %dma_wait3A_1346 = arith.constant 0 : i32
      %dma_wait3A_1347 = arith.constant 0 : i32
      %dma_wait3A_1348 = tpu.memref_slice %arg6[%dma_wait3A_1345, %dma_wait3A_1346, %dma_wait3A_1347] : memref<10x64x128xf32, #tpu.memory_space<vmem>> -> memref<1x64x128xf32, #tpu.memory_space<vmem>>
      %dma_wait3A_1349 = tpu.memref_squeeze %dma_wait3A_1348 : memref<1x64x128xf32, #tpu.memory_space<vmem>> -> memref<64x128xf32, #tpu.memory_space<vmem>>
      %dma_wait3A_1350 = tpu.memref_slice %arg5[%select_n3A_1324, %add3A_1344] : memref<20x512xi32, #tpu.memory_space<vmem>> -> memref<1x64xi32, #tpu.memory_space<vmem>>
      %dma_wait3A_1351 = tpu.memref_squeeze %dma_wait3A_1350 : memref<1x64xi32, #tpu.memory_space<vmem>> -> memref<64xi32, #tpu.memory_space<vmem>>
      %dma_wait3A_1352 = arith.constant 0 : i32
      %dma_wait3A_1353 = arith.constant 0 : i32
      %dma_wait3A_1354 = tpu.memref_slice %arg7[%dma_wait3A_1352, %dma_wait3A_1353] : memref<1024x128xf32, #tpu.memory_space<vmem_shared>> -> memref<1024x128xf32, #tpu.memory_space<vmem_shared>>
      tpu.wait_indirect_dma semaphore(%arg14 : memref<!tpu.dma_semaphore, #tpu.memory_space<semaphore_mem>>) src(%dma_wait3A_1354 : memref<1024x128xf32, #tpu.memory_space<vmem_shared>>) dst(%dma_wait3A_1349 : memref<64x128xf32, #tpu.memory_space<vmem>>)
      %jit3A_1355 = arith.constant 8 : i32
      %div3A_1356 = arith.divsi %add3A_1300, %jit3A_1355 : i32
      %sign3A_1357 = arith.constant 0 : i32
      %sign3A_1358 = arith.cmpi sgt, %add3A_1300, %sign3A_1357 : i32
      %sign3A_1359 = arith.extui %sign3A_1358 : i1 to i32
      %sign3A_1360 = arith.constant 0 : i32
      %sign3A_1361 = arith.cmpi slt, %add3A_1300, %sign3A_1360 : i32
      %sign3A_1362 = arith.extui %sign3A_1361 : i1 to i32
      %sign3A_1363 = arith.subi %sign3A_1359, %sign3A_1362 : i32
      %sign3A_1364 = arith.constant 0 : i32
      %sign3A_1365 = arith.cmpi sgt, %jit3A_1355, %sign3A_1364 : i32
      %sign3A_1366 = arith.extui %sign3A_1365 : i1 to i32
      %sign3A_1367 = arith.constant 0 : i32
      %sign3A_1368 = arith.cmpi slt, %jit3A_1355, %sign3A_1367 : i32
      %sign3A_1369 = arith.extui %sign3A_1368 : i1 to i32
      %sign3A_1370 = arith.subi %sign3A_1366, %sign3A_1369 : i32
      %ne3A_1371 = arith.cmpi ne, %sign3A_1363, %sign3A_1370 : i32
      %rem3A_1372 = arith.remsi %add3A_1300, %jit3A_1355 : i32
      %ne3A_1373 = arith.constant 0 : i32
      %ne3A_1374 = arith.cmpi ne, %rem3A_1372, %ne3A_1373 : i32
      %and3A_1375 = arith.andi %ne3A_1371, %ne3A_1374 : i1
      %sub3A_1376 = arith.constant 1 : i32
      %sub3A_1377 = arith.subi %div3A_1356, %sub3A_1376 : i32
      %select_n3A_1378 = arith.select %and3A_1375, %sub3A_1377, %div3A_1356 : i32
      %jit3A_1379 = arith.constant 8 : i32
      %eq3A_1380 = arith.constant 0 : i32
      %eq3A_1381 = arith.cmpi eq, %jit3A_1379, %eq3A_1380 : i32
      %jit3A_1382 = arith.constant 1 : i32
      %select_n3A_1383 = arith.select %eq3A_1381, %jit3A_1382, %jit3A_1379 : i32
      %rem3A_1384 = arith.remsi %add3A_1300, %select_n3A_1383 : i32
      %ne3A_1385 = arith.constant 0 : i32
      %ne3A_1386 = arith.cmpi ne, %rem3A_1384, %ne3A_1385 : i32
      %lt3A_1387 = arith.constant 0 : i32
      %lt3A_1388 = arith.cmpi slt, %rem3A_1384, %lt3A_1387 : i32
      %lt3A_1389 = arith.constant 0 : i32
      %lt3A_1390 = arith.cmpi slt, %select_n3A_1383, %lt3A_1389 : i32
      %ne3A_1391 = arith.xori %lt3A_1388, %lt3A_1390 : i1
      %and3A_1392 = arith.andi %ne3A_1391, %ne3A_1386 : i1
      %add3A_1393 = arith.addi %rem3A_1384, %select_n3A_1383 : i32
      %select_n3A_1394 = arith.select %and3A_1392, %add3A_1393, %rem3A_1384 : i32
      %mul3A_1395 = arith.constant 64 : i32
      %mul3A_1396 = arith.muli %select_n3A_1394, %mul3A_1395 : i32
      %add3A_1397 = arith.addi %mul3A_2, %mul3A_1396 : i32
      %dma_start3A_1398 = arith.constant 6 : i32
      %dma_start3A_1399 = arith.constant 0 : i32
      %dma_start3A_1400 = arith.constant 0 : i32
      %dma_start3A_1401 = tpu.memref_slice %arg6[%dma_start3A_1398, %dma_start3A_1399, %dma_start3A_1400] : memref<10x64x128xf32, #tpu.memory_space<vmem>> -> memref<1x64x128xf32, #tpu.memory_space<vmem>>
      %dma_start3A_1402 = tpu.memref_squeeze %dma_start3A_1401 : memref<1x64x128xf32, #tpu.memory_space<vmem>> -> memref<64x128xf32, #tpu.memory_space<vmem>>
      %dma_start3A_1403 = arith.constant 0 : i32
      %dma_start3A_1404 = tpu.memref_slice %arg4[%select_n3A_1378, %add3A_1397, %dma_start3A_1403] : memref<20x16384x128xf32, #tpu.memory_space<hbm>> -> memref<1x64x128xf32, #tpu.memory_space<hbm>>
      %dma_start3A_1405 = tpu.memref_squeeze %dma_start3A_1404 : memref<1x64x128xf32, #tpu.memory_space<hbm>> -> memref<64x128xf32, #tpu.memory_space<hbm>>
      %dma_start3A_1406 = arith.constant 0 : i32
      %dma_start3A_1407 = tpu.memref_slice %arg4[%select_n3A_1378, %add3A_1397, %dma_start3A_1406] : memref<20x16384x128xf32, #tpu.memory_space<hbm>> -> memref<1x64x128xf32, #tpu.memory_space<hbm>>
      %dma_start3A_1408 = tpu.memref_squeeze %dma_start3A_1407 : memref<1x64x128xf32, #tpu.memory_space<hbm>> -> memref<64x128xf32, #tpu.memory_space<hbm>>
      %dma_start3A_1409 = arith.constant 0 : i32
      %dma_start3A_1410 = arith.constant 0 : i32
      %dma_start3A_1411 = tpu.memref_slice %arg6[%dma_start3A_1398, %dma_start3A_1409, %dma_start3A_1410] : memref<10x64x128xf32, #tpu.memory_space<vmem>> -> memref<1x64x128xf32, #tpu.memory_space<vmem>>
      %dma_start3A_1412 = tpu.memref_squeeze %dma_start3A_1411 : memref<1x64x128xf32, #tpu.memory_space<vmem>> -> memref<64x128xf32, #tpu.memory_space<vmem>>
      tpu.enqueue_dma source(%dma_start3A_1412 : memref<64x128xf32, #tpu.memory_space<vmem>>) target(%dma_start3A_1408 : memref<64x128xf32, #tpu.memory_space<hbm>>) target_semaphore(%arg24 : memref<!tpu.dma_semaphore, #tpu.memory_space<semaphore_mem>>)
      %mul3A_1413 = arith.constant 10 : i32
      %mul3A_1414 = arith.muli %scan3A_610, %mul3A_1413 : i32
      %add3A_1415 = arith.constant 7 : i32
      %add3A_1416 = arith.addi %mul3A_1414, %add3A_1415 : i32
      %jit3A_1417 = arith.constant 8 : i32
      %div3A_1418 = arith.divsi %add3A_1416, %jit3A_1417 : i32
      %sign3A_1419 = arith.constant 0 : i32
      %sign3A_1420 = arith.cmpi sgt, %add3A_1416, %sign3A_1419 : i32
      %sign3A_1421 = arith.extui %sign3A_1420 : i1 to i32
      %sign3A_1422 = arith.constant 0 : i32
      %sign3A_1423 = arith.cmpi slt, %add3A_1416, %sign3A_1422 : i32
      %sign3A_1424 = arith.extui %sign3A_1423 : i1 to i32
      %sign3A_1425 = arith.subi %sign3A_1421, %sign3A_1424 : i32
      %sign3A_1426 = arith.constant 0 : i32
      %sign3A_1427 = arith.cmpi sgt, %jit3A_1417, %sign3A_1426 : i32
      %sign3A_1428 = arith.extui %sign3A_1427 : i1 to i32
      %sign3A_1429 = arith.constant 0 : i32
      %sign3A_1430 = arith.cmpi slt, %jit3A_1417, %sign3A_1429 : i32
      %sign3A_1431 = arith.extui %sign3A_1430 : i1 to i32
      %sign3A_1432 = arith.subi %sign3A_1428, %sign3A_1431 : i32
      %ne3A_1433 = arith.cmpi ne, %sign3A_1425, %sign3A_1432 : i32
      %rem3A_1434 = arith.remsi %add3A_1416, %jit3A_1417 : i32
      %ne3A_1435 = arith.constant 0 : i32
      %ne3A_1436 = arith.cmpi ne, %rem3A_1434, %ne3A_1435 : i32
      %and3A_1437 = arith.andi %ne3A_1433, %ne3A_1436 : i1
      %sub3A_1438 = arith.constant 1 : i32
      %sub3A_1439 = arith.subi %div3A_1418, %sub3A_1438 : i32
      %select_n3A_1440 = arith.select %and3A_1437, %sub3A_1439, %div3A_1418 : i32
      %jit3A_1441 = arith.constant 8 : i32
      %eq3A_1442 = arith.constant 0 : i32
      %eq3A_1443 = arith.cmpi eq, %jit3A_1441, %eq3A_1442 : i32
      %jit3A_1444 = arith.constant 1 : i32
      %select_n3A_1445 = arith.select %eq3A_1443, %jit3A_1444, %jit3A_1441 : i32
      %rem3A_1446 = arith.remsi %add3A_1416, %select_n3A_1445 : i32
      %ne3A_1447 = arith.constant 0 : i32
      %ne3A_1448 = arith.cmpi ne, %rem3A_1446, %ne3A_1447 : i32
      %lt3A_1449 = arith.constant 0 : i32
      %lt3A_1450 = arith.cmpi slt, %rem3A_1446, %lt3A_1449 : i32
      %lt3A_1451 = arith.constant 0 : i32
      %lt3A_1452 = arith.cmpi slt, %select_n3A_1445, %lt3A_1451 : i32
      %ne3A_1453 = arith.xori %lt3A_1450, %lt3A_1452 : i1
      %and3A_1454 = arith.andi %ne3A_1453, %ne3A_1448 : i1
      %add3A_1455 = arith.addi %rem3A_1446, %select_n3A_1445 : i32
      %select_n3A_1456 = arith.select %and3A_1454, %add3A_1455, %rem3A_1446 : i32
      %mul3A_1457 = arith.constant 64 : i32
      %mul3A_1458 = arith.muli %select_n3A_1456, %mul3A_1457 : i32
      %add3A_1459 = arith.constant 0 : i32
      %add3A_1460 = arith.addi %mul3A_1458, %add3A_1459 : i32
      %dma_wait3A_1461 = arith.constant 7 : i32
      %dma_wait3A_1462 = arith.constant 0 : i32
      %dma_wait3A_1463 = arith.constant 0 : i32
      %dma_wait3A_1464 = tpu.memref_slice %arg6[%dma_wait3A_1461, %dma_wait3A_1462, %dma_wait3A_1463] : memref<10x64x128xf32, #tpu.memory_space<vmem>> -> memref<1x64x128xf32, #tpu.memory_space<vmem>>
      %dma_wait3A_1465 = tpu.memref_squeeze %dma_wait3A_1464 : memref<1x64x128xf32, #tpu.memory_space<vmem>> -> memref<64x128xf32, #tpu.memory_space<vmem>>
      %dma_wait3A_1466 = tpu.memref_slice %arg5[%select_n3A_1440, %add3A_1460] : memref<20x512xi32, #tpu.memory_space<vmem>> -> memref<1x64xi32, #tpu.memory_space<vmem>>
      %dma_wait3A_1467 = tpu.memref_squeeze %dma_wait3A_1466 : memref<1x64xi32, #tpu.memory_space<vmem>> -> memref<64xi32, #tpu.memory_space<vmem>>
      %dma_wait3A_1468 = arith.constant 0 : i32
      %dma_wait3A_1469 = arith.constant 0 : i32
      %dma_wait3A_1470 = tpu.memref_slice %arg7[%dma_wait3A_1468, %dma_wait3A_1469] : memref<1024x128xf32, #tpu.memory_space<vmem_shared>> -> memref<1024x128xf32, #tpu.memory_space<vmem_shared>>
      tpu.wait_indirect_dma semaphore(%arg15 : memref<!tpu.dma_semaphore, #tpu.memory_space<semaphore_mem>>) src(%dma_wait3A_1470 : memref<1024x128xf32, #tpu.memory_space<vmem_shared>>) dst(%dma_wait3A_1465 : memref<64x128xf32, #tpu.memory_space<vmem>>)
      %jit3A_1471 = arith.constant 8 : i32
      %div3A_1472 = arith.divsi %add3A_1416, %jit3A_1471 : i32
      %sign3A_1473 = arith.constant 0 : i32
      %sign3A_1474 = arith.cmpi sgt, %add3A_1416, %sign3A_1473 : i32
      %sign3A_1475 = arith.extui %sign3A_1474 : i1 to i32
      %sign3A_1476 = arith.constant 0 : i32
      %sign3A_1477 = arith.cmpi slt, %add3A_1416, %sign3A_1476 : i32
      %sign3A_1478 = arith.extui %sign3A_1477 : i1 to i32
      %sign3A_1479 = arith.subi %sign3A_1475, %sign3A_1478 : i32
      %sign3A_1480 = arith.constant 0 : i32
      %sign3A_1481 = arith.cmpi sgt, %jit3A_1471, %sign3A_1480 : i32
      %sign3A_1482 = arith.extui %sign3A_1481 : i1 to i32
      %sign3A_1483 = arith.constant 0 : i32
      %sign3A_1484 = arith.cmpi slt, %jit3A_1471, %sign3A_1483 : i32
      %sign3A_1485 = arith.extui %sign3A_1484 : i1 to i32
      %sign3A_1486 = arith.subi %sign3A_1482, %sign3A_1485 : i32
      %ne3A_1487 = arith.cmpi ne, %sign3A_1479, %sign3A_1486 : i32
      %rem3A_1488 = arith.remsi %add3A_1416, %jit3A_1471 : i32
      %ne3A_1489 = arith.constant 0 : i32
      %ne3A_1490 = arith.cmpi ne, %rem3A_1488, %ne3A_1489 : i32
      %and3A_1491 = arith.andi %ne3A_1487, %ne3A_1490 : i1
      %sub3A_1492 = arith.constant 1 : i32
      %sub3A_1493 = arith.subi %div3A_1472, %sub3A_1492 : i32
      %select_n3A_1494 = arith.select %and3A_1491, %sub3A_1493, %div3A_1472 : i32
      %jit3A_1495 = arith.constant 8 : i32
      %eq3A_1496 = arith.constant 0 : i32
      %eq3A_1497 = arith.cmpi eq, %jit3A_1495, %eq3A_1496 : i32
      %jit3A_1498 = arith.constant 1 : i32
      %select_n3A_1499 = arith.select %eq3A_1497, %jit3A_1498, %jit3A_1495 : i32
      %rem3A_1500 = arith.remsi %add3A_1416, %select_n3A_1499 : i32
      %ne3A_1501 = arith.constant 0 : i32
      %ne3A_1502 = arith.cmpi ne, %rem3A_1500, %ne3A_1501 : i32
      %lt3A_1503 = arith.constant 0 : i32
      %lt3A_1504 = arith.cmpi slt, %rem3A_1500, %lt3A_1503 : i32
      %lt3A_1505 = arith.constant 0 : i32
      %lt3A_1506 = arith.cmpi slt, %select_n3A_1499, %lt3A_1505 : i32
      %ne3A_1507 = arith.xori %lt3A_1504, %lt3A_1506 : i1
      %and3A_1508 = arith.andi %ne3A_1507, %ne3A_1502 : i1
      %add3A_1509 = arith.addi %rem3A_1500, %select_n3A_1499 : i32
      %select_n3A_1510 = arith.select %and3A_1508, %add3A_1509, %rem3A_1500 : i32
      %mul3A_1511 = arith.constant 64 : i32
      %mul3A_1512 = arith.muli %select_n3A_1510, %mul3A_1511 : i32
      %add3A_1513 = arith.addi %mul3A_2, %mul3A_1512 : i32
      %dma_start3A_1514 = arith.constant 7 : i32
      %dma_start3A_1515 = arith.constant 0 : i32
      %dma_start3A_1516 = arith.constant 0 : i32
      %dma_start3A_1517 = tpu.memref_slice %arg6[%dma_start3A_1514, %dma_start3A_1515, %dma_start3A_1516] : memref<10x64x128xf32, #tpu.memory_space<vmem>> -> memref<1x64x128xf32, #tpu.memory_space<vmem>>
      %dma_start3A_1518 = tpu.memref_squeeze %dma_start3A_1517 : memref<1x64x128xf32, #tpu.memory_space<vmem>> -> memref<64x128xf32, #tpu.memory_space<vmem>>
      %dma_start3A_1519 = arith.constant 0 : i32
      %dma_start3A_1520 = tpu.memref_slice %arg4[%select_n3A_1494, %add3A_1513, %dma_start3A_1519] : memref<20x16384x128xf32, #tpu.memory_space<hbm>> -> memref<1x64x128xf32, #tpu.memory_space<hbm>>
      %dma_start3A_1521 = tpu.memref_squeeze %dma_start3A_1520 : memref<1x64x128xf32, #tpu.memory_space<hbm>> -> memref<64x128xf32, #tpu.memory_space<hbm>>
      %dma_start3A_1522 = arith.constant 0 : i32
      %dma_start3A_1523 = tpu.memref_slice %arg4[%select_n3A_1494, %add3A_1513, %dma_start3A_1522] : memref<20x16384x128xf32, #tpu.memory_space<hbm>> -> memref<1x64x128xf32, #tpu.memory_space<hbm>>
      %dma_start3A_1524 = tpu.memref_squeeze %dma_start3A_1523 : memref<1x64x128xf32, #tpu.memory_space<hbm>> -> memref<64x128xf32, #tpu.memory_space<hbm>>
      %dma_start3A_1525 = arith.constant 0 : i32
      %dma_start3A_1526 = arith.constant 0 : i32
      %dma_start3A_1527 = tpu.memref_slice %arg6[%dma_start3A_1514, %dma_start3A_1525, %dma_start3A_1526] : memref<10x64x128xf32, #tpu.memory_space<vmem>> -> memref<1x64x128xf32, #tpu.memory_space<vmem>>
      %dma_start3A_1528 = tpu.memref_squeeze %dma_start3A_1527 : memref<1x64x128xf32, #tpu.memory_space<vmem>> -> memref<64x128xf32, #tpu.memory_space<vmem>>
      tpu.enqueue_dma source(%dma_start3A_1528 : memref<64x128xf32, #tpu.memory_space<vmem>>) target(%dma_start3A_1524 : memref<64x128xf32, #tpu.memory_space<hbm>>) target_semaphore(%arg25 : memref<!tpu.dma_semaphore, #tpu.memory_space<semaphore_mem>>)
      %mul3A_1529 = arith.constant 10 : i32
      %mul3A_1530 = arith.muli %scan3A_610, %mul3A_1529 : i32
      %add3A_1531 = arith.constant 8 : i32
      %add3A_1532 = arith.addi %mul3A_1530, %add3A_1531 : i32
      %jit3A_1533 = arith.constant 8 : i32
      %div3A_1534 = arith.divsi %add3A_1532, %jit3A_1533 : i32
      %sign3A_1535 = arith.constant 0 : i32
      %sign3A_1536 = arith.cmpi sgt, %add3A_1532, %sign3A_1535 : i32
      %sign3A_1537 = arith.extui %sign3A_1536 : i1 to i32
      %sign3A_1538 = arith.constant 0 : i32
      %sign3A_1539 = arith.cmpi slt, %add3A_1532, %sign3A_1538 : i32
      %sign3A_1540 = arith.extui %sign3A_1539 : i1 to i32
      %sign3A_1541 = arith.subi %sign3A_1537, %sign3A_1540 : i32
      %sign3A_1542 = arith.constant 0 : i32
      %sign3A_1543 = arith.cmpi sgt, %jit3A_1533, %sign3A_1542 : i32
      %sign3A_1544 = arith.extui %sign3A_1543 : i1 to i32
      %sign3A_1545 = arith.constant 0 : i32
      %sign3A_1546 = arith.cmpi slt, %jit3A_1533, %sign3A_1545 : i32
      %sign3A_1547 = arith.extui %sign3A_1546 : i1 to i32
      %sign3A_1548 = arith.subi %sign3A_1544, %sign3A_1547 : i32
      %ne3A_1549 = arith.cmpi ne, %sign3A_1541, %sign3A_1548 : i32
      %rem3A_1550 = arith.remsi %add3A_1532, %jit3A_1533 : i32
      %ne3A_1551 = arith.constant 0 : i32
      %ne3A_1552 = arith.cmpi ne, %rem3A_1550, %ne3A_1551 : i32
      %and3A_1553 = arith.andi %ne3A_1549, %ne3A_1552 : i1
      %sub3A_1554 = arith.constant 1 : i32
      %sub3A_1555 = arith.subi %div3A_1534, %sub3A_1554 : i32
      %select_n3A_1556 = arith.select %and3A_1553, %sub3A_1555, %div3A_1534 : i32
      %jit3A_1557 = arith.constant 8 : i32
      %eq3A_1558 = arith.constant 0 : i32
      %eq3A_1559 = arith.cmpi eq, %jit3A_1557, %eq3A_1558 : i32
      %jit3A_1560 = arith.constant 1 : i32
      %select_n3A_1561 = arith.select %eq3A_1559, %jit3A_1560, %jit3A_1557 : i32
      %rem3A_1562 = arith.remsi %add3A_1532, %select_n3A_1561 : i32
      %ne3A_1563 = arith.constant 0 : i32
      %ne3A_1564 = arith.cmpi ne, %rem3A_1562, %ne3A_1563 : i32
      %lt3A_1565 = arith.constant 0 : i32
      %lt3A_1566 = arith.cmpi slt, %rem3A_1562, %lt3A_1565 : i32
      %lt3A_1567 = arith.constant 0 : i32
      %lt3A_1568 = arith.cmpi slt, %select_n3A_1561, %lt3A_1567 : i32
      %ne3A_1569 = arith.xori %lt3A_1566, %lt3A_1568 : i1
      %and3A_1570 = arith.andi %ne3A_1569, %ne3A_1564 : i1
      %add3A_1571 = arith.addi %rem3A_1562, %select_n3A_1561 : i32
      %select_n3A_1572 = arith.select %and3A_1570, %add3A_1571, %rem3A_1562 : i32
      %mul3A_1573 = arith.constant 64 : i32
      %mul3A_1574 = arith.muli %select_n3A_1572, %mul3A_1573 : i32
      %add3A_1575 = arith.constant 0 : i32
      %add3A_1576 = arith.addi %mul3A_1574, %add3A_1575 : i32
      %dma_wait3A_1577 = arith.constant 8 : i32
      %dma_wait3A_1578 = arith.constant 0 : i32
      %dma_wait3A_1579 = arith.constant 0 : i32
      %dma_wait3A_1580 = tpu.memref_slice %arg6[%dma_wait3A_1577, %dma_wait3A_1578, %dma_wait3A_1579] : memref<10x64x128xf32, #tpu.memory_space<vmem>> -> memref<1x64x128xf32, #tpu.memory_space<vmem>>
      %dma_wait3A_1581 = tpu.memref_squeeze %dma_wait3A_1580 : memref<1x64x128xf32, #tpu.memory_space<vmem>> -> memref<64x128xf32, #tpu.memory_space<vmem>>
      %dma_wait3A_1582 = tpu.memref_slice %arg5[%select_n3A_1556, %add3A_1576] : memref<20x512xi32, #tpu.memory_space<vmem>> -> memref<1x64xi32, #tpu.memory_space<vmem>>
      %dma_wait3A_1583 = tpu.memref_squeeze %dma_wait3A_1582 : memref<1x64xi32, #tpu.memory_space<vmem>> -> memref<64xi32, #tpu.memory_space<vmem>>
      %dma_wait3A_1584 = arith.constant 0 : i32
      %dma_wait3A_1585 = arith.constant 0 : i32
      %dma_wait3A_1586 = tpu.memref_slice %arg7[%dma_wait3A_1584, %dma_wait3A_1585] : memref<1024x128xf32, #tpu.memory_space<vmem_shared>> -> memref<1024x128xf32, #tpu.memory_space<vmem_shared>>
      tpu.wait_indirect_dma semaphore(%arg16 : memref<!tpu.dma_semaphore, #tpu.memory_space<semaphore_mem>>) src(%dma_wait3A_1586 : memref<1024x128xf32, #tpu.memory_space<vmem_shared>>) dst(%dma_wait3A_1581 : memref<64x128xf32, #tpu.memory_space<vmem>>)
      %jit3A_1587 = arith.constant 8 : i32
      %div3A_1588 = arith.divsi %add3A_1532, %jit3A_1587 : i32
      %sign3A_1589 = arith.constant 0 : i32
      %sign3A_1590 = arith.cmpi sgt, %add3A_1532, %sign3A_1589 : i32
      %sign3A_1591 = arith.extui %sign3A_1590 : i1 to i32
      %sign3A_1592 = arith.constant 0 : i32
      %sign3A_1593 = arith.cmpi slt, %add3A_1532, %sign3A_1592 : i32
      %sign3A_1594 = arith.extui %sign3A_1593 : i1 to i32
      %sign3A_1595 = arith.subi %sign3A_1591, %sign3A_1594 : i32
      %sign3A_1596 = arith.constant 0 : i32
      %sign3A_1597 = arith.cmpi sgt, %jit3A_1587, %sign3A_1596 : i32
      %sign3A_1598 = arith.extui %sign3A_1597 : i1 to i32
      %sign3A_1599 = arith.constant 0 : i32
      %sign3A_1600 = arith.cmpi slt, %jit3A_1587, %sign3A_1599 : i32
      %sign3A_1601 = arith.extui %sign3A_1600 : i1 to i32
      %sign3A_1602 = arith.subi %sign3A_1598, %sign3A_1601 : i32
      %ne3A_1603 = arith.cmpi ne, %sign3A_1595, %sign3A_1602 : i32
      %rem3A_1604 = arith.remsi %add3A_1532, %jit3A_1587 : i32
      %ne3A_1605 = arith.constant 0 : i32
      %ne3A_1606 = arith.cmpi ne, %rem3A_1604, %ne3A_1605 : i32
      %and3A_1607 = arith.andi %ne3A_1603, %ne3A_1606 : i1
      %sub3A_1608 = arith.constant 1 : i32
      %sub3A_1609 = arith.subi %div3A_1588, %sub3A_1608 : i32
      %select_n3A_1610 = arith.select %and3A_1607, %sub3A_1609, %div3A_1588 : i32
      %jit3A_1611 = arith.constant 8 : i32
      %eq3A_1612 = arith.constant 0 : i32
      %eq3A_1613 = arith.cmpi eq, %jit3A_1611, %eq3A_1612 : i32
      %jit3A_1614 = arith.constant 1 : i32
      %select_n3A_1615 = arith.select %eq3A_1613, %jit3A_1614, %jit3A_1611 : i32
      %rem3A_1616 = arith.remsi %add3A_1532, %select_n3A_1615 : i32
      %ne3A_1617 = arith.constant 0 : i32
      %ne3A_1618 = arith.cmpi ne, %rem3A_1616, %ne3A_1617 : i32
      %lt3A_1619 = arith.constant 0 : i32
      %lt3A_1620 = arith.cmpi slt, %rem3A_1616, %lt3A_1619 : i32
      %lt3A_1621 = arith.constant 0 : i32
      %lt3A_1622 = arith.cmpi slt, %select_n3A_1615, %lt3A_1621 : i32
      %ne3A_1623 = arith.xori %lt3A_1620, %lt3A_1622 : i1
      %and3A_1624 = arith.andi %ne3A_1623, %ne3A_1618 : i1
      %add3A_1625 = arith.addi %rem3A_1616, %select_n3A_1615 : i32
      %select_n3A_1626 = arith.select %and3A_1624, %add3A_1625, %rem3A_1616 : i32
      %mul3A_1627 = arith.constant 64 : i32
      %mul3A_1628 = arith.muli %select_n3A_1626, %mul3A_1627 : i32
      %add3A_1629 = arith.addi %mul3A_2, %mul3A_1628 : i32
      %dma_start3A_1630 = arith.constant 8 : i32
      %dma_start3A_1631 = arith.constant 0 : i32
      %dma_start3A_1632 = arith.constant 0 : i32
      %dma_start3A_1633 = tpu.memref_slice %arg6[%dma_start3A_1630, %dma_start3A_1631, %dma_start3A_1632] : memref<10x64x128xf32, #tpu.memory_space<vmem>> -> memref<1x64x128xf32, #tpu.memory_space<vmem>>
      %dma_start3A_1634 = tpu.memref_squeeze %dma_start3A_1633 : memref<1x64x128xf32, #tpu.memory_space<vmem>> -> memref<64x128xf32, #tpu.memory_space<vmem>>
      %dma_start3A_1635 = arith.constant 0 : i32
      %dma_start3A_1636 = tpu.memref_slice %arg4[%select_n3A_1610, %add3A_1629, %dma_start3A_1635] : memref<20x16384x128xf32, #tpu.memory_space<hbm>> -> memref<1x64x128xf32, #tpu.memory_space<hbm>>
      %dma_start3A_1637 = tpu.memref_squeeze %dma_start3A_1636 : memref<1x64x128xf32, #tpu.memory_space<hbm>> -> memref<64x128xf32, #tpu.memory_space<hbm>>
      %dma_start3A_1638 = arith.constant 0 : i32
      %dma_start3A_1639 = tpu.memref_slice %arg4[%select_n3A_1610, %add3A_1629, %dma_start3A_1638] : memref<20x16384x128xf32, #tpu.memory_space<hbm>> -> memref<1x64x128xf32, #tpu.memory_space<hbm>>
      %dma_start3A_1640 = tpu.memref_squeeze %dma_start3A_1639 : memref<1x64x128xf32, #tpu.memory_space<hbm>> -> memref<64x128xf32, #tpu.memory_space<hbm>>
      %dma_start3A_1641 = arith.constant 0 : i32
      %dma_start3A_1642 = arith.constant 0 : i32
      %dma_start3A_1643 = tpu.memref_slice %arg6[%dma_start3A_1630, %dma_start3A_1641, %dma_start3A_1642] : memref<10x64x128xf32, #tpu.memory_space<vmem>> -> memref<1x64x128xf32, #tpu.memory_space<vmem>>
      %dma_start3A_1644 = tpu.memref_squeeze %dma_start3A_1643 : memref<1x64x128xf32, #tpu.memory_space<vmem>> -> memref<64x128xf32, #tpu.memory_space<vmem>>
      tpu.enqueue_dma source(%dma_start3A_1644 : memref<64x128xf32, #tpu.memory_space<vmem>>) target(%dma_start3A_1640 : memref<64x128xf32, #tpu.memory_space<hbm>>) target_semaphore(%arg26 : memref<!tpu.dma_semaphore, #tpu.memory_space<semaphore_mem>>)
      %mul3A_1645 = arith.constant 10 : i32
      %mul3A_1646 = arith.muli %scan3A_610, %mul3A_1645 : i32
      %add3A_1647 = arith.constant 9 : i32
      %add3A_1648 = arith.addi %mul3A_1646, %add3A_1647 : i32
      %jit3A_1649 = arith.constant 8 : i32
      %div3A_1650 = arith.divsi %add3A_1648, %jit3A_1649 : i32
      %sign3A_1651 = arith.constant 0 : i32
      %sign3A_1652 = arith.cmpi sgt, %add3A_1648, %sign3A_1651 : i32
      %sign3A_1653 = arith.extui %sign3A_1652 : i1 to i32
      %sign3A_1654 = arith.constant 0 : i32
      %sign3A_1655 = arith.cmpi slt, %add3A_1648, %sign3A_1654 : i32
      %sign3A_1656 = arith.extui %sign3A_1655 : i1 to i32
      %sign3A_1657 = arith.subi %sign3A_1653, %sign3A_1656 : i32
      %sign3A_1658 = arith.constant 0 : i32
      %sign3A_1659 = arith.cmpi sgt, %jit3A_1649, %sign3A_1658 : i32
      %sign3A_1660 = arith.extui %sign3A_1659 : i1 to i32
      %sign3A_1661 = arith.constant 0 : i32
      %sign3A_1662 = arith.cmpi slt, %jit3A_1649, %sign3A_1661 : i32
      %sign3A_1663 = arith.extui %sign3A_1662 : i1 to i32
      %sign3A_1664 = arith.subi %sign3A_1660, %sign3A_1663 : i32
      %ne3A_1665 = arith.cmpi ne, %sign3A_1657, %sign3A_1664 : i32
      %rem3A_1666 = arith.remsi %add3A_1648, %jit3A_1649 : i32
      %ne3A_1667 = arith.constant 0 : i32
      %ne3A_1668 = arith.cmpi ne, %rem3A_1666, %ne3A_1667 : i32
      %and3A_1669 = arith.andi %ne3A_1665, %ne3A_1668 : i1
      %sub3A_1670 = arith.constant 1 : i32
      %sub3A_1671 = arith.subi %div3A_1650, %sub3A_1670 : i32
      %select_n3A_1672 = arith.select %and3A_1669, %sub3A_1671, %div3A_1650 : i32
      %jit3A_1673 = arith.constant 8 : i32
      %eq3A_1674 = arith.constant 0 : i32
      %eq3A_1675 = arith.cmpi eq, %jit3A_1673, %eq3A_1674 : i32
      %jit3A_1676 = arith.constant 1 : i32
      %select_n3A_1677 = arith.select %eq3A_1675, %jit3A_1676, %jit3A_1673 : i32
      %rem3A_1678 = arith.remsi %add3A_1648, %select_n3A_1677 : i32
      %ne3A_1679 = arith.constant 0 : i32
      %ne3A_1680 = arith.cmpi ne, %rem3A_1678, %ne3A_1679 : i32
      %lt3A_1681 = arith.constant 0 : i32
      %lt3A_1682 = arith.cmpi slt, %rem3A_1678, %lt3A_1681 : i32
      %lt3A_1683 = arith.constant 0 : i32
      %lt3A_1684 = arith.cmpi slt, %select_n3A_1677, %lt3A_1683 : i32
      %ne3A_1685 = arith.xori %lt3A_1682, %lt3A_1684 : i1
      %and3A_1686 = arith.andi %ne3A_1685, %ne3A_1680 : i1
      %add3A_1687 = arith.addi %rem3A_1678, %select_n3A_1677 : i32
      %select_n3A_1688 = arith.select %and3A_1686, %add3A_1687, %rem3A_1678 : i32
      %mul3A_1689 = arith.constant 64 : i32
      %mul3A_1690 = arith.muli %select_n3A_1688, %mul3A_1689 : i32
      %add3A_1691 = arith.constant 0 : i32
      %add3A_1692 = arith.addi %mul3A_1690, %add3A_1691 : i32
      %dma_wait3A_1693 = arith.constant 9 : i32
      %dma_wait3A_1694 = arith.constant 0 : i32
      %dma_wait3A_1695 = arith.constant 0 : i32
      %dma_wait3A_1696 = tpu.memref_slice %arg6[%dma_wait3A_1693, %dma_wait3A_1694, %dma_wait3A_1695] : memref<10x64x128xf32, #tpu.memory_space<vmem>> -> memref<1x64x128xf32, #tpu.memory_space<vmem>>
      %dma_wait3A_1697 = tpu.memref_squeeze %dma_wait3A_1696 : memref<1x64x128xf32, #tpu.memory_space<vmem>> -> memref<64x128xf32, #tpu.memory_space<vmem>>
      %dma_wait3A_1698 = tpu.memref_slice %arg5[%select_n3A_1672, %add3A_1692] : memref<20x512xi32, #tpu.memory_space<vmem>> -> memref<1x64xi32, #tpu.memory_space<vmem>>
      %dma_wait3A_1699 = tpu.memref_squeeze %dma_wait3A_1698 : memref<1x64xi32, #tpu.memory_space<vmem>> -> memref<64xi32, #tpu.memory_space<vmem>>
      %dma_wait3A_1700 = arith.constant 0 : i32
      %dma_wait3A_1701 = arith.constant 0 : i32
      %dma_wait3A_1702 = tpu.memref_slice %arg7[%dma_wait3A_1700, %dma_wait3A_1701] : memref<1024x128xf32, #tpu.memory_space<vmem_shared>> -> memref<1024x128xf32, #tpu.memory_space<vmem_shared>>
      tpu.wait_indirect_dma semaphore(%arg17 : memref<!tpu.dma_semaphore, #tpu.memory_space<semaphore_mem>>) src(%dma_wait3A_1702 : memref<1024x128xf32, #tpu.memory_space<vmem_shared>>) dst(%dma_wait3A_1697 : memref<64x128xf32, #tpu.memory_space<vmem>>)
      %jit3A_1703 = arith.constant 8 : i32
      %div3A_1704 = arith.divsi %add3A_1648, %jit3A_1703 : i32
      %sign3A_1705 = arith.constant 0 : i32
      %sign3A_1706 = arith.cmpi sgt, %add3A_1648, %sign3A_1705 : i32
      %sign3A_1707 = arith.extui %sign3A_1706 : i1 to i32
      %sign3A_1708 = arith.constant 0 : i32
      %sign3A_1709 = arith.cmpi slt, %add3A_1648, %sign3A_1708 : i32
      %sign3A_1710 = arith.extui %sign3A_1709 : i1 to i32
      %sign3A_1711 = arith.subi %sign3A_1707, %sign3A_1710 : i32
      %sign3A_1712 = arith.constant 0 : i32
      %sign3A_1713 = arith.cmpi sgt, %jit3A_1703, %sign3A_1712 : i32
      %sign3A_1714 = arith.extui %sign3A_1713 : i1 to i32
      %sign3A_1715 = arith.constant 0 : i32
      %sign3A_1716 = arith.cmpi slt, %jit3A_1703, %sign3A_1715 : i32
      %sign3A_1717 = arith.extui %sign3A_1716 : i1 to i32
      %sign3A_1718 = arith.subi %sign3A_1714, %sign3A_1717 : i32
      %ne3A_1719 = arith.cmpi ne, %sign3A_1711, %sign3A_1718 : i32
      %rem3A_1720 = arith.remsi %add3A_1648, %jit3A_1703 : i32
      %ne3A_1721 = arith.constant 0 : i32
      %ne3A_1722 = arith.cmpi ne, %rem3A_1720, %ne3A_1721 : i32
      %and3A_1723 = arith.andi %ne3A_1719, %ne3A_1722 : i1
      %sub3A_1724 = arith.constant 1 : i32
      %sub3A_1725 = arith.subi %div3A_1704, %sub3A_1724 : i32
      %select_n3A_1726 = arith.select %and3A_1723, %sub3A_1725, %div3A_1704 : i32
      %jit3A_1727 = arith.constant 8 : i32
      %eq3A_1728 = arith.constant 0 : i32
      %eq3A_1729 = arith.cmpi eq, %jit3A_1727, %eq3A_1728 : i32
      %jit3A_1730 = arith.constant 1 : i32
      %select_n3A_1731 = arith.select %eq3A_1729, %jit3A_1730, %jit3A_1727 : i32
      %rem3A_1732 = arith.remsi %add3A_1648, %select_n3A_1731 : i32
      %ne3A_1733 = arith.constant 0 : i32
      %ne3A_1734 = arith.cmpi ne, %rem3A_1732, %ne3A_1733 : i32
      %lt3A_1735 = arith.constant 0 : i32
      %lt3A_1736 = arith.cmpi slt, %rem3A_1732, %lt3A_1735 : i32
      %lt3A_1737 = arith.constant 0 : i32
      %lt3A_1738 = arith.cmpi slt, %select_n3A_1731, %lt3A_1737 : i32
      %ne3A_1739 = arith.xori %lt3A_1736, %lt3A_1738 : i1
      %and3A_1740 = arith.andi %ne3A_1739, %ne3A_1734 : i1
      %add3A_1741 = arith.addi %rem3A_1732, %select_n3A_1731 : i32
      %select_n3A_1742 = arith.select %and3A_1740, %add3A_1741, %rem3A_1732 : i32
      %mul3A_1743 = arith.constant 64 : i32
      %mul3A_1744 = arith.muli %select_n3A_1742, %mul3A_1743 : i32
      %add3A_1745 = arith.addi %mul3A_2, %mul3A_1744 : i32
      %dma_start3A_1746 = arith.constant 9 : i32
      %dma_start3A_1747 = arith.constant 0 : i32
      %dma_start3A_1748 = arith.constant 0 : i32
      %dma_start3A_1749 = tpu.memref_slice %arg6[%dma_start3A_1746, %dma_start3A_1747, %dma_start3A_1748] : memref<10x64x128xf32, #tpu.memory_space<vmem>> -> memref<1x64x128xf32, #tpu.memory_space<vmem>>
      %dma_start3A_1750 = tpu.memref_squeeze %dma_start3A_1749 : memref<1x64x128xf32, #tpu.memory_space<vmem>> -> memref<64x128xf32, #tpu.memory_space<vmem>>
      %dma_start3A_1751 = arith.constant 0 : i32
      %dma_start3A_1752 = tpu.memref_slice %arg4[%select_n3A_1726, %add3A_1745, %dma_start3A_1751] : memref<20x16384x128xf32, #tpu.memory_space<hbm>> -> memref<1x64x128xf32, #tpu.memory_space<hbm>>
      %dma_start3A_1753 = tpu.memref_squeeze %dma_start3A_1752 : memref<1x64x128xf32, #tpu.memory_space<hbm>> -> memref<64x128xf32, #tpu.memory_space<hbm>>
      %dma_start3A_1754 = arith.constant 0 : i32
      %dma_start3A_1755 = tpu.memref_slice %arg4[%select_n3A_1726, %add3A_1745, %dma_start3A_1754] : memref<20x16384x128xf32, #tpu.memory_space<hbm>> -> memref<1x64x128xf32, #tpu.memory_space<hbm>>
      %dma_start3A_1756 = tpu.memref_squeeze %dma_start3A_1755 : memref<1x64x128xf32, #tpu.memory_space<hbm>> -> memref<64x128xf32, #tpu.memory_space<hbm>>
      %dma_start3A_1757 = arith.constant 0 : i32
      %dma_start3A_1758 = arith.constant 0 : i32
      %dma_start3A_1759 = tpu.memref_slice %arg6[%dma_start3A_1746, %dma_start3A_1757, %dma_start3A_1758] : memref<10x64x128xf32, #tpu.memory_space<vmem>> -> memref<1x64x128xf32, #tpu.memory_space<vmem>>
      %dma_start3A_1760 = tpu.memref_squeeze %dma_start3A_1759 : memref<1x64x128xf32, #tpu.memory_space<vmem>> -> memref<64x128xf32, #tpu.memory_space<vmem>>
      tpu.enqueue_dma source(%dma_start3A_1760 : memref<64x128xf32, #tpu.memory_space<vmem>>) target(%dma_start3A_1756 : memref<64x128xf32, #tpu.memory_space<hbm>>) target_semaphore(%arg27 : memref<!tpu.dma_semaphore, #tpu.memory_space<semaphore_mem>>)
      %mul3A_1761 = arith.constant 10 : i32
      %mul3A_1762 = arith.muli %scan3A_610, %mul3A_1761 : i32
      %add3A_1763 = arith.constant 0 : i32
      %add3A_1764 = arith.addi %mul3A_1762, %add3A_1763 : i32
      %jit3A_1765 = arith.constant 8 : i32
      %div3A_1766 = arith.divsi %add3A_1764, %jit3A_1765 : i32
      %sign3A_1767 = arith.constant 0 : i32
      %sign3A_1768 = arith.cmpi sgt, %add3A_1764, %sign3A_1767 : i32
      %sign3A_1769 = arith.extui %sign3A_1768 : i1 to i32
      %sign3A_1770 = arith.constant 0 : i32
      %sign3A_1771 = arith.cmpi slt, %add3A_1764, %sign3A_1770 : i32
      %sign3A_1772 = arith.extui %sign3A_1771 : i1 to i32
      %sign3A_1773 = arith.subi %sign3A_1769, %sign3A_1772 : i32
      %sign3A_1774 = arith.constant 0 : i32
      %sign3A_1775 = arith.cmpi sgt, %jit3A_1765, %sign3A_1774 : i32
      %sign3A_1776 = arith.extui %sign3A_1775 : i1 to i32
      %sign3A_1777 = arith.constant 0 : i32
      %sign3A_1778 = arith.cmpi slt, %jit3A_1765, %sign3A_1777 : i32
      %sign3A_1779 = arith.extui %sign3A_1778 : i1 to i32
      %sign3A_1780 = arith.subi %sign3A_1776, %sign3A_1779 : i32
      %ne3A_1781 = arith.cmpi ne, %sign3A_1773, %sign3A_1780 : i32
      %rem3A_1782 = arith.remsi %add3A_1764, %jit3A_1765 : i32
      %ne3A_1783 = arith.constant 0 : i32
      %ne3A_1784 = arith.cmpi ne, %rem3A_1782, %ne3A_1783 : i32
      %and3A_1785 = arith.andi %ne3A_1781, %ne3A_1784 : i1
      %sub3A_1786 = arith.constant 1 : i32
      %sub3A_1787 = arith.subi %div3A_1766, %sub3A_1786 : i32
      %select_n3A_1788 = arith.select %and3A_1785, %sub3A_1787, %div3A_1766 : i32
      %jit3A_1789 = arith.constant 8 : i32
      %eq3A_1790 = arith.constant 0 : i32
      %eq3A_1791 = arith.cmpi eq, %jit3A_1789, %eq3A_1790 : i32
      %jit3A_1792 = arith.constant 1 : i32
      %select_n3A_1793 = arith.select %eq3A_1791, %jit3A_1792, %jit3A_1789 : i32
      %rem3A_1794 = arith.remsi %add3A_1764, %select_n3A_1793 : i32
      %ne3A_1795 = arith.constant 0 : i32
      %ne3A_1796 = arith.cmpi ne, %rem3A_1794, %ne3A_1795 : i32
      %lt3A_1797 = arith.constant 0 : i32
      %lt3A_1798 = arith.cmpi slt, %rem3A_1794, %lt3A_1797 : i32
      %lt3A_1799 = arith.constant 0 : i32
      %lt3A_1800 = arith.cmpi slt, %select_n3A_1793, %lt3A_1799 : i32
      %ne3A_1801 = arith.xori %lt3A_1798, %lt3A_1800 : i1
      %and3A_1802 = arith.andi %ne3A_1801, %ne3A_1796 : i1
      %add3A_1803 = arith.addi %rem3A_1794, %select_n3A_1793 : i32
      %select_n3A_1804 = arith.select %and3A_1802, %add3A_1803, %rem3A_1794 : i32
      %mul3A_1805 = arith.constant 64 : i32
      %mul3A_1806 = arith.muli %select_n3A_1804, %mul3A_1805 : i32
      %add3A_1807 = arith.addi %mul3A_2, %mul3A_1806 : i32
      %dma_wait3A_1808 = arith.constant 0 : i32
      %dma_wait3A_1809 = arith.constant 0 : i32
      %dma_wait3A_1810 = arith.constant 0 : i32
      %dma_wait3A_1811 = tpu.memref_slice %arg6[%dma_wait3A_1808, %dma_wait3A_1809, %dma_wait3A_1810] : memref<10x64x128xf32, #tpu.memory_space<vmem>> -> memref<1x64x128xf32, #tpu.memory_space<vmem>>
      %dma_wait3A_1812 = tpu.memref_squeeze %dma_wait3A_1811 : memref<1x64x128xf32, #tpu.memory_space<vmem>> -> memref<64x128xf32, #tpu.memory_space<vmem>>
      %dma_wait3A_1813 = arith.constant 0 : i32
      %dma_wait3A_1814 = tpu.memref_slice %arg4[%select_n3A_1788, %add3A_1807, %dma_wait3A_1813] : memref<20x16384x128xf32, #tpu.memory_space<hbm>> -> memref<1x64x128xf32, #tpu.memory_space<hbm>>
      %dma_wait3A_1815 = tpu.memref_squeeze %dma_wait3A_1814 : memref<1x64x128xf32, #tpu.memory_space<hbm>> -> memref<64x128xf32, #tpu.memory_space<hbm>>
      %dma_wait3A_1816 = arith.constant 0 : i32
      %dma_wait3A_1817 = tpu.memref_slice %arg4[%select_n3A_1788, %add3A_1807, %dma_wait3A_1816] : memref<20x16384x128xf32, #tpu.memory_space<hbm>> -> memref<1x64x128xf32, #tpu.memory_space<hbm>>
      %dma_wait3A_1818 = tpu.memref_squeeze %dma_wait3A_1817 : memref<1x64x128xf32, #tpu.memory_space<hbm>> -> memref<64x128xf32, #tpu.memory_space<hbm>>
      %dma_wait3A_1819 = arith.constant 0 : i32
      %dma_wait3A_1820 = arith.constant 0 : i32
      %dma_wait3A_1821 = tpu.memref_slice %arg6[%dma_wait3A_1808, %dma_wait3A_1819, %dma_wait3A_1820] : memref<10x64x128xf32, #tpu.memory_space<vmem>> -> memref<1x64x128xf32, #tpu.memory_space<vmem>>
      %dma_wait3A_1822 = tpu.memref_squeeze %dma_wait3A_1821 : memref<1x64x128xf32, #tpu.memory_space<vmem>> -> memref<64x128xf32, #tpu.memory_space<vmem>>
      tpu.wait_dma2 semaphore(%arg18 : memref<!tpu.dma_semaphore, #tpu.memory_space<semaphore_mem>>) src(%dma_wait3A_1822 : memref<64x128xf32, #tpu.memory_space<vmem>>) dst(%dma_wait3A_1818 : memref<64x128xf32, #tpu.memory_space<hbm>>)
      %add3A_1823 = arith.constant 10 : i32
      %add3A_1824 = arith.addi %add3A_1764, %add3A_1823 : i32
      %jit3A_1825 = arith.constant 8 : i32
      %div3A_1826 = arith.divsi %add3A_1824, %jit3A_1825 : i32
      %sign3A_1827 = arith.constant 0 : i32
      %sign3A_1828 = arith.cmpi sgt, %add3A_1824, %sign3A_1827 : i32
      %sign3A_1829 = arith.extui %sign3A_1828 : i1 to i32
      %sign3A_1830 = arith.constant 0 : i32
      %sign3A_1831 = arith.cmpi slt, %add3A_1824, %sign3A_1830 : i32
      %sign3A_1832 = arith.extui %sign3A_1831 : i1 to i32
      %sign3A_1833 = arith.subi %sign3A_1829, %sign3A_1832 : i32
      %sign3A_1834 = arith.constant 0 : i32
      %sign3A_1835 = arith.cmpi sgt, %jit3A_1825, %sign3A_1834 : i32
      %sign3A_1836 = arith.extui %sign3A_1835 : i1 to i32
      %sign3A_1837 = arith.constant 0 : i32
      %sign3A_1838 = arith.cmpi slt, %jit3A_1825, %sign3A_1837 : i32
      %sign3A_1839 = arith.extui %sign3A_1838 : i1 to i32
      %sign3A_1840 = arith.subi %sign3A_1836, %sign3A_1839 : i32
      %ne3A_1841 = arith.cmpi ne, %sign3A_1833, %sign3A_1840 : i32
      %rem3A_1842 = arith.remsi %add3A_1824, %jit3A_1825 : i32
      %ne3A_1843 = arith.constant 0 : i32
      %ne3A_1844 = arith.cmpi ne, %rem3A_1842, %ne3A_1843 : i32
      %and3A_1845 = arith.andi %ne3A_1841, %ne3A_1844 : i1
      %sub3A_1846 = arith.constant 1 : i32
      %sub3A_1847 = arith.subi %div3A_1826, %sub3A_1846 : i32
      %select_n3A_1848 = arith.select %and3A_1845, %sub3A_1847, %div3A_1826 : i32
      %jit3A_1849 = arith.constant 8 : i32
      %eq3A_1850 = arith.constant 0 : i32
      %eq3A_1851 = arith.cmpi eq, %jit3A_1849, %eq3A_1850 : i32
      %jit3A_1852 = arith.constant 1 : i32
      %select_n3A_1853 = arith.select %eq3A_1851, %jit3A_1852, %jit3A_1849 : i32
      %rem3A_1854 = arith.remsi %add3A_1824, %select_n3A_1853 : i32
      %ne3A_1855 = arith.constant 0 : i32
      %ne3A_1856 = arith.cmpi ne, %rem3A_1854, %ne3A_1855 : i32
      %lt3A_1857 = arith.constant 0 : i32
      %lt3A_1858 = arith.cmpi slt, %rem3A_1854, %lt3A_1857 : i32
      %lt3A_1859 = arith.constant 0 : i32
      %lt3A_1860 = arith.cmpi slt, %select_n3A_1853, %lt3A_1859 : i32
      %ne3A_1861 = arith.xori %lt3A_1858, %lt3A_1860 : i1
      %and3A_1862 = arith.andi %ne3A_1861, %ne3A_1856 : i1
      %add3A_1863 = arith.addi %rem3A_1854, %select_n3A_1853 : i32
      %select_n3A_1864 = arith.select %and3A_1862, %add3A_1863, %rem3A_1854 : i32
      %mul3A_1865 = arith.constant 64 : i32
      %mul3A_1866 = arith.muli %select_n3A_1864, %mul3A_1865 : i32
      %add3A_1867 = arith.constant 0 : i32
      %add3A_1868 = arith.addi %mul3A_1866, %add3A_1867 : i32
      %dma_start3A_1869 = arith.constant 0 : i32
      %dma_start3A_1870 = arith.constant 0 : i32
      %dma_start3A_1871 = arith.constant 0 : i32
      %dma_start3A_1872 = tpu.memref_slice %arg6[%dma_start3A_1869, %dma_start3A_1870, %dma_start3A_1871] : memref<10x64x128xf32, #tpu.memory_space<vmem>> -> memref<1x64x128xf32, #tpu.memory_space<vmem>>
      %dma_start3A_1873 = tpu.memref_squeeze %dma_start3A_1872 : memref<1x64x128xf32, #tpu.memory_space<vmem>> -> memref<64x128xf32, #tpu.memory_space<vmem>>
      %dma_start3A_1874 = tpu.memref_slice %arg5[%select_n3A_1848, %add3A_1868] : memref<20x512xi32, #tpu.memory_space<vmem>> -> memref<1x64xi32, #tpu.memory_space<vmem>>
      %dma_start3A_1875 = tpu.memref_squeeze %dma_start3A_1874 : memref<1x64xi32, #tpu.memory_space<vmem>> -> memref<64xi32, #tpu.memory_space<vmem>>
      %dma_start3A_1876 = arith.constant 0 : i32
      %dma_start3A_1877 = arith.constant 0 : i32
      %dma_start3A_1878 = tpu.memref_slice %arg7[%dma_start3A_1876, %dma_start3A_1877] : memref<1024x128xf32, #tpu.memory_space<vmem_shared>> -> memref<1024x128xf32, #tpu.memory_space<vmem_shared>>
      tpu.enqueue_indirect_dma source(%dma_start3A_1878 : memref<1024x128xf32, #tpu.memory_space<vmem_shared>>) target(%dma_start3A_1873 : memref<64x128xf32, #tpu.memory_space<vmem>>) offsets(%dma_start3A_1875 : memref<64xi32, #tpu.memory_space<vmem>>) semaphore(%arg8 : memref<!tpu.dma_semaphore, #tpu.memory_space<semaphore_mem>>)
      %mul3A_1879 = arith.constant 10 : i32
      %mul3A_1880 = arith.muli %scan3A_610, %mul3A_1879 : i32
      %add3A_1881 = arith.constant 1 : i32
      %add3A_1882 = arith.addi %mul3A_1880, %add3A_1881 : i32
      %jit3A_1883 = arith.constant 8 : i32
      %div3A_1884 = arith.divsi %add3A_1882, %jit3A_1883 : i32
      %sign3A_1885 = arith.constant 0 : i32
      %sign3A_1886 = arith.cmpi sgt, %add3A_1882, %sign3A_1885 : i32
      %sign3A_1887 = arith.extui %sign3A_1886 : i1 to i32
      %sign3A_1888 = arith.constant 0 : i32
      %sign3A_1889 = arith.cmpi slt, %add3A_1882, %sign3A_1888 : i32
      %sign3A_1890 = arith.extui %sign3A_1889 : i1 to i32
      %sign3A_1891 = arith.subi %sign3A_1887, %sign3A_1890 : i32
      %sign3A_1892 = arith.constant 0 : i32
      %sign3A_1893 = arith.cmpi sgt, %jit3A_1883, %sign3A_1892 : i32
      %sign3A_1894 = arith.extui %sign3A_1893 : i1 to i32
      %sign3A_1895 = arith.constant 0 : i32
      %sign3A_1896 = arith.cmpi slt, %jit3A_1883, %sign3A_1895 : i32
      %sign3A_1897 = arith.extui %sign3A_1896 : i1 to i32
      %sign3A_1898 = arith.subi %sign3A_1894, %sign3A_1897 : i32
      %ne3A_1899 = arith.cmpi ne, %sign3A_1891, %sign3A_1898 : i32
      %rem3A_1900 = arith.remsi %add3A_1882, %jit3A_1883 : i32
      %ne3A_1901 = arith.constant 0 : i32
      %ne3A_1902 = arith.cmpi ne, %rem3A_1900, %ne3A_1901 : i32
      %and3A_1903 = arith.andi %ne3A_1899, %ne3A_1902 : i1
      %sub3A_1904 = arith.constant 1 : i32
      %sub3A_1905 = arith.subi %div3A_1884, %sub3A_1904 : i32
      %select_n3A_1906 = arith.select %and3A_1903, %sub3A_1905, %div3A_1884 : i32
      %jit3A_1907 = arith.constant 8 : i32
      %eq3A_1908 = arith.constant 0 : i32
      %eq3A_1909 = arith.cmpi eq, %jit3A_1907, %eq3A_1908 : i32
      %jit3A_1910 = arith.constant 1 : i32
      %select_n3A_1911 = arith.select %eq3A_1909, %jit3A_1910, %jit3A_1907 : i32
      %rem3A_1912 = arith.remsi %add3A_1882, %select_n3A_1911 : i32
      %ne3A_1913 = arith.constant 0 : i32
      %ne3A_1914 = arith.cmpi ne, %rem3A_1912, %ne3A_1913 : i32
      %lt3A_1915 = arith.constant 0 : i32
      %lt3A_1916 = arith.cmpi slt, %rem3A_1912, %lt3A_1915 : i32
      %lt3A_1917 = arith.constant 0 : i32
      %lt3A_1918 = arith.cmpi slt, %select_n3A_1911, %lt3A_1917 : i32
      %ne3A_1919 = arith.xori %lt3A_1916, %lt3A_1918 : i1
      %and3A_1920 = arith.andi %ne3A_1919, %ne3A_1914 : i1
      %add3A_1921 = arith.addi %rem3A_1912, %select_n3A_1911 : i32
      %select_n3A_1922 = arith.select %and3A_1920, %add3A_1921, %rem3A_1912 : i32
      %mul3A_1923 = arith.constant 64 : i32
      %mul3A_1924 = arith.muli %select_n3A_1922, %mul3A_1923 : i32
      %add3A_1925 = arith.addi %mul3A_2, %mul3A_1924 : i32
      %dma_wait3A_1926 = arith.constant 1 : i32
      %dma_wait3A_1927 = arith.constant 0 : i32
      %dma_wait3A_1928 = arith.constant 0 : i32
      %dma_wait3A_1929 = tpu.memref_slice %arg6[%dma_wait3A_1926, %dma_wait3A_1927, %dma_wait3A_1928] : memref<10x64x128xf32, #tpu.memory_space<vmem>> -> memref<1x64x128xf32, #tpu.memory_space<vmem>>
      %dma_wait3A_1930 = tpu.memref_squeeze %dma_wait3A_1929 : memref<1x64x128xf32, #tpu.memory_space<vmem>> -> memref<64x128xf32, #tpu.memory_space<vmem>>
      %dma_wait3A_1931 = arith.constant 0 : i32
      %dma_wait3A_1932 = tpu.memref_slice %arg4[%select_n3A_1906, %add3A_1925, %dma_wait3A_1931] : memref<20x16384x128xf32, #tpu.memory_space<hbm>> -> memref<1x64x128xf32, #tpu.memory_space<hbm>>
      %dma_wait3A_1933 = tpu.memref_squeeze %dma_wait3A_1932 : memref<1x64x128xf32, #tpu.memory_space<hbm>> -> memref<64x128xf32, #tpu.memory_space<hbm>>
      %dma_wait3A_1934 = arith.constant 0 : i32
      %dma_wait3A_1935 = tpu.memref_slice %arg4[%select_n3A_1906, %add3A_1925, %dma_wait3A_1934] : memref<20x16384x128xf32, #tpu.memory_space<hbm>> -> memref<1x64x128xf32, #tpu.memory_space<hbm>>
      %dma_wait3A_1936 = tpu.memref_squeeze %dma_wait3A_1935 : memref<1x64x128xf32, #tpu.memory_space<hbm>> -> memref<64x128xf32, #tpu.memory_space<hbm>>
      %dma_wait3A_1937 = arith.constant 0 : i32
      %dma_wait3A_1938 = arith.constant 0 : i32
      %dma_wait3A_1939 = tpu.memref_slice %arg6[%dma_wait3A_1926, %dma_wait3A_1937, %dma_wait3A_1938] : memref<10x64x128xf32, #tpu.memory_space<vmem>> -> memref<1x64x128xf32, #tpu.memory_space<vmem>>
      %dma_wait3A_1940 = tpu.memref_squeeze %dma_wait3A_1939 : memref<1x64x128xf32, #tpu.memory_space<vmem>> -> memref<64x128xf32, #tpu.memory_space<vmem>>
      tpu.wait_dma2 semaphore(%arg19 : memref<!tpu.dma_semaphore, #tpu.memory_space<semaphore_mem>>) src(%dma_wait3A_1940 : memref<64x128xf32, #tpu.memory_space<vmem>>) dst(%dma_wait3A_1936 : memref<64x128xf32, #tpu.memory_space<hbm>>)
      %add3A_1941 = arith.constant 10 : i32
      %add3A_1942 = arith.addi %add3A_1882, %add3A_1941 : i32
      %jit3A_1943 = arith.constant 8 : i32
      %div3A_1944 = arith.divsi %add3A_1942, %jit3A_1943 : i32
      %sign3A_1945 = arith.constant 0 : i32
      %sign3A_1946 = arith.cmpi sgt, %add3A_1942, %sign3A_1945 : i32
      %sign3A_1947 = arith.extui %sign3A_1946 : i1 to i32
      %sign3A_1948 = arith.constant 0 : i32
      %sign3A_1949 = arith.cmpi slt, %add3A_1942, %sign3A_1948 : i32
      %sign3A_1950 = arith.extui %sign3A_1949 : i1 to i32
      %sign3A_1951 = arith.subi %sign3A_1947, %sign3A_1950 : i32
      %sign3A_1952 = arith.constant 0 : i32
      %sign3A_1953 = arith.cmpi sgt, %jit3A_1943, %sign3A_1952 : i32
      %sign3A_1954 = arith.extui %sign3A_1953 : i1 to i32
      %sign3A_1955 = arith.constant 0 : i32
      %sign3A_1956 = arith.cmpi slt, %jit3A_1943, %sign3A_1955 : i32
      %sign3A_1957 = arith.extui %sign3A_1956 : i1 to i32
      %sign3A_1958 = arith.subi %sign3A_1954, %sign3A_1957 : i32
      %ne3A_1959 = arith.cmpi ne, %sign3A_1951, %sign3A_1958 : i32
      %rem3A_1960 = arith.remsi %add3A_1942, %jit3A_1943 : i32
      %ne3A_1961 = arith.constant 0 : i32
      %ne3A_1962 = arith.cmpi ne, %rem3A_1960, %ne3A_1961 : i32
      %and3A_1963 = arith.andi %ne3A_1959, %ne3A_1962 : i1
      %sub3A_1964 = arith.constant 1 : i32
      %sub3A_1965 = arith.subi %div3A_1944, %sub3A_1964 : i32
      %select_n3A_1966 = arith.select %and3A_1963, %sub3A_1965, %div3A_1944 : i32
      %jit3A_1967 = arith.constant 8 : i32
      %eq3A_1968 = arith.constant 0 : i32
      %eq3A_1969 = arith.cmpi eq, %jit3A_1967, %eq3A_1968 : i32
      %jit3A_1970 = arith.constant 1 : i32
      %select_n3A_1971 = arith.select %eq3A_1969, %jit3A_1970, %jit3A_1967 : i32
      %rem3A_1972 = arith.remsi %add3A_1942, %select_n3A_1971 : i32
      %ne3A_1973 = arith.constant 0 : i32
      %ne3A_1974 = arith.cmpi ne, %rem3A_1972, %ne3A_1973 : i32
      %lt3A_1975 = arith.constant 0 : i32
      %lt3A_1976 = arith.cmpi slt, %rem3A_1972, %lt3A_1975 : i32
      %lt3A_1977 = arith.constant 0 : i32
      %lt3A_1978 = arith.cmpi slt, %select_n3A_1971, %lt3A_1977 : i32
      %ne3A_1979 = arith.xori %lt3A_1976, %lt3A_1978 : i1
      %and3A_1980 = arith.andi %ne3A_1979, %ne3A_1974 : i1
      %add3A_1981 = arith.addi %rem3A_1972, %select_n3A_1971 : i32
      %select_n3A_1982 = arith.select %and3A_1980, %add3A_1981, %rem3A_1972 : i32
      %mul3A_1983 = arith.constant 64 : i32
      %mul3A_1984 = arith.muli %select_n3A_1982, %mul3A_1983 : i32
      %add3A_1985 = arith.constant 0 : i32
      %add3A_1986 = arith.addi %mul3A_1984, %add3A_1985 : i32
      %dma_start3A_1987 = arith.constant 1 : i32
      %dma_start3A_1988 = arith.constant 0 : i32
      %dma_start3A_1989 = arith.constant 0 : i32
      %dma_start3A_1990 = tpu.memref_slice %arg6[%dma_start3A_1987, %dma_start3A_1988, %dma_start3A_1989] : memref<10x64x128xf32, #tpu.memory_space<vmem>> -> memref<1x64x128xf32, #tpu.memory_space<vmem>>
      %dma_start3A_1991 = tpu.memref_squeeze %dma_start3A_1990 : memref<1x64x128xf32, #tpu.memory_space<vmem>> -> memref<64x128xf32, #tpu.memory_space<vmem>>
      %dma_start3A_1992 = tpu.memref_slice %arg5[%select_n3A_1966, %add3A_1986] : memref<20x512xi32, #tpu.memory_space<vmem>> -> memref<1x64xi32, #tpu.memory_space<vmem>>
      %dma_start3A_1993 = tpu.memref_squeeze %dma_start3A_1992 : memref<1x64xi32, #tpu.memory_space<vmem>> -> memref<64xi32, #tpu.memory_space<vmem>>
      %dma_start3A_1994 = arith.constant 0 : i32
      %dma_start3A_1995 = arith.constant 0 : i32
      %dma_start3A_1996 = tpu.memref_slice %arg7[%dma_start3A_1994, %dma_start3A_1995] : memref<1024x128xf32, #tpu.memory_space<vmem_shared>> -> memref<1024x128xf32, #tpu.memory_space<vmem_shared>>
      tpu.enqueue_indirect_dma source(%dma_start3A_1996 : memref<1024x128xf32, #tpu.memory_space<vmem_shared>>) target(%dma_start3A_1991 : memref<64x128xf32, #tpu.memory_space<vmem>>) offsets(%dma_start3A_1993 : memref<64xi32, #tpu.memory_space<vmem>>) semaphore(%arg9 : memref<!tpu.dma_semaphore, #tpu.memory_space<semaphore_mem>>)
      %mul3A_1997 = arith.constant 10 : i32
      %mul3A_1998 = arith.muli %scan3A_610, %mul3A_1997 : i32
      %add3A_1999 = arith.constant 2 : i32
      %add3A_2000 = arith.addi %mul3A_1998, %add3A_1999 : i32
      %jit3A_2001 = arith.constant 8 : i32
      %div3A_2002 = arith.divsi %add3A_2000, %jit3A_2001 : i32
      %sign3A_2003 = arith.constant 0 : i32
      %sign3A_2004 = arith.cmpi sgt, %add3A_2000, %sign3A_2003 : i32
      %sign3A_2005 = arith.extui %sign3A_2004 : i1 to i32
      %sign3A_2006 = arith.constant 0 : i32
      %sign3A_2007 = arith.cmpi slt, %add3A_2000, %sign3A_2006 : i32
      %sign3A_2008 = arith.extui %sign3A_2007 : i1 to i32
      %sign3A_2009 = arith.subi %sign3A_2005, %sign3A_2008 : i32
      %sign3A_2010 = arith.constant 0 : i32
      %sign3A_2011 = arith.cmpi sgt, %jit3A_2001, %sign3A_2010 : i32
      %sign3A_2012 = arith.extui %sign3A_2011 : i1 to i32
      %sign3A_2013 = arith.constant 0 : i32
      %sign3A_2014 = arith.cmpi slt, %jit3A_2001, %sign3A_2013 : i32
      %sign3A_2015 = arith.extui %sign3A_2014 : i1 to i32
      %sign3A_2016 = arith.subi %sign3A_2012, %sign3A_2015 : i32
      %ne3A_2017 = arith.cmpi ne, %sign3A_2009, %sign3A_2016 : i32
      %rem3A_2018 = arith.remsi %add3A_2000, %jit3A_2001 : i32
      %ne3A_2019 = arith.constant 0 : i32
      %ne3A_2020 = arith.cmpi ne, %rem3A_2018, %ne3A_2019 : i32
      %and3A_2021 = arith.andi %ne3A_2017, %ne3A_2020 : i1
      %sub3A_2022 = arith.constant 1 : i32
      %sub3A_2023 = arith.subi %div3A_2002, %sub3A_2022 : i32
      %select_n3A_2024 = arith.select %and3A_2021, %sub3A_2023, %div3A_2002 : i32
      %jit3A_2025 = arith.constant 8 : i32
      %eq3A_2026 = arith.constant 0 : i32
      %eq3A_2027 = arith.cmpi eq, %jit3A_2025, %eq3A_2026 : i32
      %jit3A_2028 = arith.constant 1 : i32
      %select_n3A_2029 = arith.select %eq3A_2027, %jit3A_2028, %jit3A_2025 : i32
      %rem3A_2030 = arith.remsi %add3A_2000, %select_n3A_2029 : i32
      %ne3A_2031 = arith.constant 0 : i32
      %ne3A_2032 = arith.cmpi ne, %rem3A_2030, %ne3A_2031 : i32
      %lt3A_2033 = arith.constant 0 : i32
      %lt3A_2034 = arith.cmpi slt, %rem3A_2030, %lt3A_2033 : i32
      %lt3A_2035 = arith.constant 0 : i32
      %lt3A_2036 = arith.cmpi slt, %select_n3A_2029, %lt3A_2035 : i32
      %ne3A_2037 = arith.xori %lt3A_2034, %lt3A_2036 : i1
      %and3A_2038 = arith.andi %ne3A_2037, %ne3A_2032 : i1
      %add3A_2039 = arith.addi %rem3A_2030, %select_n3A_2029 : i32
      %select_n3A_2040 = arith.select %and3A_2038, %add3A_2039, %rem3A_2030 : i32
      %mul3A_2041 = arith.constant 64 : i32
      %mul3A_2042 = arith.muli %select_n3A_2040, %mul3A_2041 : i32
      %add3A_2043 = arith.addi %mul3A_2, %mul3A_2042 : i32
      %dma_wait3A_2044 = arith.constant 2 : i32
      %dma_wait3A_2045 = arith.constant 0 : i32
      %dma_wait3A_2046 = arith.constant 0 : i32
      %dma_wait3A_2047 = tpu.memref_slice %arg6[%dma_wait3A_2044, %dma_wait3A_2045, %dma_wait3A_2046] : memref<10x64x128xf32, #tpu.memory_space<vmem>> -> memref<1x64x128xf32, #tpu.memory_space<vmem>>
      %dma_wait3A_2048 = tpu.memref_squeeze %dma_wait3A_2047 : memref<1x64x128xf32, #tpu.memory_space<vmem>> -> memref<64x128xf32, #tpu.memory_space<vmem>>
      %dma_wait3A_2049 = arith.constant 0 : i32
      %dma_wait3A_2050 = tpu.memref_slice %arg4[%select_n3A_2024, %add3A_2043, %dma_wait3A_2049] : memref<20x16384x128xf32, #tpu.memory_space<hbm>> -> memref<1x64x128xf32, #tpu.memory_space<hbm>>
      %dma_wait3A_2051 = tpu.memref_squeeze %dma_wait3A_2050 : memref<1x64x128xf32, #tpu.memory_space<hbm>> -> memref<64x128xf32, #tpu.memory_space<hbm>>
      %dma_wait3A_2052 = arith.constant 0 : i32
      %dma_wait3A_2053 = tpu.memref_slice %arg4[%select_n3A_2024, %add3A_2043, %dma_wait3A_2052] : memref<20x16384x128xf32, #tpu.memory_space<hbm>> -> memref<1x64x128xf32, #tpu.memory_space<hbm>>
      %dma_wait3A_2054 = tpu.memref_squeeze %dma_wait3A_2053 : memref<1x64x128xf32, #tpu.memory_space<hbm>> -> memref<64x128xf32, #tpu.memory_space<hbm>>
      %dma_wait3A_2055 = arith.constant 0 : i32
      %dma_wait3A_2056 = arith.constant 0 : i32
      %dma_wait3A_2057 = tpu.memref_slice %arg6[%dma_wait3A_2044, %dma_wait3A_2055, %dma_wait3A_2056] : memref<10x64x128xf32, #tpu.memory_space<vmem>> -> memref<1x64x128xf32, #tpu.memory_space<vmem>>
      %dma_wait3A_2058 = tpu.memref_squeeze %dma_wait3A_2057 : memref<1x64x128xf32, #tpu.memory_space<vmem>> -> memref<64x128xf32, #tpu.memory_space<vmem>>
      tpu.wait_dma2 semaphore(%arg20 : memref<!tpu.dma_semaphore, #tpu.memory_space<semaphore_mem>>) src(%dma_wait3A_2058 : memref<64x128xf32, #tpu.memory_space<vmem>>) dst(%dma_wait3A_2054 : memref<64x128xf32, #tpu.memory_space<hbm>>)
      %add3A_2059 = arith.constant 10 : i32
      %add3A_2060 = arith.addi %add3A_2000, %add3A_2059 : i32
      %jit3A_2061 = arith.constant 8 : i32
      %div3A_2062 = arith.divsi %add3A_2060, %jit3A_2061 : i32
      %sign3A_2063 = arith.constant 0 : i32
      %sign3A_2064 = arith.cmpi sgt, %add3A_2060, %sign3A_2063 : i32
      %sign3A_2065 = arith.extui %sign3A_2064 : i1 to i32
      %sign3A_2066 = arith.constant 0 : i32
      %sign3A_2067 = arith.cmpi slt, %add3A_2060, %sign3A_2066 : i32
      %sign3A_2068 = arith.extui %sign3A_2067 : i1 to i32
      %sign3A_2069 = arith.subi %sign3A_2065, %sign3A_2068 : i32
      %sign3A_2070 = arith.constant 0 : i32
      %sign3A_2071 = arith.cmpi sgt, %jit3A_2061, %sign3A_2070 : i32
      %sign3A_2072 = arith.extui %sign3A_2071 : i1 to i32
      %sign3A_2073 = arith.constant 0 : i32
      %sign3A_2074 = arith.cmpi slt, %jit3A_2061, %sign3A_2073 : i32
      %sign3A_2075 = arith.extui %sign3A_2074 : i1 to i32
      %sign3A_2076 = arith.subi %sign3A_2072, %sign3A_2075 : i32
      %ne3A_2077 = arith.cmpi ne, %sign3A_2069, %sign3A_2076 : i32
      %rem3A_2078 = arith.remsi %add3A_2060, %jit3A_2061 : i32
      %ne3A_2079 = arith.constant 0 : i32
      %ne3A_2080 = arith.cmpi ne, %rem3A_2078, %ne3A_2079 : i32
      %and3A_2081 = arith.andi %ne3A_2077, %ne3A_2080 : i1
      %sub3A_2082 = arith.constant 1 : i32
      %sub3A_2083 = arith.subi %div3A_2062, %sub3A_2082 : i32
      %select_n3A_2084 = arith.select %and3A_2081, %sub3A_2083, %div3A_2062 : i32
      %jit3A_2085 = arith.constant 8 : i32
      %eq3A_2086 = arith.constant 0 : i32
      %eq3A_2087 = arith.cmpi eq, %jit3A_2085, %eq3A_2086 : i32
      %jit3A_2088 = arith.constant 1 : i32
      %select_n3A_2089 = arith.select %eq3A_2087, %jit3A_2088, %jit3A_2085 : i32
      %rem3A_2090 = arith.remsi %add3A_2060, %select_n3A_2089 : i32
      %ne3A_2091 = arith.constant 0 : i32
      %ne3A_2092 = arith.cmpi ne, %rem3A_2090, %ne3A_2091 : i32
      %lt3A_2093 = arith.constant 0 : i32
      %lt3A_2094 = arith.cmpi slt, %rem3A_2090, %lt3A_2093 : i32
      %lt3A_2095 = arith.constant 0 : i32
      %lt3A_2096 = arith.cmpi slt, %select_n3A_2089, %lt3A_2095 : i32
      %ne3A_2097 = arith.xori %lt3A_2094, %lt3A_2096 : i1
      %and3A_2098 = arith.andi %ne3A_2097, %ne3A_2092 : i1
      %add3A_2099 = arith.addi %rem3A_2090, %select_n3A_2089 : i32
      %select_n3A_2100 = arith.select %and3A_2098, %add3A_2099, %rem3A_2090 : i32
      %mul3A_2101 = arith.constant 64 : i32
      %mul3A_2102 = arith.muli %select_n3A_2100, %mul3A_2101 : i32
      %add3A_2103 = arith.constant 0 : i32
      %add3A_2104 = arith.addi %mul3A_2102, %add3A_2103 : i32
      %dma_start3A_2105 = arith.constant 2 : i32
      %dma_start3A_2106 = arith.constant 0 : i32
      %dma_start3A_2107 = arith.constant 0 : i32
      %dma_start3A_2108 = tpu.memref_slice %arg6[%dma_start3A_2105, %dma_start3A_2106, %dma_start3A_2107] : memref<10x64x128xf32, #tpu.memory_space<vmem>> -> memref<1x64x128xf32, #tpu.memory_space<vmem>>
      %dma_start3A_2109 = tpu.memref_squeeze %dma_start3A_2108 : memref<1x64x128xf32, #tpu.memory_space<vmem>> -> memref<64x128xf32, #tpu.memory_space<vmem>>
      %dma_start3A_2110 = tpu.memref_slice %arg5[%select_n3A_2084, %add3A_2104] : memref<20x512xi32, #tpu.memory_space<vmem>> -> memref<1x64xi32, #tpu.memory_space<vmem>>
      %dma_start3A_2111 = tpu.memref_squeeze %dma_start3A_2110 : memref<1x64xi32, #tpu.memory_space<vmem>> -> memref<64xi32, #tpu.memory_space<vmem>>
      %dma_start3A_2112 = arith.constant 0 : i32
      %dma_start3A_2113 = arith.constant 0 : i32
      %dma_start3A_2114 = tpu.memref_slice %arg7[%dma_start3A_2112, %dma_start3A_2113] : memref<1024x128xf32, #tpu.memory_space<vmem_shared>> -> memref<1024x128xf32, #tpu.memory_space<vmem_shared>>
      tpu.enqueue_indirect_dma source(%dma_start3A_2114 : memref<1024x128xf32, #tpu.memory_space<vmem_shared>>) target(%dma_start3A_2109 : memref<64x128xf32, #tpu.memory_space<vmem>>) offsets(%dma_start3A_2111 : memref<64xi32, #tpu.memory_space<vmem>>) semaphore(%arg10 : memref<!tpu.dma_semaphore, #tpu.memory_space<semaphore_mem>>)
      %mul3A_2115 = arith.constant 10 : i32
      %mul3A_2116 = arith.muli %scan3A_610, %mul3A_2115 : i32
      %add3A_2117 = arith.constant 3 : i32
      %add3A_2118 = arith.addi %mul3A_2116, %add3A_2117 : i32
      %jit3A_2119 = arith.constant 8 : i32
      %div3A_2120 = arith.divsi %add3A_2118, %jit3A_2119 : i32
      %sign3A_2121 = arith.constant 0 : i32
      %sign3A_2122 = arith.cmpi sgt, %add3A_2118, %sign3A_2121 : i32
      %sign3A_2123 = arith.extui %sign3A_2122 : i1 to i32
      %sign3A_2124 = arith.constant 0 : i32
      %sign3A_2125 = arith.cmpi slt, %add3A_2118, %sign3A_2124 : i32
      %sign3A_2126 = arith.extui %sign3A_2125 : i1 to i32
      %sign3A_2127 = arith.subi %sign3A_2123, %sign3A_2126 : i32
      %sign3A_2128 = arith.constant 0 : i32
      %sign3A_2129 = arith.cmpi sgt, %jit3A_2119, %sign3A_2128 : i32
      %sign3A_2130 = arith.extui %sign3A_2129 : i1 to i32
      %sign3A_2131 = arith.constant 0 : i32
      %sign3A_2132 = arith.cmpi slt, %jit3A_2119, %sign3A_2131 : i32
      %sign3A_2133 = arith.extui %sign3A_2132 : i1 to i32
      %sign3A_2134 = arith.subi %sign3A_2130, %sign3A_2133 : i32
      %ne3A_2135 = arith.cmpi ne, %sign3A_2127, %sign3A_2134 : i32
      %rem3A_2136 = arith.remsi %add3A_2118, %jit3A_2119 : i32
      %ne3A_2137 = arith.constant 0 : i32
      %ne3A_2138 = arith.cmpi ne, %rem3A_2136, %ne3A_2137 : i32
      %and3A_2139 = arith.andi %ne3A_2135, %ne3A_2138 : i1
      %sub3A_2140 = arith.constant 1 : i32
      %sub3A_2141 = arith.subi %div3A_2120, %sub3A_2140 : i32
      %select_n3A_2142 = arith.select %and3A_2139, %sub3A_2141, %div3A_2120 : i32
      %jit3A_2143 = arith.constant 8 : i32
      %eq3A_2144 = arith.constant 0 : i32
      %eq3A_2145 = arith.cmpi eq, %jit3A_2143, %eq3A_2144 : i32
      %jit3A_2146 = arith.constant 1 : i32
      %select_n3A_2147 = arith.select %eq3A_2145, %jit3A_2146, %jit3A_2143 : i32
      %rem3A_2148 = arith.remsi %add3A_2118, %select_n3A_2147 : i32
      %ne3A_2149 = arith.constant 0 : i32
      %ne3A_2150 = arith.cmpi ne, %rem3A_2148, %ne3A_2149 : i32
      %lt3A_2151 = arith.constant 0 : i32
      %lt3A_2152 = arith.cmpi slt, %rem3A_2148, %lt3A_2151 : i32
      %lt3A_2153 = arith.constant 0 : i32
      %lt3A_2154 = arith.cmpi slt, %select_n3A_2147, %lt3A_2153 : i32
      %ne3A_2155 = arith.xori %lt3A_2152, %lt3A_2154 : i1
      %and3A_2156 = arith.andi %ne3A_2155, %ne3A_2150 : i1
      %add3A_2157 = arith.addi %rem3A_2148, %select_n3A_2147 : i32
      %select_n3A_2158 = arith.select %and3A_2156, %add3A_2157, %rem3A_2148 : i32
      %mul3A_2159 = arith.constant 64 : i32
      %mul3A_2160 = arith.muli %select_n3A_2158, %mul3A_2159 : i32
      %add3A_2161 = arith.addi %mul3A_2, %mul3A_2160 : i32
      %dma_wait3A_2162 = arith.constant 3 : i32
      %dma_wait3A_2163 = arith.constant 0 : i32
      %dma_wait3A_2164 = arith.constant 0 : i32
      %dma_wait3A_2165 = tpu.memref_slice %arg6[%dma_wait3A_2162, %dma_wait3A_2163, %dma_wait3A_2164] : memref<10x64x128xf32, #tpu.memory_space<vmem>> -> memref<1x64x128xf32, #tpu.memory_space<vmem>>
      %dma_wait3A_2166 = tpu.memref_squeeze %dma_wait3A_2165 : memref<1x64x128xf32, #tpu.memory_space<vmem>> -> memref<64x128xf32, #tpu.memory_space<vmem>>
      %dma_wait3A_2167 = arith.constant 0 : i32
      %dma_wait3A_2168 = tpu.memref_slice %arg4[%select_n3A_2142, %add3A_2161, %dma_wait3A_2167] : memref<20x16384x128xf32, #tpu.memory_space<hbm>> -> memref<1x64x128xf32, #tpu.memory_space<hbm>>
      %dma_wait3A_2169 = tpu.memref_squeeze %dma_wait3A_2168 : memref<1x64x128xf32, #tpu.memory_space<hbm>> -> memref<64x128xf32, #tpu.memory_space<hbm>>
      %dma_wait3A_2170 = arith.constant 0 : i32
      %dma_wait3A_2171 = tpu.memref_slice %arg4[%select_n3A_2142, %add3A_2161, %dma_wait3A_2170] : memref<20x16384x128xf32, #tpu.memory_space<hbm>> -> memref<1x64x128xf32, #tpu.memory_space<hbm>>
      %dma_wait3A_2172 = tpu.memref_squeeze %dma_wait3A_2171 : memref<1x64x128xf32, #tpu.memory_space<hbm>> -> memref<64x128xf32, #tpu.memory_space<hbm>>
      %dma_wait3A_2173 = arith.constant 0 : i32
      %dma_wait3A_2174 = arith.constant 0 : i32
      %dma_wait3A_2175 = tpu.memref_slice %arg6[%dma_wait3A_2162, %dma_wait3A_2173, %dma_wait3A_2174] : memref<10x64x128xf32, #tpu.memory_space<vmem>> -> memref<1x64x128xf32, #tpu.memory_space<vmem>>
      %dma_wait3A_2176 = tpu.memref_squeeze %dma_wait3A_2175 : memref<1x64x128xf32, #tpu.memory_space<vmem>> -> memref<64x128xf32, #tpu.memory_space<vmem>>
      tpu.wait_dma2 semaphore(%arg21 : memref<!tpu.dma_semaphore, #tpu.memory_space<semaphore_mem>>) src(%dma_wait3A_2176 : memref<64x128xf32, #tpu.memory_space<vmem>>) dst(%dma_wait3A_2172 : memref<64x128xf32, #tpu.memory_space<hbm>>)
      %add3A_2177 = arith.constant 10 : i32
      %add3A_2178 = arith.addi %add3A_2118, %add3A_2177 : i32
      %jit3A_2179 = arith.constant 8 : i32
      %div3A_2180 = arith.divsi %add3A_2178, %jit3A_2179 : i32
      %sign3A_2181 = arith.constant 0 : i32
      %sign3A_2182 = arith.cmpi sgt, %add3A_2178, %sign3A_2181 : i32
      %sign3A_2183 = arith.extui %sign3A_2182 : i1 to i32
      %sign3A_2184 = arith.constant 0 : i32
      %sign3A_2185 = arith.cmpi slt, %add3A_2178, %sign3A_2184 : i32
      %sign3A_2186 = arith.extui %sign3A_2185 : i1 to i32
      %sign3A_2187 = arith.subi %sign3A_2183, %sign3A_2186 : i32
      %sign3A_2188 = arith.constant 0 : i32
      %sign3A_2189 = arith.cmpi sgt, %jit3A_2179, %sign3A_2188 : i32
      %sign3A_2190 = arith.extui %sign3A_2189 : i1 to i32
      %sign3A_2191 = arith.constant 0 : i32
      %sign3A_2192 = arith.cmpi slt, %jit3A_2179, %sign3A_2191 : i32
      %sign3A_2193 = arith.extui %sign3A_2192 : i1 to i32
      %sign3A_2194 = arith.subi %sign3A_2190, %sign3A_2193 : i32
      %ne3A_2195 = arith.cmpi ne, %sign3A_2187, %sign3A_2194 : i32
      %rem3A_2196 = arith.remsi %add3A_2178, %jit3A_2179 : i32
      %ne3A_2197 = arith.constant 0 : i32
      %ne3A_2198 = arith.cmpi ne, %rem3A_2196, %ne3A_2197 : i32
      %and3A_2199 = arith.andi %ne3A_2195, %ne3A_2198 : i1
      %sub3A_2200 = arith.constant 1 : i32
      %sub3A_2201 = arith.subi %div3A_2180, %sub3A_2200 : i32
      %select_n3A_2202 = arith.select %and3A_2199, %sub3A_2201, %div3A_2180 : i32
      %jit3A_2203 = arith.constant 8 : i32
      %eq3A_2204 = arith.constant 0 : i32
      %eq3A_2205 = arith.cmpi eq, %jit3A_2203, %eq3A_2204 : i32
      %jit3A_2206 = arith.constant 1 : i32
      %select_n3A_2207 = arith.select %eq3A_2205, %jit3A_2206, %jit3A_2203 : i32
      %rem3A_2208 = arith.remsi %add3A_2178, %select_n3A_2207 : i32
      %ne3A_2209 = arith.constant 0 : i32
      %ne3A_2210 = arith.cmpi ne, %rem3A_2208, %ne3A_2209 : i32
      %lt3A_2211 = arith.constant 0 : i32
      %lt3A_2212 = arith.cmpi slt, %rem3A_2208, %lt3A_2211 : i32
      %lt3A_2213 = arith.constant 0 : i32
      %lt3A_2214 = arith.cmpi slt, %select_n3A_2207, %lt3A_2213 : i32
      %ne3A_2215 = arith.xori %lt3A_2212, %lt3A_2214 : i1
      %and3A_2216 = arith.andi %ne3A_2215, %ne3A_2210 : i1
      %add3A_2217 = arith.addi %rem3A_2208, %select_n3A_2207 : i32
      %select_n3A_2218 = arith.select %and3A_2216, %add3A_2217, %rem3A_2208 : i32
      %mul3A_2219 = arith.constant 64 : i32
      %mul3A_2220 = arith.muli %select_n3A_2218, %mul3A_2219 : i32
      %add3A_2221 = arith.constant 0 : i32
      %add3A_2222 = arith.addi %mul3A_2220, %add3A_2221 : i32
      %dma_start3A_2223 = arith.constant 3 : i32
      %dma_start3A_2224 = arith.constant 0 : i32
      %dma_start3A_2225 = arith.constant 0 : i32
      %dma_start3A_2226 = tpu.memref_slice %arg6[%dma_start3A_2223, %dma_start3A_2224, %dma_start3A_2225] : memref<10x64x128xf32, #tpu.memory_space<vmem>> -> memref<1x64x128xf32, #tpu.memory_space<vmem>>
      %dma_start3A_2227 = tpu.memref_squeeze %dma_start3A_2226 : memref<1x64x128xf32, #tpu.memory_space<vmem>> -> memref<64x128xf32, #tpu.memory_space<vmem>>
      %dma_start3A_2228 = tpu.memref_slice %arg5[%select_n3A_2202, %add3A_2222] : memref<20x512xi32, #tpu.memory_space<vmem>> -> memref<1x64xi32, #tpu.memory_space<vmem>>
      %dma_start3A_2229 = tpu.memref_squeeze %dma_start3A_2228 : memref<1x64xi32, #tpu.memory_space<vmem>> -> memref<64xi32, #tpu.memory_space<vmem>>
      %dma_start3A_2230 = arith.constant 0 : i32
      %dma_start3A_2231 = arith.constant 0 : i32
      %dma_start3A_2232 = tpu.memref_slice %arg7[%dma_start3A_2230, %dma_start3A_2231] : memref<1024x128xf32, #tpu.memory_space<vmem_shared>> -> memref<1024x128xf32, #tpu.memory_space<vmem_shared>>
      tpu.enqueue_indirect_dma source(%dma_start3A_2232 : memref<1024x128xf32, #tpu.memory_space<vmem_shared>>) target(%dma_start3A_2227 : memref<64x128xf32, #tpu.memory_space<vmem>>) offsets(%dma_start3A_2229 : memref<64xi32, #tpu.memory_space<vmem>>) semaphore(%arg11 : memref<!tpu.dma_semaphore, #tpu.memory_space<semaphore_mem>>)
      %mul3A_2233 = arith.constant 10 : i32
      %mul3A_2234 = arith.muli %scan3A_610, %mul3A_2233 : i32
      %add3A_2235 = arith.constant 4 : i32
      %add3A_2236 = arith.addi %mul3A_2234, %add3A_2235 : i32
      %jit3A_2237 = arith.constant 8 : i32
      %div3A_2238 = arith.divsi %add3A_2236, %jit3A_2237 : i32
      %sign3A_2239 = arith.constant 0 : i32
      %sign3A_2240 = arith.cmpi sgt, %add3A_2236, %sign3A_2239 : i32
      %sign3A_2241 = arith.extui %sign3A_2240 : i1 to i32
      %sign3A_2242 = arith.constant 0 : i32
      %sign3A_2243 = arith.cmpi slt, %add3A_2236, %sign3A_2242 : i32
      %sign3A_2244 = arith.extui %sign3A_2243 : i1 to i32
      %sign3A_2245 = arith.subi %sign3A_2241, %sign3A_2244 : i32
      %sign3A_2246 = arith.constant 0 : i32
      %sign3A_2247 = arith.cmpi sgt, %jit3A_2237, %sign3A_2246 : i32
      %sign3A_2248 = arith.extui %sign3A_2247 : i1 to i32
      %sign3A_2249 = arith.constant 0 : i32
      %sign3A_2250 = arith.cmpi slt, %jit3A_2237, %sign3A_2249 : i32
      %sign3A_2251 = arith.extui %sign3A_2250 : i1 to i32
      %sign3A_2252 = arith.subi %sign3A_2248, %sign3A_2251 : i32
      %ne3A_2253 = arith.cmpi ne, %sign3A_2245, %sign3A_2252 : i32
      %rem3A_2254 = arith.remsi %add3A_2236, %jit3A_2237 : i32
      %ne3A_2255 = arith.constant 0 : i32
      %ne3A_2256 = arith.cmpi ne, %rem3A_2254, %ne3A_2255 : i32
      %and3A_2257 = arith.andi %ne3A_2253, %ne3A_2256 : i1
      %sub3A_2258 = arith.constant 1 : i32
      %sub3A_2259 = arith.subi %div3A_2238, %sub3A_2258 : i32
      %select_n3A_2260 = arith.select %and3A_2257, %sub3A_2259, %div3A_2238 : i32
      %jit3A_2261 = arith.constant 8 : i32
      %eq3A_2262 = arith.constant 0 : i32
      %eq3A_2263 = arith.cmpi eq, %jit3A_2261, %eq3A_2262 : i32
      %jit3A_2264 = arith.constant 1 : i32
      %select_n3A_2265 = arith.select %eq3A_2263, %jit3A_2264, %jit3A_2261 : i32
      %rem3A_2266 = arith.remsi %add3A_2236, %select_n3A_2265 : i32
      %ne3A_2267 = arith.constant 0 : i32
      %ne3A_2268 = arith.cmpi ne, %rem3A_2266, %ne3A_2267 : i32
      %lt3A_2269 = arith.constant 0 : i32
      %lt3A_2270 = arith.cmpi slt, %rem3A_2266, %lt3A_2269 : i32
      %lt3A_2271 = arith.constant 0 : i32
      %lt3A_2272 = arith.cmpi slt, %select_n3A_2265, %lt3A_2271 : i32
      %ne3A_2273 = arith.xori %lt3A_2270, %lt3A_2272 : i1
      %and3A_2274 = arith.andi %ne3A_2273, %ne3A_2268 : i1
      %add3A_2275 = arith.addi %rem3A_2266, %select_n3A_2265 : i32
      %select_n3A_2276 = arith.select %and3A_2274, %add3A_2275, %rem3A_2266 : i32
      %mul3A_2277 = arith.constant 64 : i32
      %mul3A_2278 = arith.muli %select_n3A_2276, %mul3A_2277 : i32
      %add3A_2279 = arith.addi %mul3A_2, %mul3A_2278 : i32
      %dma_wait3A_2280 = arith.constant 4 : i32
      %dma_wait3A_2281 = arith.constant 0 : i32
      %dma_wait3A_2282 = arith.constant 0 : i32
      %dma_wait3A_2283 = tpu.memref_slice %arg6[%dma_wait3A_2280, %dma_wait3A_2281, %dma_wait3A_2282] : memref<10x64x128xf32, #tpu.memory_space<vmem>> -> memref<1x64x128xf32, #tpu.memory_space<vmem>>
      %dma_wait3A_2284 = tpu.memref_squeeze %dma_wait3A_2283 : memref<1x64x128xf32, #tpu.memory_space<vmem>> -> memref<64x128xf32, #tpu.memory_space<vmem>>
      %dma_wait3A_2285 = arith.constant 0 : i32
      %dma_wait3A_2286 = tpu.memref_slice %arg4[%select_n3A_2260, %add3A_2279, %dma_wait3A_2285] : memref<20x16384x128xf32, #tpu.memory_space<hbm>> -> memref<1x64x128xf32, #tpu.memory_space<hbm>>
      %dma_wait3A_2287 = tpu.memref_squeeze %dma_wait3A_2286 : memref<1x64x128xf32, #tpu.memory_space<hbm>> -> memref<64x128xf32, #tpu.memory_space<hbm>>
      %dma_wait3A_2288 = arith.constant 0 : i32
      %dma_wait3A_2289 = tpu.memref_slice %arg4[%select_n3A_2260, %add3A_2279, %dma_wait3A_2288] : memref<20x16384x128xf32, #tpu.memory_space<hbm>> -> memref<1x64x128xf32, #tpu.memory_space<hbm>>
      %dma_wait3A_2290 = tpu.memref_squeeze %dma_wait3A_2289 : memref<1x64x128xf32, #tpu.memory_space<hbm>> -> memref<64x128xf32, #tpu.memory_space<hbm>>
      %dma_wait3A_2291 = arith.constant 0 : i32
      %dma_wait3A_2292 = arith.constant 0 : i32
      %dma_wait3A_2293 = tpu.memref_slice %arg6[%dma_wait3A_2280, %dma_wait3A_2291, %dma_wait3A_2292] : memref<10x64x128xf32, #tpu.memory_space<vmem>> -> memref<1x64x128xf32, #tpu.memory_space<vmem>>
      %dma_wait3A_2294 = tpu.memref_squeeze %dma_wait3A_2293 : memref<1x64x128xf32, #tpu.memory_space<vmem>> -> memref<64x128xf32, #tpu.memory_space<vmem>>
      tpu.wait_dma2 semaphore(%arg22 : memref<!tpu.dma_semaphore, #tpu.memory_space<semaphore_mem>>) src(%dma_wait3A_2294 : memref<64x128xf32, #tpu.memory_space<vmem>>) dst(%dma_wait3A_2290 : memref<64x128xf32, #tpu.memory_space<hbm>>)
      %add3A_2295 = arith.constant 10 : i32
      %add3A_2296 = arith.addi %add3A_2236, %add3A_2295 : i32
      %jit3A_2297 = arith.constant 8 : i32
      %div3A_2298 = arith.divsi %add3A_2296, %jit3A_2297 : i32
      %sign3A_2299 = arith.constant 0 : i32
      %sign3A_2300 = arith.cmpi sgt, %add3A_2296, %sign3A_2299 : i32
      %sign3A_2301 = arith.extui %sign3A_2300 : i1 to i32
      %sign3A_2302 = arith.constant 0 : i32
      %sign3A_2303 = arith.cmpi slt, %add3A_2296, %sign3A_2302 : i32
      %sign3A_2304 = arith.extui %sign3A_2303 : i1 to i32
      %sign3A_2305 = arith.subi %sign3A_2301, %sign3A_2304 : i32
      %sign3A_2306 = arith.constant 0 : i32
      %sign3A_2307 = arith.cmpi sgt, %jit3A_2297, %sign3A_2306 : i32
      %sign3A_2308 = arith.extui %sign3A_2307 : i1 to i32
      %sign3A_2309 = arith.constant 0 : i32
      %sign3A_2310 = arith.cmpi slt, %jit3A_2297, %sign3A_2309 : i32
      %sign3A_2311 = arith.extui %sign3A_2310 : i1 to i32
      %sign3A_2312 = arith.subi %sign3A_2308, %sign3A_2311 : i32
      %ne3A_2313 = arith.cmpi ne, %sign3A_2305, %sign3A_2312 : i32
      %rem3A_2314 = arith.remsi %add3A_2296, %jit3A_2297 : i32
      %ne3A_2315 = arith.constant 0 : i32
      %ne3A_2316 = arith.cmpi ne, %rem3A_2314, %ne3A_2315 : i32
      %and3A_2317 = arith.andi %ne3A_2313, %ne3A_2316 : i1
      %sub3A_2318 = arith.constant 1 : i32
      %sub3A_2319 = arith.subi %div3A_2298, %sub3A_2318 : i32
      %select_n3A_2320 = arith.select %and3A_2317, %sub3A_2319, %div3A_2298 : i32
      %jit3A_2321 = arith.constant 8 : i32
      %eq3A_2322 = arith.constant 0 : i32
      %eq3A_2323 = arith.cmpi eq, %jit3A_2321, %eq3A_2322 : i32
      %jit3A_2324 = arith.constant 1 : i32
      %select_n3A_2325 = arith.select %eq3A_2323, %jit3A_2324, %jit3A_2321 : i32
      %rem3A_2326 = arith.remsi %add3A_2296, %select_n3A_2325 : i32
      %ne3A_2327 = arith.constant 0 : i32
      %ne3A_2328 = arith.cmpi ne, %rem3A_2326, %ne3A_2327 : i32
      %lt3A_2329 = arith.constant 0 : i32
      %lt3A_2330 = arith.cmpi slt, %rem3A_2326, %lt3A_2329 : i32
      %lt3A_2331 = arith.constant 0 : i32
      %lt3A_2332 = arith.cmpi slt, %select_n3A_2325, %lt3A_2331 : i32
      %ne3A_2333 = arith.xori %lt3A_2330, %lt3A_2332 : i1
      %and3A_2334 = arith.andi %ne3A_2333, %ne3A_2328 : i1
      %add3A_2335 = arith.addi %rem3A_2326, %select_n3A_2325 : i32
      %select_n3A_2336 = arith.select %and3A_2334, %add3A_2335, %rem3A_2326 : i32
      %mul3A_2337 = arith.constant 64 : i32
      %mul3A_2338 = arith.muli %select_n3A_2336, %mul3A_2337 : i32
      %add3A_2339 = arith.constant 0 : i32
      %add3A_2340 = arith.addi %mul3A_2338, %add3A_2339 : i32
      %dma_start3A_2341 = arith.constant 4 : i32
      %dma_start3A_2342 = arith.constant 0 : i32
      %dma_start3A_2343 = arith.constant 0 : i32
      %dma_start3A_2344 = tpu.memref_slice %arg6[%dma_start3A_2341, %dma_start3A_2342, %dma_start3A_2343] : memref<10x64x128xf32, #tpu.memory_space<vmem>> -> memref<1x64x128xf32, #tpu.memory_space<vmem>>
      %dma_start3A_2345 = tpu.memref_squeeze %dma_start3A_2344 : memref<1x64x128xf32, #tpu.memory_space<vmem>> -> memref<64x128xf32, #tpu.memory_space<vmem>>
      %dma_start3A_2346 = tpu.memref_slice %arg5[%select_n3A_2320, %add3A_2340] : memref<20x512xi32, #tpu.memory_space<vmem>> -> memref<1x64xi32, #tpu.memory_space<vmem>>
      %dma_start3A_2347 = tpu.memref_squeeze %dma_start3A_2346 : memref<1x64xi32, #tpu.memory_space<vmem>> -> memref<64xi32, #tpu.memory_space<vmem>>
      %dma_start3A_2348 = arith.constant 0 : i32
      %dma_start3A_2349 = arith.constant 0 : i32
      %dma_start3A_2350 = tpu.memref_slice %arg7[%dma_start3A_2348, %dma_start3A_2349] : memref<1024x128xf32, #tpu.memory_space<vmem_shared>> -> memref<1024x128xf32, #tpu.memory_space<vmem_shared>>
      tpu.enqueue_indirect_dma source(%dma_start3A_2350 : memref<1024x128xf32, #tpu.memory_space<vmem_shared>>) target(%dma_start3A_2345 : memref<64x128xf32, #tpu.memory_space<vmem>>) offsets(%dma_start3A_2347 : memref<64xi32, #tpu.memory_space<vmem>>) semaphore(%arg12 : memref<!tpu.dma_semaphore, #tpu.memory_space<semaphore_mem>>)
      %mul3A_2351 = arith.constant 10 : i32
      %mul3A_2352 = arith.muli %scan3A_610, %mul3A_2351 : i32
      %add3A_2353 = arith.constant 5 : i32
      %add3A_2354 = arith.addi %mul3A_2352, %add3A_2353 : i32
      %jit3A_2355 = arith.constant 8 : i32
      %div3A_2356 = arith.divsi %add3A_2354, %jit3A_2355 : i32
      %sign3A_2357 = arith.constant 0 : i32
      %sign3A_2358 = arith.cmpi sgt, %add3A_2354, %sign3A_2357 : i32
      %sign3A_2359 = arith.extui %sign3A_2358 : i1 to i32
      %sign3A_2360 = arith.constant 0 : i32
      %sign3A_2361 = arith.cmpi slt, %add3A_2354, %sign3A_2360 : i32
      %sign3A_2362 = arith.extui %sign3A_2361 : i1 to i32
      %sign3A_2363 = arith.subi %sign3A_2359, %sign3A_2362 : i32
      %sign3A_2364 = arith.constant 0 : i32
      %sign3A_2365 = arith.cmpi sgt, %jit3A_2355, %sign3A_2364 : i32
      %sign3A_2366 = arith.extui %sign3A_2365 : i1 to i32
      %sign3A_2367 = arith.constant 0 : i32
      %sign3A_2368 = arith.cmpi slt, %jit3A_2355, %sign3A_2367 : i32
      %sign3A_2369 = arith.extui %sign3A_2368 : i1 to i32
      %sign3A_2370 = arith.subi %sign3A_2366, %sign3A_2369 : i32
      %ne3A_2371 = arith.cmpi ne, %sign3A_2363, %sign3A_2370 : i32
      %rem3A_2372 = arith.remsi %add3A_2354, %jit3A_2355 : i32
      %ne3A_2373 = arith.constant 0 : i32
      %ne3A_2374 = arith.cmpi ne, %rem3A_2372, %ne3A_2373 : i32
      %and3A_2375 = arith.andi %ne3A_2371, %ne3A_2374 : i1
      %sub3A_2376 = arith.constant 1 : i32
      %sub3A_2377 = arith.subi %div3A_2356, %sub3A_2376 : i32
      %select_n3A_2378 = arith.select %and3A_2375, %sub3A_2377, %div3A_2356 : i32
      %jit3A_2379 = arith.constant 8 : i32
      %eq3A_2380 = arith.constant 0 : i32
      %eq3A_2381 = arith.cmpi eq, %jit3A_2379, %eq3A_2380 : i32
      %jit3A_2382 = arith.constant 1 : i32
      %select_n3A_2383 = arith.select %eq3A_2381, %jit3A_2382, %jit3A_2379 : i32
      %rem3A_2384 = arith.remsi %add3A_2354, %select_n3A_2383 : i32
      %ne3A_2385 = arith.constant 0 : i32
      %ne3A_2386 = arith.cmpi ne, %rem3A_2384, %ne3A_2385 : i32
      %lt3A_2387 = arith.constant 0 : i32
      %lt3A_2388 = arith.cmpi slt, %rem3A_2384, %lt3A_2387 : i32
      %lt3A_2389 = arith.constant 0 : i32
      %lt3A_2390 = arith.cmpi slt, %select_n3A_2383, %lt3A_2389 : i32
      %ne3A_2391 = arith.xori %lt3A_2388, %lt3A_2390 : i1
      %and3A_2392 = arith.andi %ne3A_2391, %ne3A_2386 : i1
      %add3A_2393 = arith.addi %rem3A_2384, %select_n3A_2383 : i32
      %select_n3A_2394 = arith.select %and3A_2392, %add3A_2393, %rem3A_2384 : i32
      %mul3A_2395 = arith.constant 64 : i32
      %mul3A_2396 = arith.muli %select_n3A_2394, %mul3A_2395 : i32
      %add3A_2397 = arith.addi %mul3A_2, %mul3A_2396 : i32
      %dma_wait3A_2398 = arith.constant 5 : i32
      %dma_wait3A_2399 = arith.constant 0 : i32
      %dma_wait3A_2400 = arith.constant 0 : i32
      %dma_wait3A_2401 = tpu.memref_slice %arg6[%dma_wait3A_2398, %dma_wait3A_2399, %dma_wait3A_2400] : memref<10x64x128xf32, #tpu.memory_space<vmem>> -> memref<1x64x128xf32, #tpu.memory_space<vmem>>
      %dma_wait3A_2402 = tpu.memref_squeeze %dma_wait3A_2401 : memref<1x64x128xf32, #tpu.memory_space<vmem>> -> memref<64x128xf32, #tpu.memory_space<vmem>>
      %dma_wait3A_2403 = arith.constant 0 : i32
      %dma_wait3A_2404 = tpu.memref_slice %arg4[%select_n3A_2378, %add3A_2397, %dma_wait3A_2403] : memref<20x16384x128xf32, #tpu.memory_space<hbm>> -> memref<1x64x128xf32, #tpu.memory_space<hbm>>
      %dma_wait3A_2405 = tpu.memref_squeeze %dma_wait3A_2404 : memref<1x64x128xf32, #tpu.memory_space<hbm>> -> memref<64x128xf32, #tpu.memory_space<hbm>>
      %dma_wait3A_2406 = arith.constant 0 : i32
      %dma_wait3A_2407 = tpu.memref_slice %arg4[%select_n3A_2378, %add3A_2397, %dma_wait3A_2406] : memref<20x16384x128xf32, #tpu.memory_space<hbm>> -> memref<1x64x128xf32, #tpu.memory_space<hbm>>
      %dma_wait3A_2408 = tpu.memref_squeeze %dma_wait3A_2407 : memref<1x64x128xf32, #tpu.memory_space<hbm>> -> memref<64x128xf32, #tpu.memory_space<hbm>>
      %dma_wait3A_2409 = arith.constant 0 : i32
      %dma_wait3A_2410 = arith.constant 0 : i32
      %dma_wait3A_2411 = tpu.memref_slice %arg6[%dma_wait3A_2398, %dma_wait3A_2409, %dma_wait3A_2410] : memref<10x64x128xf32, #tpu.memory_space<vmem>> -> memref<1x64x128xf32, #tpu.memory_space<vmem>>
      %dma_wait3A_2412 = tpu.memref_squeeze %dma_wait3A_2411 : memref<1x64x128xf32, #tpu.memory_space<vmem>> -> memref<64x128xf32, #tpu.memory_space<vmem>>
      tpu.wait_dma2 semaphore(%arg23 : memref<!tpu.dma_semaphore, #tpu.memory_space<semaphore_mem>>) src(%dma_wait3A_2412 : memref<64x128xf32, #tpu.memory_space<vmem>>) dst(%dma_wait3A_2408 : memref<64x128xf32, #tpu.memory_space<hbm>>)
      %add3A_2413 = arith.constant 10 : i32
      %add3A_2414 = arith.addi %add3A_2354, %add3A_2413 : i32
      %jit3A_2415 = arith.constant 8 : i32
      %div3A_2416 = arith.divsi %add3A_2414, %jit3A_2415 : i32
      %sign3A_2417 = arith.constant 0 : i32
      %sign3A_2418 = arith.cmpi sgt, %add3A_2414, %sign3A_2417 : i32
      %sign3A_2419 = arith.extui %sign3A_2418 : i1 to i32
      %sign3A_2420 = arith.constant 0 : i32
      %sign3A_2421 = arith.cmpi slt, %add3A_2414, %sign3A_2420 : i32
      %sign3A_2422 = arith.extui %sign3A_2421 : i1 to i32
      %sign3A_2423 = arith.subi %sign3A_2419, %sign3A_2422 : i32
      %sign3A_2424 = arith.constant 0 : i32
      %sign3A_2425 = arith.cmpi sgt, %jit3A_2415, %sign3A_2424 : i32
      %sign3A_2426 = arith.extui %sign3A_2425 : i1 to i32
      %sign3A_2427 = arith.constant 0 : i32
      %sign3A_2428 = arith.cmpi slt, %jit3A_2415, %sign3A_2427 : i32
      %sign3A_2429 = arith.extui %sign3A_2428 : i1 to i32
      %sign3A_2430 = arith.subi %sign3A_2426, %sign3A_2429 : i32
      %ne3A_2431 = arith.cmpi ne, %sign3A_2423, %sign3A_2430 : i32
      %rem3A_2432 = arith.remsi %add3A_2414, %jit3A_2415 : i32
      %ne3A_2433 = arith.constant 0 : i32
      %ne3A_2434 = arith.cmpi ne, %rem3A_2432, %ne3A_2433 : i32
      %and3A_2435 = arith.andi %ne3A_2431, %ne3A_2434 : i1
      %sub3A_2436 = arith.constant 1 : i32
      %sub3A_2437 = arith.subi %div3A_2416, %sub3A_2436 : i32
      %select_n3A_2438 = arith.select %and3A_2435, %sub3A_2437, %div3A_2416 : i32
      %jit3A_2439 = arith.constant 8 : i32
      %eq3A_2440 = arith.constant 0 : i32
      %eq3A_2441 = arith.cmpi eq, %jit3A_2439, %eq3A_2440 : i32
      %jit3A_2442 = arith.constant 1 : i32
      %select_n3A_2443 = arith.select %eq3A_2441, %jit3A_2442, %jit3A_2439 : i32
      %rem3A_2444 = arith.remsi %add3A_2414, %select_n3A_2443 : i32
      %ne3A_2445 = arith.constant 0 : i32
      %ne3A_2446 = arith.cmpi ne, %rem3A_2444, %ne3A_2445 : i32
      %lt3A_2447 = arith.constant 0 : i32
      %lt3A_2448 = arith.cmpi slt, %rem3A_2444, %lt3A_2447 : i32
      %lt3A_2449 = arith.constant 0 : i32
      %lt3A_2450 = arith.cmpi slt, %select_n3A_2443, %lt3A_2449 : i32
      %ne3A_2451 = arith.xori %lt3A_2448, %lt3A_2450 : i1
      %and3A_2452 = arith.andi %ne3A_2451, %ne3A_2446 : i1
      %add3A_2453 = arith.addi %rem3A_2444, %select_n3A_2443 : i32
      %select_n3A_2454 = arith.select %and3A_2452, %add3A_2453, %rem3A_2444 : i32
      %mul3A_2455 = arith.constant 64 : i32
      %mul3A_2456 = arith.muli %select_n3A_2454, %mul3A_2455 : i32
      %add3A_2457 = arith.constant 0 : i32
      %add3A_2458 = arith.addi %mul3A_2456, %add3A_2457 : i32
      %dma_start3A_2459 = arith.constant 5 : i32
      %dma_start3A_2460 = arith.constant 0 : i32
      %dma_start3A_2461 = arith.constant 0 : i32
      %dma_start3A_2462 = tpu.memref_slice %arg6[%dma_start3A_2459, %dma_start3A_2460, %dma_start3A_2461] : memref<10x64x128xf32, #tpu.memory_space<vmem>> -> memref<1x64x128xf32, #tpu.memory_space<vmem>>
      %dma_start3A_2463 = tpu.memref_squeeze %dma_start3A_2462 : memref<1x64x128xf32, #tpu.memory_space<vmem>> -> memref<64x128xf32, #tpu.memory_space<vmem>>
      %dma_start3A_2464 = tpu.memref_slice %arg5[%select_n3A_2438, %add3A_2458] : memref<20x512xi32, #tpu.memory_space<vmem>> -> memref<1x64xi32, #tpu.memory_space<vmem>>
      %dma_start3A_2465 = tpu.memref_squeeze %dma_start3A_2464 : memref<1x64xi32, #tpu.memory_space<vmem>> -> memref<64xi32, #tpu.memory_space<vmem>>
      %dma_start3A_2466 = arith.constant 0 : i32
      %dma_start3A_2467 = arith.constant 0 : i32
      %dma_start3A_2468 = tpu.memref_slice %arg7[%dma_start3A_2466, %dma_start3A_2467] : memref<1024x128xf32, #tpu.memory_space<vmem_shared>> -> memref<1024x128xf32, #tpu.memory_space<vmem_shared>>
      tpu.enqueue_indirect_dma source(%dma_start3A_2468 : memref<1024x128xf32, #tpu.memory_space<vmem_shared>>) target(%dma_start3A_2463 : memref<64x128xf32, #tpu.memory_space<vmem>>) offsets(%dma_start3A_2465 : memref<64xi32, #tpu.memory_space<vmem>>) semaphore(%arg13 : memref<!tpu.dma_semaphore, #tpu.memory_space<semaphore_mem>>)
      %mul3A_2469 = arith.constant 10 : i32
      %mul3A_2470 = arith.muli %scan3A_610, %mul3A_2469 : i32
      %add3A_2471 = arith.constant 6 : i32
      %add3A_2472 = arith.addi %mul3A_2470, %add3A_2471 : i32
      %jit3A_2473 = arith.constant 8 : i32
      %div3A_2474 = arith.divsi %add3A_2472, %jit3A_2473 : i32
      %sign3A_2475 = arith.constant 0 : i32
      %sign3A_2476 = arith.cmpi sgt, %add3A_2472, %sign3A_2475 : i32
      %sign3A_2477 = arith.extui %sign3A_2476 : i1 to i32
      %sign3A_2478 = arith.constant 0 : i32
      %sign3A_2479 = arith.cmpi slt, %add3A_2472, %sign3A_2478 : i32
      %sign3A_2480 = arith.extui %sign3A_2479 : i1 to i32
      %sign3A_2481 = arith.subi %sign3A_2477, %sign3A_2480 : i32
      %sign3A_2482 = arith.constant 0 : i32
      %sign3A_2483 = arith.cmpi sgt, %jit3A_2473, %sign3A_2482 : i32
      %sign3A_2484 = arith.extui %sign3A_2483 : i1 to i32
      %sign3A_2485 = arith.constant 0 : i32
      %sign3A_2486 = arith.cmpi slt, %jit3A_2473, %sign3A_2485 : i32
      %sign3A_2487 = arith.extui %sign3A_2486 : i1 to i32
      %sign3A_2488 = arith.subi %sign3A_2484, %sign3A_2487 : i32
      %ne3A_2489 = arith.cmpi ne, %sign3A_2481, %sign3A_2488 : i32
      %rem3A_2490 = arith.remsi %add3A_2472, %jit3A_2473 : i32
      %ne3A_2491 = arith.constant 0 : i32
      %ne3A_2492 = arith.cmpi ne, %rem3A_2490, %ne3A_2491 : i32
      %and3A_2493 = arith.andi %ne3A_2489, %ne3A_2492 : i1
      %sub3A_2494 = arith.constant 1 : i32
      %sub3A_2495 = arith.subi %div3A_2474, %sub3A_2494 : i32
      %select_n3A_2496 = arith.select %and3A_2493, %sub3A_2495, %div3A_2474 : i32
      %jit3A_2497 = arith.constant 8 : i32
      %eq3A_2498 = arith.constant 0 : i32
      %eq3A_2499 = arith.cmpi eq, %jit3A_2497, %eq3A_2498 : i32
      %jit3A_2500 = arith.constant 1 : i32
      %select_n3A_2501 = arith.select %eq3A_2499, %jit3A_2500, %jit3A_2497 : i32
      %rem3A_2502 = arith.remsi %add3A_2472, %select_n3A_2501 : i32
      %ne3A_2503 = arith.constant 0 : i32
      %ne3A_2504 = arith.cmpi ne, %rem3A_2502, %ne3A_2503 : i32
      %lt3A_2505 = arith.constant 0 : i32
      %lt3A_2506 = arith.cmpi slt, %rem3A_2502, %lt3A_2505 : i32
      %lt3A_2507 = arith.constant 0 : i32
      %lt3A_2508 = arith.cmpi slt, %select_n3A_2501, %lt3A_2507 : i32
      %ne3A_2509 = arith.xori %lt3A_2506, %lt3A_2508 : i1
      %and3A_2510 = arith.andi %ne3A_2509, %ne3A_2504 : i1
      %add3A_2511 = arith.addi %rem3A_2502, %select_n3A_2501 : i32
      %select_n3A_2512 = arith.select %and3A_2510, %add3A_2511, %rem3A_2502 : i32
      %mul3A_2513 = arith.constant 64 : i32
      %mul3A_2514 = arith.muli %select_n3A_2512, %mul3A_2513 : i32
      %add3A_2515 = arith.addi %mul3A_2, %mul3A_2514 : i32
      %dma_wait3A_2516 = arith.constant 6 : i32
      %dma_wait3A_2517 = arith.constant 0 : i32
      %dma_wait3A_2518 = arith.constant 0 : i32
      %dma_wait3A_2519 = tpu.memref_slice %arg6[%dma_wait3A_2516, %dma_wait3A_2517, %dma_wait3A_2518] : memref<10x64x128xf32, #tpu.memory_space<vmem>> -> memref<1x64x128xf32, #tpu.memory_space<vmem>>
      %dma_wait3A_2520 = tpu.memref_squeeze %dma_wait3A_2519 : memref<1x64x128xf32, #tpu.memory_space<vmem>> -> memref<64x128xf32, #tpu.memory_space<vmem>>
      %dma_wait3A_2521 = arith.constant 0 : i32
      %dma_wait3A_2522 = tpu.memref_slice %arg4[%select_n3A_2496, %add3A_2515, %dma_wait3A_2521] : memref<20x16384x128xf32, #tpu.memory_space<hbm>> -> memref<1x64x128xf32, #tpu.memory_space<hbm>>
      %dma_wait3A_2523 = tpu.memref_squeeze %dma_wait3A_2522 : memref<1x64x128xf32, #tpu.memory_space<hbm>> -> memref<64x128xf32, #tpu.memory_space<hbm>>
      %dma_wait3A_2524 = arith.constant 0 : i32
      %dma_wait3A_2525 = tpu.memref_slice %arg4[%select_n3A_2496, %add3A_2515, %dma_wait3A_2524] : memref<20x16384x128xf32, #tpu.memory_space<hbm>> -> memref<1x64x128xf32, #tpu.memory_space<hbm>>
      %dma_wait3A_2526 = tpu.memref_squeeze %dma_wait3A_2525 : memref<1x64x128xf32, #tpu.memory_space<hbm>> -> memref<64x128xf32, #tpu.memory_space<hbm>>
      %dma_wait3A_2527 = arith.constant 0 : i32
      %dma_wait3A_2528 = arith.constant 0 : i32
      %dma_wait3A_2529 = tpu.memref_slice %arg6[%dma_wait3A_2516, %dma_wait3A_2527, %dma_wait3A_2528] : memref<10x64x128xf32, #tpu.memory_space<vmem>> -> memref<1x64x128xf32, #tpu.memory_space<vmem>>
      %dma_wait3A_2530 = tpu.memref_squeeze %dma_wait3A_2529 : memref<1x64x128xf32, #tpu.memory_space<vmem>> -> memref<64x128xf32, #tpu.memory_space<vmem>>
      tpu.wait_dma2 semaphore(%arg24 : memref<!tpu.dma_semaphore, #tpu.memory_space<semaphore_mem>>) src(%dma_wait3A_2530 : memref<64x128xf32, #tpu.memory_space<vmem>>) dst(%dma_wait3A_2526 : memref<64x128xf32, #tpu.memory_space<hbm>>)
      %add3A_2531 = arith.constant 10 : i32
      %add3A_2532 = arith.addi %add3A_2472, %add3A_2531 : i32
      %jit3A_2533 = arith.constant 8 : i32
      %div3A_2534 = arith.divsi %add3A_2532, %jit3A_2533 : i32
      %sign3A_2535 = arith.constant 0 : i32
      %sign3A_2536 = arith.cmpi sgt, %add3A_2532, %sign3A_2535 : i32
      %sign3A_2537 = arith.extui %sign3A_2536 : i1 to i32
      %sign3A_2538 = arith.constant 0 : i32
      %sign3A_2539 = arith.cmpi slt, %add3A_2532, %sign3A_2538 : i32
      %sign3A_2540 = arith.extui %sign3A_2539 : i1 to i32
      %sign3A_2541 = arith.subi %sign3A_2537, %sign3A_2540 : i32
      %sign3A_2542 = arith.constant 0 : i32
      %sign3A_2543 = arith.cmpi sgt, %jit3A_2533, %sign3A_2542 : i32
      %sign3A_2544 = arith.extui %sign3A_2543 : i1 to i32
      %sign3A_2545 = arith.constant 0 : i32
      %sign3A_2546 = arith.cmpi slt, %jit3A_2533, %sign3A_2545 : i32
      %sign3A_2547 = arith.extui %sign3A_2546 : i1 to i32
      %sign3A_2548 = arith.subi %sign3A_2544, %sign3A_2547 : i32
      %ne3A_2549 = arith.cmpi ne, %sign3A_2541, %sign3A_2548 : i32
      %rem3A_2550 = arith.remsi %add3A_2532, %jit3A_2533 : i32
      %ne3A_2551 = arith.constant 0 : i32
      %ne3A_2552 = arith.cmpi ne, %rem3A_2550, %ne3A_2551 : i32
      %and3A_2553 = arith.andi %ne3A_2549, %ne3A_2552 : i1
      %sub3A_2554 = arith.constant 1 : i32
      %sub3A_2555 = arith.subi %div3A_2534, %sub3A_2554 : i32
      %select_n3A_2556 = arith.select %and3A_2553, %sub3A_2555, %div3A_2534 : i32
      %jit3A_2557 = arith.constant 8 : i32
      %eq3A_2558 = arith.constant 0 : i32
      %eq3A_2559 = arith.cmpi eq, %jit3A_2557, %eq3A_2558 : i32
      %jit3A_2560 = arith.constant 1 : i32
      %select_n3A_2561 = arith.select %eq3A_2559, %jit3A_2560, %jit3A_2557 : i32
      %rem3A_2562 = arith.remsi %add3A_2532, %select_n3A_2561 : i32
      %ne3A_2563 = arith.constant 0 : i32
      %ne3A_2564 = arith.cmpi ne, %rem3A_2562, %ne3A_2563 : i32
      %lt3A_2565 = arith.constant 0 : i32
      %lt3A_2566 = arith.cmpi slt, %rem3A_2562, %lt3A_2565 : i32
      %lt3A_2567 = arith.constant 0 : i32
      %lt3A_2568 = arith.cmpi slt, %select_n3A_2561, %lt3A_2567 : i32
      %ne3A_2569 = arith.xori %lt3A_2566, %lt3A_2568 : i1
      %and3A_2570 = arith.andi %ne3A_2569, %ne3A_2564 : i1
      %add3A_2571 = arith.addi %rem3A_2562, %select_n3A_2561 : i32
      %select_n3A_2572 = arith.select %and3A_2570, %add3A_2571, %rem3A_2562 : i32
      %mul3A_2573 = arith.constant 64 : i32
      %mul3A_2574 = arith.muli %select_n3A_2572, %mul3A_2573 : i32
      %add3A_2575 = arith.constant 0 : i32
      %add3A_2576 = arith.addi %mul3A_2574, %add3A_2575 : i32
      %dma_start3A_2577 = arith.constant 6 : i32
      %dma_start3A_2578 = arith.constant 0 : i32
      %dma_start3A_2579 = arith.constant 0 : i32
      %dma_start3A_2580 = tpu.memref_slice %arg6[%dma_start3A_2577, %dma_start3A_2578, %dma_start3A_2579] : memref<10x64x128xf32, #tpu.memory_space<vmem>> -> memref<1x64x128xf32, #tpu.memory_space<vmem>>
      %dma_start3A_2581 = tpu.memref_squeeze %dma_start3A_2580 : memref<1x64x128xf32, #tpu.memory_space<vmem>> -> memref<64x128xf32, #tpu.memory_space<vmem>>
      %dma_start3A_2582 = tpu.memref_slice %arg5[%select_n3A_2556, %add3A_2576] : memref<20x512xi32, #tpu.memory_space<vmem>> -> memref<1x64xi32, #tpu.memory_space<vmem>>
      %dma_start3A_2583 = tpu.memref_squeeze %dma_start3A_2582 : memref<1x64xi32, #tpu.memory_space<vmem>> -> memref<64xi32, #tpu.memory_space<vmem>>
      %dma_start3A_2584 = arith.constant 0 : i32
      %dma_start3A_2585 = arith.constant 0 : i32
      %dma_start3A_2586 = tpu.memref_slice %arg7[%dma_start3A_2584, %dma_start3A_2585] : memref<1024x128xf32, #tpu.memory_space<vmem_shared>> -> memref<1024x128xf32, #tpu.memory_space<vmem_shared>>
      tpu.enqueue_indirect_dma source(%dma_start3A_2586 : memref<1024x128xf32, #tpu.memory_space<vmem_shared>>) target(%dma_start3A_2581 : memref<64x128xf32, #tpu.memory_space<vmem>>) offsets(%dma_start3A_2583 : memref<64xi32, #tpu.memory_space<vmem>>) semaphore(%arg14 : memref<!tpu.dma_semaphore, #tpu.memory_space<semaphore_mem>>)
      %mul3A_2587 = arith.constant 10 : i32
      %mul3A_2588 = arith.muli %scan3A_610, %mul3A_2587 : i32
      %add3A_2589 = arith.constant 7 : i32
      %add3A_2590 = arith.addi %mul3A_2588, %add3A_2589 : i32
      %jit3A_2591 = arith.constant 8 : i32
      %div3A_2592 = arith.divsi %add3A_2590, %jit3A_2591 : i32
      %sign3A_2593 = arith.constant 0 : i32
      %sign3A_2594 = arith.cmpi sgt, %add3A_2590, %sign3A_2593 : i32
      %sign3A_2595 = arith.extui %sign3A_2594 : i1 to i32
      %sign3A_2596 = arith.constant 0 : i32
      %sign3A_2597 = arith.cmpi slt, %add3A_2590, %sign3A_2596 : i32
      %sign3A_2598 = arith.extui %sign3A_2597 : i1 to i32
      %sign3A_2599 = arith.subi %sign3A_2595, %sign3A_2598 : i32
      %sign3A_2600 = arith.constant 0 : i32
      %sign3A_2601 = arith.cmpi sgt, %jit3A_2591, %sign3A_2600 : i32
      %sign3A_2602 = arith.extui %sign3A_2601 : i1 to i32
      %sign3A_2603 = arith.constant 0 : i32
      %sign3A_2604 = arith.cmpi slt, %jit3A_2591, %sign3A_2603 : i32
      %sign3A_2605 = arith.extui %sign3A_2604 : i1 to i32
      %sign3A_2606 = arith.subi %sign3A_2602, %sign3A_2605 : i32
      %ne3A_2607 = arith.cmpi ne, %sign3A_2599, %sign3A_2606 : i32
      %rem3A_2608 = arith.remsi %add3A_2590, %jit3A_2591 : i32
      %ne3A_2609 = arith.constant 0 : i32
      %ne3A_2610 = arith.cmpi ne, %rem3A_2608, %ne3A_2609 : i32
      %and3A_2611 = arith.andi %ne3A_2607, %ne3A_2610 : i1
      %sub3A_2612 = arith.constant 1 : i32
      %sub3A_2613 = arith.subi %div3A_2592, %sub3A_2612 : i32
      %select_n3A_2614 = arith.select %and3A_2611, %sub3A_2613, %div3A_2592 : i32
      %jit3A_2615 = arith.constant 8 : i32
      %eq3A_2616 = arith.constant 0 : i32
      %eq3A_2617 = arith.cmpi eq, %jit3A_2615, %eq3A_2616 : i32
      %jit3A_2618 = arith.constant 1 : i32
      %select_n3A_2619 = arith.select %eq3A_2617, %jit3A_2618, %jit3A_2615 : i32
      %rem3A_2620 = arith.remsi %add3A_2590, %select_n3A_2619 : i32
      %ne3A_2621 = arith.constant 0 : i32
      %ne3A_2622 = arith.cmpi ne, %rem3A_2620, %ne3A_2621 : i32
      %lt3A_2623 = arith.constant 0 : i32
      %lt3A_2624 = arith.cmpi slt, %rem3A_2620, %lt3A_2623 : i32
      %lt3A_2625 = arith.constant 0 : i32
      %lt3A_2626 = arith.cmpi slt, %select_n3A_2619, %lt3A_2625 : i32
      %ne3A_2627 = arith.xori %lt3A_2624, %lt3A_2626 : i1
      %and3A_2628 = arith.andi %ne3A_2627, %ne3A_2622 : i1
      %add3A_2629 = arith.addi %rem3A_2620, %select_n3A_2619 : i32
      %select_n3A_2630 = arith.select %and3A_2628, %add3A_2629, %rem3A_2620 : i32
      %mul3A_2631 = arith.constant 64 : i32
      %mul3A_2632 = arith.muli %select_n3A_2630, %mul3A_2631 : i32
      %add3A_2633 = arith.addi %mul3A_2, %mul3A_2632 : i32
      %dma_wait3A_2634 = arith.constant 7 : i32
      %dma_wait3A_2635 = arith.constant 0 : i32
      %dma_wait3A_2636 = arith.constant 0 : i32
      %dma_wait3A_2637 = tpu.memref_slice %arg6[%dma_wait3A_2634, %dma_wait3A_2635, %dma_wait3A_2636] : memref<10x64x128xf32, #tpu.memory_space<vmem>> -> memref<1x64x128xf32, #tpu.memory_space<vmem>>
      %dma_wait3A_2638 = tpu.memref_squeeze %dma_wait3A_2637 : memref<1x64x128xf32, #tpu.memory_space<vmem>> -> memref<64x128xf32, #tpu.memory_space<vmem>>
      %dma_wait3A_2639 = arith.constant 0 : i32
      %dma_wait3A_2640 = tpu.memref_slice %arg4[%select_n3A_2614, %add3A_2633, %dma_wait3A_2639] : memref<20x16384x128xf32, #tpu.memory_space<hbm>> -> memref<1x64x128xf32, #tpu.memory_space<hbm>>
      %dma_wait3A_2641 = tpu.memref_squeeze %dma_wait3A_2640 : memref<1x64x128xf32, #tpu.memory_space<hbm>> -> memref<64x128xf32, #tpu.memory_space<hbm>>
      %dma_wait3A_2642 = arith.constant 0 : i32
      %dma_wait3A_2643 = tpu.memref_slice %arg4[%select_n3A_2614, %add3A_2633, %dma_wait3A_2642] : memref<20x16384x128xf32, #tpu.memory_space<hbm>> -> memref<1x64x128xf32, #tpu.memory_space<hbm>>
      %dma_wait3A_2644 = tpu.memref_squeeze %dma_wait3A_2643 : memref<1x64x128xf32, #tpu.memory_space<hbm>> -> memref<64x128xf32, #tpu.memory_space<hbm>>
      %dma_wait3A_2645 = arith.constant 0 : i32
      %dma_wait3A_2646 = arith.constant 0 : i32
      %dma_wait3A_2647 = tpu.memref_slice %arg6[%dma_wait3A_2634, %dma_wait3A_2645, %dma_wait3A_2646] : memref<10x64x128xf32, #tpu.memory_space<vmem>> -> memref<1x64x128xf32, #tpu.memory_space<vmem>>
      %dma_wait3A_2648 = tpu.memref_squeeze %dma_wait3A_2647 : memref<1x64x128xf32, #tpu.memory_space<vmem>> -> memref<64x128xf32, #tpu.memory_space<vmem>>
      tpu.wait_dma2 semaphore(%arg25 : memref<!tpu.dma_semaphore, #tpu.memory_space<semaphore_mem>>) src(%dma_wait3A_2648 : memref<64x128xf32, #tpu.memory_space<vmem>>) dst(%dma_wait3A_2644 : memref<64x128xf32, #tpu.memory_space<hbm>>)
      %add3A_2649 = arith.constant 10 : i32
      %add3A_2650 = arith.addi %add3A_2590, %add3A_2649 : i32
      %jit3A_2651 = arith.constant 8 : i32
      %div3A_2652 = arith.divsi %add3A_2650, %jit3A_2651 : i32
      %sign3A_2653 = arith.constant 0 : i32
      %sign3A_2654 = arith.cmpi sgt, %add3A_2650, %sign3A_2653 : i32
      %sign3A_2655 = arith.extui %sign3A_2654 : i1 to i32
      %sign3A_2656 = arith.constant 0 : i32
      %sign3A_2657 = arith.cmpi slt, %add3A_2650, %sign3A_2656 : i32
      %sign3A_2658 = arith.extui %sign3A_2657 : i1 to i32
      %sign3A_2659 = arith.subi %sign3A_2655, %sign3A_2658 : i32
      %sign3A_2660 = arith.constant 0 : i32
      %sign3A_2661 = arith.cmpi sgt, %jit3A_2651, %sign3A_2660 : i32
      %sign3A_2662 = arith.extui %sign3A_2661 : i1 to i32
      %sign3A_2663 = arith.constant 0 : i32
      %sign3A_2664 = arith.cmpi slt, %jit3A_2651, %sign3A_2663 : i32
      %sign3A_2665 = arith.extui %sign3A_2664 : i1 to i32
      %sign3A_2666 = arith.subi %sign3A_2662, %sign3A_2665 : i32
      %ne3A_2667 = arith.cmpi ne, %sign3A_2659, %sign3A_2666 : i32
      %rem3A_2668 = arith.remsi %add3A_2650, %jit3A_2651 : i32
      %ne3A_2669 = arith.constant 0 : i32
      %ne3A_2670 = arith.cmpi ne, %rem3A_2668, %ne3A_2669 : i32
      %and3A_2671 = arith.andi %ne3A_2667, %ne3A_2670 : i1
      %sub3A_2672 = arith.constant 1 : i32
      %sub3A_2673 = arith.subi %div3A_2652, %sub3A_2672 : i32
      %select_n3A_2674 = arith.select %and3A_2671, %sub3A_2673, %div3A_2652 : i32
      %jit3A_2675 = arith.constant 8 : i32
      %eq3A_2676 = arith.constant 0 : i32
      %eq3A_2677 = arith.cmpi eq, %jit3A_2675, %eq3A_2676 : i32
      %jit3A_2678 = arith.constant 1 : i32
      %select_n3A_2679 = arith.select %eq3A_2677, %jit3A_2678, %jit3A_2675 : i32
      %rem3A_2680 = arith.remsi %add3A_2650, %select_n3A_2679 : i32
      %ne3A_2681 = arith.constant 0 : i32
      %ne3A_2682 = arith.cmpi ne, %rem3A_2680, %ne3A_2681 : i32
      %lt3A_2683 = arith.constant 0 : i32
      %lt3A_2684 = arith.cmpi slt, %rem3A_2680, %lt3A_2683 : i32
      %lt3A_2685 = arith.constant 0 : i32
      %lt3A_2686 = arith.cmpi slt, %select_n3A_2679, %lt3A_2685 : i32
      %ne3A_2687 = arith.xori %lt3A_2684, %lt3A_2686 : i1
      %and3A_2688 = arith.andi %ne3A_2687, %ne3A_2682 : i1
      %add3A_2689 = arith.addi %rem3A_2680, %select_n3A_2679 : i32
      %select_n3A_2690 = arith.select %and3A_2688, %add3A_2689, %rem3A_2680 : i32
      %mul3A_2691 = arith.constant 64 : i32
      %mul3A_2692 = arith.muli %select_n3A_2690, %mul3A_2691 : i32
      %add3A_2693 = arith.constant 0 : i32
      %add3A_2694 = arith.addi %mul3A_2692, %add3A_2693 : i32
      %dma_start3A_2695 = arith.constant 7 : i32
      %dma_start3A_2696 = arith.constant 0 : i32
      %dma_start3A_2697 = arith.constant 0 : i32
      %dma_start3A_2698 = tpu.memref_slice %arg6[%dma_start3A_2695, %dma_start3A_2696, %dma_start3A_2697] : memref<10x64x128xf32, #tpu.memory_space<vmem>> -> memref<1x64x128xf32, #tpu.memory_space<vmem>>
      %dma_start3A_2699 = tpu.memref_squeeze %dma_start3A_2698 : memref<1x64x128xf32, #tpu.memory_space<vmem>> -> memref<64x128xf32, #tpu.memory_space<vmem>>
      %dma_start3A_2700 = tpu.memref_slice %arg5[%select_n3A_2674, %add3A_2694] : memref<20x512xi32, #tpu.memory_space<vmem>> -> memref<1x64xi32, #tpu.memory_space<vmem>>
      %dma_start3A_2701 = tpu.memref_squeeze %dma_start3A_2700 : memref<1x64xi32, #tpu.memory_space<vmem>> -> memref<64xi32, #tpu.memory_space<vmem>>
      %dma_start3A_2702 = arith.constant 0 : i32
      %dma_start3A_2703 = arith.constant 0 : i32
      %dma_start3A_2704 = tpu.memref_slice %arg7[%dma_start3A_2702, %dma_start3A_2703] : memref<1024x128xf32, #tpu.memory_space<vmem_shared>> -> memref<1024x128xf32, #tpu.memory_space<vmem_shared>>
      tpu.enqueue_indirect_dma source(%dma_start3A_2704 : memref<1024x128xf32, #tpu.memory_space<vmem_shared>>) target(%dma_start3A_2699 : memref<64x128xf32, #tpu.memory_space<vmem>>) offsets(%dma_start3A_2701 : memref<64xi32, #tpu.memory_space<vmem>>) semaphore(%arg15 : memref<!tpu.dma_semaphore, #tpu.memory_space<semaphore_mem>>)
      %mul3A_2705 = arith.constant 10 : i32
      %mul3A_2706 = arith.muli %scan3A_610, %mul3A_2705 : i32
      %add3A_2707 = arith.constant 8 : i32
      %add3A_2708 = arith.addi %mul3A_2706, %add3A_2707 : i32
      %jit3A_2709 = arith.constant 8 : i32
      %div3A_2710 = arith.divsi %add3A_2708, %jit3A_2709 : i32
      %sign3A_2711 = arith.constant 0 : i32
      %sign3A_2712 = arith.cmpi sgt, %add3A_2708, %sign3A_2711 : i32
      %sign3A_2713 = arith.extui %sign3A_2712 : i1 to i32
      %sign3A_2714 = arith.constant 0 : i32
      %sign3A_2715 = arith.cmpi slt, %add3A_2708, %sign3A_2714 : i32
      %sign3A_2716 = arith.extui %sign3A_2715 : i1 to i32
      %sign3A_2717 = arith.subi %sign3A_2713, %sign3A_2716 : i32
      %sign3A_2718 = arith.constant 0 : i32
      %sign3A_2719 = arith.cmpi sgt, %jit3A_2709, %sign3A_2718 : i32
      %sign3A_2720 = arith.extui %sign3A_2719 : i1 to i32
      %sign3A_2721 = arith.constant 0 : i32
      %sign3A_2722 = arith.cmpi slt, %jit3A_2709, %sign3A_2721 : i32
      %sign3A_2723 = arith.extui %sign3A_2722 : i1 to i32
      %sign3A_2724 = arith.subi %sign3A_2720, %sign3A_2723 : i32
      %ne3A_2725 = arith.cmpi ne, %sign3A_2717, %sign3A_2724 : i32
      %rem3A_2726 = arith.remsi %add3A_2708, %jit3A_2709 : i32
      %ne3A_2727 = arith.constant 0 : i32
      %ne3A_2728 = arith.cmpi ne, %rem3A_2726, %ne3A_2727 : i32
      %and3A_2729 = arith.andi %ne3A_2725, %ne3A_2728 : i1
      %sub3A_2730 = arith.constant 1 : i32
      %sub3A_2731 = arith.subi %div3A_2710, %sub3A_2730 : i32
      %select_n3A_2732 = arith.select %and3A_2729, %sub3A_2731, %div3A_2710 : i32
      %jit3A_2733 = arith.constant 8 : i32
      %eq3A_2734 = arith.constant 0 : i32
      %eq3A_2735 = arith.cmpi eq, %jit3A_2733, %eq3A_2734 : i32
      %jit3A_2736 = arith.constant 1 : i32
      %select_n3A_2737 = arith.select %eq3A_2735, %jit3A_2736, %jit3A_2733 : i32
      %rem3A_2738 = arith.remsi %add3A_2708, %select_n3A_2737 : i32
      %ne3A_2739 = arith.constant 0 : i32
      %ne3A_2740 = arith.cmpi ne, %rem3A_2738, %ne3A_2739 : i32
      %lt3A_2741 = arith.constant 0 : i32
      %lt3A_2742 = arith.cmpi slt, %rem3A_2738, %lt3A_2741 : i32
      %lt3A_2743 = arith.constant 0 : i32
      %lt3A_2744 = arith.cmpi slt, %select_n3A_2737, %lt3A_2743 : i32
      %ne3A_2745 = arith.xori %lt3A_2742, %lt3A_2744 : i1
      %and3A_2746 = arith.andi %ne3A_2745, %ne3A_2740 : i1
      %add3A_2747 = arith.addi %rem3A_2738, %select_n3A_2737 : i32
      %select_n3A_2748 = arith.select %and3A_2746, %add3A_2747, %rem3A_2738 : i32
      %mul3A_2749 = arith.constant 64 : i32
      %mul3A_2750 = arith.muli %select_n3A_2748, %mul3A_2749 : i32
      %add3A_2751 = arith.addi %mul3A_2, %mul3A_2750 : i32
      %dma_wait3A_2752 = arith.constant 8 : i32
      %dma_wait3A_2753 = arith.constant 0 : i32
      %dma_wait3A_2754 = arith.constant 0 : i32
      %dma_wait3A_2755 = tpu.memref_slice %arg6[%dma_wait3A_2752, %dma_wait3A_2753, %dma_wait3A_2754] : memref<10x64x128xf32, #tpu.memory_space<vmem>> -> memref<1x64x128xf32, #tpu.memory_space<vmem>>
      %dma_wait3A_2756 = tpu.memref_squeeze %dma_wait3A_2755 : memref<1x64x128xf32, #tpu.memory_space<vmem>> -> memref<64x128xf32, #tpu.memory_space<vmem>>
      %dma_wait3A_2757 = arith.constant 0 : i32
      %dma_wait3A_2758 = tpu.memref_slice %arg4[%select_n3A_2732, %add3A_2751, %dma_wait3A_2757] : memref<20x16384x128xf32, #tpu.memory_space<hbm>> -> memref<1x64x128xf32, #tpu.memory_space<hbm>>
      %dma_wait3A_2759 = tpu.memref_squeeze %dma_wait3A_2758 : memref<1x64x128xf32, #tpu.memory_space<hbm>> -> memref<64x128xf32, #tpu.memory_space<hbm>>
      %dma_wait3A_2760 = arith.constant 0 : i32
      %dma_wait3A_2761 = tpu.memref_slice %arg4[%select_n3A_2732, %add3A_2751, %dma_wait3A_2760] : memref<20x16384x128xf32, #tpu.memory_space<hbm>> -> memref<1x64x128xf32, #tpu.memory_space<hbm>>
      %dma_wait3A_2762 = tpu.memref_squeeze %dma_wait3A_2761 : memref<1x64x128xf32, #tpu.memory_space<hbm>> -> memref<64x128xf32, #tpu.memory_space<hbm>>
      %dma_wait3A_2763 = arith.constant 0 : i32
      %dma_wait3A_2764 = arith.constant 0 : i32
      %dma_wait3A_2765 = tpu.memref_slice %arg6[%dma_wait3A_2752, %dma_wait3A_2763, %dma_wait3A_2764] : memref<10x64x128xf32, #tpu.memory_space<vmem>> -> memref<1x64x128xf32, #tpu.memory_space<vmem>>
      %dma_wait3A_2766 = tpu.memref_squeeze %dma_wait3A_2765 : memref<1x64x128xf32, #tpu.memory_space<vmem>> -> memref<64x128xf32, #tpu.memory_space<vmem>>
      tpu.wait_dma2 semaphore(%arg26 : memref<!tpu.dma_semaphore, #tpu.memory_space<semaphore_mem>>) src(%dma_wait3A_2766 : memref<64x128xf32, #tpu.memory_space<vmem>>) dst(%dma_wait3A_2762 : memref<64x128xf32, #tpu.memory_space<hbm>>)
      %add3A_2767 = arith.constant 10 : i32
      %add3A_2768 = arith.addi %add3A_2708, %add3A_2767 : i32
      %jit3A_2769 = arith.constant 8 : i32
      %div3A_2770 = arith.divsi %add3A_2768, %jit3A_2769 : i32
      %sign3A_2771 = arith.constant 0 : i32
      %sign3A_2772 = arith.cmpi sgt, %add3A_2768, %sign3A_2771 : i32
      %sign3A_2773 = arith.extui %sign3A_2772 : i1 to i32
      %sign3A_2774 = arith.constant 0 : i32
      %sign3A_2775 = arith.cmpi slt, %add3A_2768, %sign3A_2774 : i32
      %sign3A_2776 = arith.extui %sign3A_2775 : i1 to i32
      %sign3A_2777 = arith.subi %sign3A_2773, %sign3A_2776 : i32
      %sign3A_2778 = arith.constant 0 : i32
      %sign3A_2779 = arith.cmpi sgt, %jit3A_2769, %sign3A_2778 : i32
      %sign3A_2780 = arith.extui %sign3A_2779 : i1 to i32
      %sign3A_2781 = arith.constant 0 : i32
      %sign3A_2782 = arith.cmpi slt, %jit3A_2769, %sign3A_2781 : i32
      %sign3A_2783 = arith.extui %sign3A_2782 : i1 to i32
      %sign3A_2784 = arith.subi %sign3A_2780, %sign3A_2783 : i32
      %ne3A_2785 = arith.cmpi ne, %sign3A_2777, %sign3A_2784 : i32
      %rem3A_2786 = arith.remsi %add3A_2768, %jit3A_2769 : i32
      %ne3A_2787 = arith.constant 0 : i32
      %ne3A_2788 = arith.cmpi ne, %rem3A_2786, %ne3A_2787 : i32
      %and3A_2789 = arith.andi %ne3A_2785, %ne3A_2788 : i1
      %sub3A_2790 = arith.constant 1 : i32
      %sub3A_2791 = arith.subi %div3A_2770, %sub3A_2790 : i32
      %select_n3A_2792 = arith.select %and3A_2789, %sub3A_2791, %div3A_2770 : i32
      %jit3A_2793 = arith.constant 8 : i32
      %eq3A_2794 = arith.constant 0 : i32
      %eq3A_2795 = arith.cmpi eq, %jit3A_2793, %eq3A_2794 : i32
      %jit3A_2796 = arith.constant 1 : i32
      %select_n3A_2797 = arith.select %eq3A_2795, %jit3A_2796, %jit3A_2793 : i32
      %rem3A_2798 = arith.remsi %add3A_2768, %select_n3A_2797 : i32
      %ne3A_2799 = arith.constant 0 : i32
      %ne3A_2800 = arith.cmpi ne, %rem3A_2798, %ne3A_2799 : i32
      %lt3A_2801 = arith.constant 0 : i32
      %lt3A_2802 = arith.cmpi slt, %rem3A_2798, %lt3A_2801 : i32
      %lt3A_2803 = arith.constant 0 : i32
      %lt3A_2804 = arith.cmpi slt, %select_n3A_2797, %lt3A_2803 : i32
      %ne3A_2805 = arith.xori %lt3A_2802, %lt3A_2804 : i1
      %and3A_2806 = arith.andi %ne3A_2805, %ne3A_2800 : i1
      %add3A_2807 = arith.addi %rem3A_2798, %select_n3A_2797 : i32
      %select_n3A_2808 = arith.select %and3A_2806, %add3A_2807, %rem3A_2798 : i32
      %mul3A_2809 = arith.constant 64 : i32
      %mul3A_2810 = arith.muli %select_n3A_2808, %mul3A_2809 : i32
      %add3A_2811 = arith.constant 0 : i32
      %add3A_2812 = arith.addi %mul3A_2810, %add3A_2811 : i32
      %dma_start3A_2813 = arith.constant 8 : i32
      %dma_start3A_2814 = arith.constant 0 : i32
      %dma_start3A_2815 = arith.constant 0 : i32
      %dma_start3A_2816 = tpu.memref_slice %arg6[%dma_start3A_2813, %dma_start3A_2814, %dma_start3A_2815] : memref<10x64x128xf32, #tpu.memory_space<vmem>> -> memref<1x64x128xf32, #tpu.memory_space<vmem>>
      %dma_start3A_2817 = tpu.memref_squeeze %dma_start3A_2816 : memref<1x64x128xf32, #tpu.memory_space<vmem>> -> memref<64x128xf32, #tpu.memory_space<vmem>>
      %dma_start3A_2818 = tpu.memref_slice %arg5[%select_n3A_2792, %add3A_2812] : memref<20x512xi32, #tpu.memory_space<vmem>> -> memref<1x64xi32, #tpu.memory_space<vmem>>
      %dma_start3A_2819 = tpu.memref_squeeze %dma_start3A_2818 : memref<1x64xi32, #tpu.memory_space<vmem>> -> memref<64xi32, #tpu.memory_space<vmem>>
      %dma_start3A_2820 = arith.constant 0 : i32
      %dma_start3A_2821 = arith.constant 0 : i32
      %dma_start3A_2822 = tpu.memref_slice %arg7[%dma_start3A_2820, %dma_start3A_2821] : memref<1024x128xf32, #tpu.memory_space<vmem_shared>> -> memref<1024x128xf32, #tpu.memory_space<vmem_shared>>
      tpu.enqueue_indirect_dma source(%dma_start3A_2822 : memref<1024x128xf32, #tpu.memory_space<vmem_shared>>) target(%dma_start3A_2817 : memref<64x128xf32, #tpu.memory_space<vmem>>) offsets(%dma_start3A_2819 : memref<64xi32, #tpu.memory_space<vmem>>) semaphore(%arg16 : memref<!tpu.dma_semaphore, #tpu.memory_space<semaphore_mem>>)
      %mul3A_2823 = arith.constant 10 : i32
      %mul3A_2824 = arith.muli %scan3A_610, %mul3A_2823 : i32
      %add3A_2825 = arith.constant 9 : i32
      %add3A_2826 = arith.addi %mul3A_2824, %add3A_2825 : i32
      %jit3A_2827 = arith.constant 8 : i32
      %div3A_2828 = arith.divsi %add3A_2826, %jit3A_2827 : i32
      %sign3A_2829 = arith.constant 0 : i32
      %sign3A_2830 = arith.cmpi sgt, %add3A_2826, %sign3A_2829 : i32
      %sign3A_2831 = arith.extui %sign3A_2830 : i1 to i32
      %sign3A_2832 = arith.constant 0 : i32
      %sign3A_2833 = arith.cmpi slt, %add3A_2826, %sign3A_2832 : i32
      %sign3A_2834 = arith.extui %sign3A_2833 : i1 to i32
      %sign3A_2835 = arith.subi %sign3A_2831, %sign3A_2834 : i32
      %sign3A_2836 = arith.constant 0 : i32
      %sign3A_2837 = arith.cmpi sgt, %jit3A_2827, %sign3A_2836 : i32
      %sign3A_2838 = arith.extui %sign3A_2837 : i1 to i32
      %sign3A_2839 = arith.constant 0 : i32
      %sign3A_2840 = arith.cmpi slt, %jit3A_2827, %sign3A_2839 : i32
      %sign3A_2841 = arith.extui %sign3A_2840 : i1 to i32
      %sign3A_2842 = arith.subi %sign3A_2838, %sign3A_2841 : i32
      %ne3A_2843 = arith.cmpi ne, %sign3A_2835, %sign3A_2842 : i32
      %rem3A_2844 = arith.remsi %add3A_2826, %jit3A_2827 : i32
      %ne3A_2845 = arith.constant 0 : i32
      %ne3A_2846 = arith.cmpi ne, %rem3A_2844, %ne3A_2845 : i32
      %and3A_2847 = arith.andi %ne3A_2843, %ne3A_2846 : i1
      %sub3A_2848 = arith.constant 1 : i32
      %sub3A_2849 = arith.subi %div3A_2828, %sub3A_2848 : i32
      %select_n3A_2850 = arith.select %and3A_2847, %sub3A_2849, %div3A_2828 : i32
      %jit3A_2851 = arith.constant 8 : i32
      %eq3A_2852 = arith.constant 0 : i32
      %eq3A_2853 = arith.cmpi eq, %jit3A_2851, %eq3A_2852 : i32
      %jit3A_2854 = arith.constant 1 : i32
      %select_n3A_2855 = arith.select %eq3A_2853, %jit3A_2854, %jit3A_2851 : i32
      %rem3A_2856 = arith.remsi %add3A_2826, %select_n3A_2855 : i32
      %ne3A_2857 = arith.constant 0 : i32
      %ne3A_2858 = arith.cmpi ne, %rem3A_2856, %ne3A_2857 : i32
      %lt3A_2859 = arith.constant 0 : i32
      %lt3A_2860 = arith.cmpi slt, %rem3A_2856, %lt3A_2859 : i32
      %lt3A_2861 = arith.constant 0 : i32
      %lt3A_2862 = arith.cmpi slt, %select_n3A_2855, %lt3A_2861 : i32
      %ne3A_2863 = arith.xori %lt3A_2860, %lt3A_2862 : i1
      %and3A_2864 = arith.andi %ne3A_2863, %ne3A_2858 : i1
      %add3A_2865 = arith.addi %rem3A_2856, %select_n3A_2855 : i32
      %select_n3A_2866 = arith.select %and3A_2864, %add3A_2865, %rem3A_2856 : i32
      %mul3A_2867 = arith.constant 64 : i32
      %mul3A_2868 = arith.muli %select_n3A_2866, %mul3A_2867 : i32
      %add3A_2869 = arith.addi %mul3A_2, %mul3A_2868 : i32
      %dma_wait3A_2870 = arith.constant 9 : i32
      %dma_wait3A_2871 = arith.constant 0 : i32
      %dma_wait3A_2872 = arith.constant 0 : i32
      %dma_wait3A_2873 = tpu.memref_slice %arg6[%dma_wait3A_2870, %dma_wait3A_2871, %dma_wait3A_2872] : memref<10x64x128xf32, #tpu.memory_space<vmem>> -> memref<1x64x128xf32, #tpu.memory_space<vmem>>
      %dma_wait3A_2874 = tpu.memref_squeeze %dma_wait3A_2873 : memref<1x64x128xf32, #tpu.memory_space<vmem>> -> memref<64x128xf32, #tpu.memory_space<vmem>>
      %dma_wait3A_2875 = arith.constant 0 : i32
      %dma_wait3A_2876 = tpu.memref_slice %arg4[%select_n3A_2850, %add3A_2869, %dma_wait3A_2875] : memref<20x16384x128xf32, #tpu.memory_space<hbm>> -> memref<1x64x128xf32, #tpu.memory_space<hbm>>
      %dma_wait3A_2877 = tpu.memref_squeeze %dma_wait3A_2876 : memref<1x64x128xf32, #tpu.memory_space<hbm>> -> memref<64x128xf32, #tpu.memory_space<hbm>>
      %dma_wait3A_2878 = arith.constant 0 : i32
      %dma_wait3A_2879 = tpu.memref_slice %arg4[%select_n3A_2850, %add3A_2869, %dma_wait3A_2878] : memref<20x16384x128xf32, #tpu.memory_space<hbm>> -> memref<1x64x128xf32, #tpu.memory_space<hbm>>
      %dma_wait3A_2880 = tpu.memref_squeeze %dma_wait3A_2879 : memref<1x64x128xf32, #tpu.memory_space<hbm>> -> memref<64x128xf32, #tpu.memory_space<hbm>>
      %dma_wait3A_2881 = arith.constant 0 : i32
      %dma_wait3A_2882 = arith.constant 0 : i32
      %dma_wait3A_2883 = tpu.memref_slice %arg6[%dma_wait3A_2870, %dma_wait3A_2881, %dma_wait3A_2882] : memref<10x64x128xf32, #tpu.memory_space<vmem>> -> memref<1x64x128xf32, #tpu.memory_space<vmem>>
      %dma_wait3A_2884 = tpu.memref_squeeze %dma_wait3A_2883 : memref<1x64x128xf32, #tpu.memory_space<vmem>> -> memref<64x128xf32, #tpu.memory_space<vmem>>
      tpu.wait_dma2 semaphore(%arg27 : memref<!tpu.dma_semaphore, #tpu.memory_space<semaphore_mem>>) src(%dma_wait3A_2884 : memref<64x128xf32, #tpu.memory_space<vmem>>) dst(%dma_wait3A_2880 : memref<64x128xf32, #tpu.memory_space<hbm>>)
      %add3A_2885 = arith.constant 10 : i32
      %add3A_2886 = arith.addi %add3A_2826, %add3A_2885 : i32
      %jit3A_2887 = arith.constant 8 : i32
      %div3A_2888 = arith.divsi %add3A_2886, %jit3A_2887 : i32
      %sign3A_2889 = arith.constant 0 : i32
      %sign3A_2890 = arith.cmpi sgt, %add3A_2886, %sign3A_2889 : i32
      %sign3A_2891 = arith.extui %sign3A_2890 : i1 to i32
      %sign3A_2892 = arith.constant 0 : i32
      %sign3A_2893 = arith.cmpi slt, %add3A_2886, %sign3A_2892 : i32
      %sign3A_2894 = arith.extui %sign3A_2893 : i1 to i32
      %sign3A_2895 = arith.subi %sign3A_2891, %sign3A_2894 : i32
      %sign3A_2896 = arith.constant 0 : i32
      %sign3A_2897 = arith.cmpi sgt, %jit3A_2887, %sign3A_2896 : i32
      %sign3A_2898 = arith.extui %sign3A_2897 : i1 to i32
      %sign3A_2899 = arith.constant 0 : i32
      %sign3A_2900 = arith.cmpi slt, %jit3A_2887, %sign3A_2899 : i32
      %sign3A_2901 = arith.extui %sign3A_2900 : i1 to i32
      %sign3A_2902 = arith.subi %sign3A_2898, %sign3A_2901 : i32
      %ne3A_2903 = arith.cmpi ne, %sign3A_2895, %sign3A_2902 : i32
      %rem3A_2904 = arith.remsi %add3A_2886, %jit3A_2887 : i32
      %ne3A_2905 = arith.constant 0 : i32
      %ne3A_2906 = arith.cmpi ne, %rem3A_2904, %ne3A_2905 : i32
      %and3A_2907 = arith.andi %ne3A_2903, %ne3A_2906 : i1
      %sub3A_2908 = arith.constant 1 : i32
      %sub3A_2909 = arith.subi %div3A_2888, %sub3A_2908 : i32
      %select_n3A_2910 = arith.select %and3A_2907, %sub3A_2909, %div3A_2888 : i32
      %jit3A_2911 = arith.constant 8 : i32
      %eq3A_2912 = arith.constant 0 : i32
      %eq3A_2913 = arith.cmpi eq, %jit3A_2911, %eq3A_2912 : i32
      %jit3A_2914 = arith.constant 1 : i32
      %select_n3A_2915 = arith.select %eq3A_2913, %jit3A_2914, %jit3A_2911 : i32
      %rem3A_2916 = arith.remsi %add3A_2886, %select_n3A_2915 : i32
      %ne3A_2917 = arith.constant 0 : i32
      %ne3A_2918 = arith.cmpi ne, %rem3A_2916, %ne3A_2917 : i32
      %lt3A_2919 = arith.constant 0 : i32
      %lt3A_2920 = arith.cmpi slt, %rem3A_2916, %lt3A_2919 : i32
      %lt3A_2921 = arith.constant 0 : i32
      %lt3A_2922 = arith.cmpi slt, %select_n3A_2915, %lt3A_2921 : i32
      %ne3A_2923 = arith.xori %lt3A_2920, %lt3A_2922 : i1
      %and3A_2924 = arith.andi %ne3A_2923, %ne3A_2918 : i1
      %add3A_2925 = arith.addi %rem3A_2916, %select_n3A_2915 : i32
      %select_n3A_2926 = arith.select %and3A_2924, %add3A_2925, %rem3A_2916 : i32
      %mul3A_2927 = arith.constant 64 : i32
      %mul3A_2928 = arith.muli %select_n3A_2926, %mul3A_2927 : i32
      %add3A_2929 = arith.constant 0 : i32
      %add3A_2930 = arith.addi %mul3A_2928, %add3A_2929 : i32
      %dma_start3A_2931 = arith.constant 9 : i32
      %dma_start3A_2932 = arith.constant 0 : i32
      %dma_start3A_2933 = arith.constant 0 : i32
      %dma_start3A_2934 = tpu.memref_slice %arg6[%dma_start3A_2931, %dma_start3A_2932, %dma_start3A_2933] : memref<10x64x128xf32, #tpu.memory_space<vmem>> -> memref<1x64x128xf32, #tpu.memory_space<vmem>>
      %dma_start3A_2935 = tpu.memref_squeeze %dma_start3A_2934 : memref<1x64x128xf32, #tpu.memory_space<vmem>> -> memref<64x128xf32, #tpu.memory_space<vmem>>
      %dma_start3A_2936 = tpu.memref_slice %arg5[%select_n3A_2910, %add3A_2930] : memref<20x512xi32, #tpu.memory_space<vmem>> -> memref<1x64xi32, #tpu.memory_space<vmem>>
      %dma_start3A_2937 = tpu.memref_squeeze %dma_start3A_2936 : memref<1x64xi32, #tpu.memory_space<vmem>> -> memref<64xi32, #tpu.memory_space<vmem>>
      %dma_start3A_2938 = arith.constant 0 : i32
      %dma_start3A_2939 = arith.constant 0 : i32
      %dma_start3A_2940 = tpu.memref_slice %arg7[%dma_start3A_2938, %dma_start3A_2939] : memref<1024x128xf32, #tpu.memory_space<vmem_shared>> -> memref<1024x128xf32, #tpu.memory_space<vmem_shared>>
      tpu.enqueue_indirect_dma source(%dma_start3A_2940 : memref<1024x128xf32, #tpu.memory_space<vmem_shared>>) target(%dma_start3A_2935 : memref<64x128xf32, #tpu.memory_space<vmem>>) offsets(%dma_start3A_2937 : memref<64xi32, #tpu.memory_space<vmem>>) semaphore(%arg17 : memref<!tpu.dma_semaphore, #tpu.memory_space<semaphore_mem>>)
    }
    %scan3A_130 = arith.constant 15 : i32
    %dma_wait3A = arith.constant 18 : i32
    %dma_wait3A_131 = arith.constant 0 : i32
    %dma_wait3A_132 = arith.constant 0 : i32
    %dma_wait3A_133 = arith.constant 0 : i32
    %dma_wait3A_134 = tpu.memref_slice %arg6[%dma_wait3A_131, %dma_wait3A_132, %dma_wait3A_133] : memref<10x64x128xf32, #tpu.memory_space<vmem>> -> memref<1x64x128xf32, #tpu.memory_space<vmem>>
    %dma_wait3A_135 = tpu.memref_squeeze %dma_wait3A_134 : memref<1x64x128xf32, #tpu.memory_space<vmem>> -> memref<64x128xf32, #tpu.memory_space<vmem>>
    %dma_wait3A_136 = arith.constant 384 : i32
    %dma_wait3A_137 = tpu.memref_slice %arg5[%dma_wait3A, %dma_wait3A_136] : memref<20x512xi32, #tpu.memory_space<vmem>> -> memref<1x64xi32, #tpu.memory_space<vmem>>
    %dma_wait3A_138 = tpu.memref_squeeze %dma_wait3A_137 : memref<1x64xi32, #tpu.memory_space<vmem>> -> memref<64xi32, #tpu.memory_space<vmem>>
    %dma_wait3A_139 = arith.constant 0 : i32
    %dma_wait3A_140 = arith.constant 0 : i32
    %dma_wait3A_141 = tpu.memref_slice %arg7[%dma_wait3A_139, %dma_wait3A_140] : memref<1024x128xf32, #tpu.memory_space<vmem_shared>> -> memref<1024x128xf32, #tpu.memory_space<vmem_shared>>
    tpu.wait_indirect_dma semaphore(%arg8 : memref<!tpu.dma_semaphore, #tpu.memory_space<semaphore_mem>>) src(%dma_wait3A_141 : memref<1024x128xf32, #tpu.memory_space<vmem_shared>>) dst(%dma_wait3A_135 : memref<64x128xf32, #tpu.memory_space<vmem>>)
    %add3A_142 = arith.constant 384 : i32
    %add3A_143 = arith.addi %mul3A_2, %add3A_142 : i32
    %dma_start3A_144 = arith.constant 0 : i32
    %dma_start3A_145 = arith.constant 18 : i32
    %dma_start3A_146 = arith.constant 0 : i32
    %dma_start3A_147 = arith.constant 0 : i32
    %dma_start3A_148 = tpu.memref_slice %arg6[%dma_start3A_144, %dma_start3A_146, %dma_start3A_147] : memref<10x64x128xf32, #tpu.memory_space<vmem>> -> memref<1x64x128xf32, #tpu.memory_space<vmem>>
    %dma_start3A_149 = tpu.memref_squeeze %dma_start3A_148 : memref<1x64x128xf32, #tpu.memory_space<vmem>> -> memref<64x128xf32, #tpu.memory_space<vmem>>
    %dma_start3A_150 = arith.constant 0 : i32
    %dma_start3A_151 = tpu.memref_slice %arg4[%dma_start3A_145, %add3A_143, %dma_start3A_150] : memref<20x16384x128xf32, #tpu.memory_space<hbm>> -> memref<1x64x128xf32, #tpu.memory_space<hbm>>
    %dma_start3A_152 = tpu.memref_squeeze %dma_start3A_151 : memref<1x64x128xf32, #tpu.memory_space<hbm>> -> memref<64x128xf32, #tpu.memory_space<hbm>>
    %dma_start3A_153 = arith.constant 0 : i32
    %dma_start3A_154 = tpu.memref_slice %arg4[%dma_start3A_145, %add3A_143, %dma_start3A_153] : memref<20x16384x128xf32, #tpu.memory_space<hbm>> -> memref<1x64x128xf32, #tpu.memory_space<hbm>>
    %dma_start3A_155 = tpu.memref_squeeze %dma_start3A_154 : memref<1x64x128xf32, #tpu.memory_space<hbm>> -> memref<64x128xf32, #tpu.memory_space<hbm>>
    %dma_start3A_156 = arith.constant 0 : i32
    %dma_start3A_157 = arith.constant 0 : i32
    %dma_start3A_158 = tpu.memref_slice %arg6[%dma_start3A_144, %dma_start3A_156, %dma_start3A_157] : memref<10x64x128xf32, #tpu.memory_space<vmem>> -> memref<1x64x128xf32, #tpu.memory_space<vmem>>
    %dma_start3A_159 = tpu.memref_squeeze %dma_start3A_158 : memref<1x64x128xf32, #tpu.memory_space<vmem>> -> memref<64x128xf32, #tpu.memory_space<vmem>>
    tpu.enqueue_dma source(%dma_start3A_159 : memref<64x128xf32, #tpu.memory_space<vmem>>) target(%dma_start3A_155 : memref<64x128xf32, #tpu.memory_space<hbm>>) target_semaphore(%arg18 : memref<!tpu.dma_semaphore, #tpu.memory_space<semaphore_mem>>)
    %dma_wait3A_160 = arith.constant 18 : i32
    %dma_wait3A_161 = arith.constant 1 : i32
    %dma_wait3A_162 = arith.constant 0 : i32
    %dma_wait3A_163 = arith.constant 0 : i32
    %dma_wait3A_164 = tpu.memref_slice %arg6[%dma_wait3A_161, %dma_wait3A_162, %dma_wait3A_163] : memref<10x64x128xf32, #tpu.memory_space<vmem>> -> memref<1x64x128xf32, #tpu.memory_space<vmem>>
    %dma_wait3A_165 = tpu.memref_squeeze %dma_wait3A_164 : memref<1x64x128xf32, #tpu.memory_space<vmem>> -> memref<64x128xf32, #tpu.memory_space<vmem>>
    %dma_wait3A_166 = arith.constant 448 : i32
    %dma_wait3A_167 = tpu.memref_slice %arg5[%dma_wait3A_160, %dma_wait3A_166] : memref<20x512xi32, #tpu.memory_space<vmem>> -> memref<1x64xi32, #tpu.memory_space<vmem>>
    %dma_wait3A_168 = tpu.memref_squeeze %dma_wait3A_167 : memref<1x64xi32, #tpu.memory_space<vmem>> -> memref<64xi32, #tpu.memory_space<vmem>>
    %dma_wait3A_169 = arith.constant 0 : i32
    %dma_wait3A_170 = arith.constant 0 : i32
    %dma_wait3A_171 = tpu.memref_slice %arg7[%dma_wait3A_169, %dma_wait3A_170] : memref<1024x128xf32, #tpu.memory_space<vmem_shared>> -> memref<1024x128xf32, #tpu.memory_space<vmem_shared>>
    tpu.wait_indirect_dma semaphore(%arg9 : memref<!tpu.dma_semaphore, #tpu.memory_space<semaphore_mem>>) src(%dma_wait3A_171 : memref<1024x128xf32, #tpu.memory_space<vmem_shared>>) dst(%dma_wait3A_165 : memref<64x128xf32, #tpu.memory_space<vmem>>)
    %add3A_172 = arith.constant 448 : i32
    %add3A_173 = arith.addi %mul3A_2, %add3A_172 : i32
    %dma_start3A_174 = arith.constant 1 : i32
    %dma_start3A_175 = arith.constant 18 : i32
    %dma_start3A_176 = arith.constant 0 : i32
    %dma_start3A_177 = arith.constant 0 : i32
    %dma_start3A_178 = tpu.memref_slice %arg6[%dma_start3A_174, %dma_start3A_176, %dma_start3A_177] : memref<10x64x128xf32, #tpu.memory_space<vmem>> -> memref<1x64x128xf32, #tpu.memory_space<vmem>>
    %dma_start3A_179 = tpu.memref_squeeze %dma_start3A_178 : memref<1x64x128xf32, #tpu.memory_space<vmem>> -> memref<64x128xf32, #tpu.memory_space<vmem>>
    %dma_start3A_180 = arith.constant 0 : i32
    %dma_start3A_181 = tpu.memref_slice %arg4[%dma_start3A_175, %add3A_173, %dma_start3A_180] : memref<20x16384x128xf32, #tpu.memory_space<hbm>> -> memref<1x64x128xf32, #tpu.memory_space<hbm>>
    %dma_start3A_182 = tpu.memref_squeeze %dma_start3A_181 : memref<1x64x128xf32, #tpu.memory_space<hbm>> -> memref<64x128xf32, #tpu.memory_space<hbm>>
    %dma_start3A_183 = arith.constant 0 : i32
    %dma_start3A_184 = tpu.memref_slice %arg4[%dma_start3A_175, %add3A_173, %dma_start3A_183] : memref<20x16384x128xf32, #tpu.memory_space<hbm>> -> memref<1x64x128xf32, #tpu.memory_space<hbm>>
    %dma_start3A_185 = tpu.memref_squeeze %dma_start3A_184 : memref<1x64x128xf32, #tpu.memory_space<hbm>> -> memref<64x128xf32, #tpu.memory_space<hbm>>
    %dma_start3A_186 = arith.constant 0 : i32
    %dma_start3A_187 = arith.constant 0 : i32
    %dma_start3A_188 = tpu.memref_slice %arg6[%dma_start3A_174, %dma_start3A_186, %dma_start3A_187] : memref<10x64x128xf32, #tpu.memory_space<vmem>> -> memref<1x64x128xf32, #tpu.memory_space<vmem>>
    %dma_start3A_189 = tpu.memref_squeeze %dma_start3A_188 : memref<1x64x128xf32, #tpu.memory_space<vmem>> -> memref<64x128xf32, #tpu.memory_space<vmem>>
    tpu.enqueue_dma source(%dma_start3A_189 : memref<64x128xf32, #tpu.memory_space<vmem>>) target(%dma_start3A_185 : memref<64x128xf32, #tpu.memory_space<hbm>>) target_semaphore(%arg19 : memref<!tpu.dma_semaphore, #tpu.memory_space<semaphore_mem>>)
    %dma_wait3A_190 = arith.constant 19 : i32
    %dma_wait3A_191 = arith.constant 2 : i32
    %dma_wait3A_192 = arith.constant 0 : i32
    %dma_wait3A_193 = arith.constant 0 : i32
    %dma_wait3A_194 = tpu.memref_slice %arg6[%dma_wait3A_191, %dma_wait3A_192, %dma_wait3A_193] : memref<10x64x128xf32, #tpu.memory_space<vmem>> -> memref<1x64x128xf32, #tpu.memory_space<vmem>>
    %dma_wait3A_195 = tpu.memref_squeeze %dma_wait3A_194 : memref<1x64x128xf32, #tpu.memory_space<vmem>> -> memref<64x128xf32, #tpu.memory_space<vmem>>
    %dma_wait3A_196 = arith.constant 0 : i32
    %dma_wait3A_197 = tpu.memref_slice %arg5[%dma_wait3A_190, %dma_wait3A_196] : memref<20x512xi32, #tpu.memory_space<vmem>> -> memref<1x64xi32, #tpu.memory_space<vmem>>
    %dma_wait3A_198 = tpu.memref_squeeze %dma_wait3A_197 : memref<1x64xi32, #tpu.memory_space<vmem>> -> memref<64xi32, #tpu.memory_space<vmem>>
    %dma_wait3A_199 = arith.constant 0 : i32
    %dma_wait3A_200 = arith.constant 0 : i32
    %dma_wait3A_201 = tpu.memref_slice %arg7[%dma_wait3A_199, %dma_wait3A_200] : memref<1024x128xf32, #tpu.memory_space<vmem_shared>> -> memref<1024x128xf32, #tpu.memory_space<vmem_shared>>
    tpu.wait_indirect_dma semaphore(%arg10 : memref<!tpu.dma_semaphore, #tpu.memory_space<semaphore_mem>>) src(%dma_wait3A_201 : memref<1024x128xf32, #tpu.memory_space<vmem_shared>>) dst(%dma_wait3A_195 : memref<64x128xf32, #tpu.memory_space<vmem>>)
    %add3A_202 = arith.constant 0 : i32
    %add3A_203 = arith.addi %mul3A_2, %add3A_202 : i32
    %dma_start3A_204 = arith.constant 2 : i32
    %dma_start3A_205 = arith.constant 19 : i32
    %dma_start3A_206 = arith.constant 0 : i32
    %dma_start3A_207 = arith.constant 0 : i32
    %dma_start3A_208 = tpu.memref_slice %arg6[%dma_start3A_204, %dma_start3A_206, %dma_start3A_207] : memref<10x64x128xf32, #tpu.memory_space<vmem>> -> memref<1x64x128xf32, #tpu.memory_space<vmem>>
    %dma_start3A_209 = tpu.memref_squeeze %dma_start3A_208 : memref<1x64x128xf32, #tpu.memory_space<vmem>> -> memref<64x128xf32, #tpu.memory_space<vmem>>
    %dma_start3A_210 = arith.constant 0 : i32
    %dma_start3A_211 = tpu.memref_slice %arg4[%dma_start3A_205, %add3A_203, %dma_start3A_210] : memref<20x16384x128xf32, #tpu.memory_space<hbm>> -> memref<1x64x128xf32, #tpu.memory_space<hbm>>
    %dma_start3A_212 = tpu.memref_squeeze %dma_start3A_211 : memref<1x64x128xf32, #tpu.memory_space<hbm>> -> memref<64x128xf32, #tpu.memory_space<hbm>>
    %dma_start3A_213 = arith.constant 0 : i32
    %dma_start3A_214 = tpu.memref_slice %arg4[%dma_start3A_205, %add3A_203, %dma_start3A_213] : memref<20x16384x128xf32, #tpu.memory_space<hbm>> -> memref<1x64x128xf32, #tpu.memory_space<hbm>>
    %dma_start3A_215 = tpu.memref_squeeze %dma_start3A_214 : memref<1x64x128xf32, #tpu.memory_space<hbm>> -> memref<64x128xf32, #tpu.memory_space<hbm>>
    %dma_start3A_216 = arith.constant 0 : i32
    %dma_start3A_217 = arith.constant 0 : i32
    %dma_start3A_218 = tpu.memref_slice %arg6[%dma_start3A_204, %dma_start3A_216, %dma_start3A_217] : memref<10x64x128xf32, #tpu.memory_space<vmem>> -> memref<1x64x128xf32, #tpu.memory_space<vmem>>
    %dma_start3A_219 = tpu.memref_squeeze %dma_start3A_218 : memref<1x64x128xf32, #tpu.memory_space<vmem>> -> memref<64x128xf32, #tpu.memory_space<vmem>>
    tpu.enqueue_dma source(%dma_start3A_219 : memref<64x128xf32, #tpu.memory_space<vmem>>) target(%dma_start3A_215 : memref<64x128xf32, #tpu.memory_space<hbm>>) target_semaphore(%arg20 : memref<!tpu.dma_semaphore, #tpu.memory_space<semaphore_mem>>)
    %dma_wait3A_220 = arith.constant 19 : i32
    %dma_wait3A_221 = arith.constant 3 : i32
    %dma_wait3A_222 = arith.constant 0 : i32
    %dma_wait3A_223 = arith.constant 0 : i32
    %dma_wait3A_224 = tpu.memref_slice %arg6[%dma_wait3A_221, %dma_wait3A_222, %dma_wait3A_223] : memref<10x64x128xf32, #tpu.memory_space<vmem>> -> memref<1x64x128xf32, #tpu.memory_space<vmem>>
    %dma_wait3A_225 = tpu.memref_squeeze %dma_wait3A_224 : memref<1x64x128xf32, #tpu.memory_space<vmem>> -> memref<64x128xf32, #tpu.memory_space<vmem>>
    %dma_wait3A_226 = arith.constant 64 : i32
    %dma_wait3A_227 = tpu.memref_slice %arg5[%dma_wait3A_220, %dma_wait3A_226] : memref<20x512xi32, #tpu.memory_space<vmem>> -> memref<1x64xi32, #tpu.memory_space<vmem>>
    %dma_wait3A_228 = tpu.memref_squeeze %dma_wait3A_227 : memref<1x64xi32, #tpu.memory_space<vmem>> -> memref<64xi32, #tpu.memory_space<vmem>>
    %dma_wait3A_229 = arith.constant 0 : i32
    %dma_wait3A_230 = arith.constant 0 : i32
    %dma_wait3A_231 = tpu.memref_slice %arg7[%dma_wait3A_229, %dma_wait3A_230] : memref<1024x128xf32, #tpu.memory_space<vmem_shared>> -> memref<1024x128xf32, #tpu.memory_space<vmem_shared>>
    tpu.wait_indirect_dma semaphore(%arg11 : memref<!tpu.dma_semaphore, #tpu.memory_space<semaphore_mem>>) src(%dma_wait3A_231 : memref<1024x128xf32, #tpu.memory_space<vmem_shared>>) dst(%dma_wait3A_225 : memref<64x128xf32, #tpu.memory_space<vmem>>)
    %add3A_232 = arith.constant 64 : i32
    %add3A_233 = arith.addi %mul3A_2, %add3A_232 : i32
    %dma_start3A_234 = arith.constant 3 : i32
    %dma_start3A_235 = arith.constant 19 : i32
    %dma_start3A_236 = arith.constant 0 : i32
    %dma_start3A_237 = arith.constant 0 : i32
    %dma_start3A_238 = tpu.memref_slice %arg6[%dma_start3A_234, %dma_start3A_236, %dma_start3A_237] : memref<10x64x128xf32, #tpu.memory_space<vmem>> -> memref<1x64x128xf32, #tpu.memory_space<vmem>>
    %dma_start3A_239 = tpu.memref_squeeze %dma_start3A_238 : memref<1x64x128xf32, #tpu.memory_space<vmem>> -> memref<64x128xf32, #tpu.memory_space<vmem>>
    %dma_start3A_240 = arith.constant 0 : i32
    %dma_start3A_241 = tpu.memref_slice %arg4[%dma_start3A_235, %add3A_233, %dma_start3A_240] : memref<20x16384x128xf32, #tpu.memory_space<hbm>> -> memref<1x64x128xf32, #tpu.memory_space<hbm>>
    %dma_start3A_242 = tpu.memref_squeeze %dma_start3A_241 : memref<1x64x128xf32, #tpu.memory_space<hbm>> -> memref<64x128xf32, #tpu.memory_space<hbm>>
    %dma_start3A_243 = arith.constant 0 : i32
    %dma_start3A_244 = tpu.memref_slice %arg4[%dma_start3A_235, %add3A_233, %dma_start3A_243] : memref<20x16384x128xf32, #tpu.memory_space<hbm>> -> memref<1x64x128xf32, #tpu.memory_space<hbm>>
    %dma_start3A_245 = tpu.memref_squeeze %dma_start3A_244 : memref<1x64x128xf32, #tpu.memory_space<hbm>> -> memref<64x128xf32, #tpu.memory_space<hbm>>
    %dma_start3A_246 = arith.constant 0 : i32
    %dma_start3A_247 = arith.constant 0 : i32
    %dma_start3A_248 = tpu.memref_slice %arg6[%dma_start3A_234, %dma_start3A_246, %dma_start3A_247] : memref<10x64x128xf32, #tpu.memory_space<vmem>> -> memref<1x64x128xf32, #tpu.memory_space<vmem>>
    %dma_start3A_249 = tpu.memref_squeeze %dma_start3A_248 : memref<1x64x128xf32, #tpu.memory_space<vmem>> -> memref<64x128xf32, #tpu.memory_space<vmem>>
    tpu.enqueue_dma source(%dma_start3A_249 : memref<64x128xf32, #tpu.memory_space<vmem>>) target(%dma_start3A_245 : memref<64x128xf32, #tpu.memory_space<hbm>>) target_semaphore(%arg21 : memref<!tpu.dma_semaphore, #tpu.memory_space<semaphore_mem>>)
    %dma_wait3A_250 = arith.constant 19 : i32
    %dma_wait3A_251 = arith.constant 4 : i32
    %dma_wait3A_252 = arith.constant 0 : i32
    %dma_wait3A_253 = arith.constant 0 : i32
    %dma_wait3A_254 = tpu.memref_slice %arg6[%dma_wait3A_251, %dma_wait3A_252, %dma_wait3A_253] : memref<10x64x128xf32, #tpu.memory_space<vmem>> -> memref<1x64x128xf32, #tpu.memory_space<vmem>>
    %dma_wait3A_255 = tpu.memref_squeeze %dma_wait3A_254 : memref<1x64x128xf32, #tpu.memory_space<vmem>> -> memref<64x128xf32, #tpu.memory_space<vmem>>
    %dma_wait3A_256 = arith.constant 128 : i32
    %dma_wait3A_257 = tpu.memref_slice %arg5[%dma_wait3A_250, %dma_wait3A_256] : memref<20x512xi32, #tpu.memory_space<vmem>> -> memref<1x64xi32, #tpu.memory_space<vmem>>
    %dma_wait3A_258 = tpu.memref_squeeze %dma_wait3A_257 : memref<1x64xi32, #tpu.memory_space<vmem>> -> memref<64xi32, #tpu.memory_space<vmem>>
    %dma_wait3A_259 = arith.constant 0 : i32
    %dma_wait3A_260 = arith.constant 0 : i32
    %dma_wait3A_261 = tpu.memref_slice %arg7[%dma_wait3A_259, %dma_wait3A_260] : memref<1024x128xf32, #tpu.memory_space<vmem_shared>> -> memref<1024x128xf32, #tpu.memory_space<vmem_shared>>
    tpu.wait_indirect_dma semaphore(%arg12 : memref<!tpu.dma_semaphore, #tpu.memory_space<semaphore_mem>>) src(%dma_wait3A_261 : memref<1024x128xf32, #tpu.memory_space<vmem_shared>>) dst(%dma_wait3A_255 : memref<64x128xf32, #tpu.memory_space<vmem>>)
    %add3A_262 = arith.constant 128 : i32
    %add3A_263 = arith.addi %mul3A_2, %add3A_262 : i32
    %dma_start3A_264 = arith.constant 4 : i32
    %dma_start3A_265 = arith.constant 19 : i32
    %dma_start3A_266 = arith.constant 0 : i32
    %dma_start3A_267 = arith.constant 0 : i32
    %dma_start3A_268 = tpu.memref_slice %arg6[%dma_start3A_264, %dma_start3A_266, %dma_start3A_267] : memref<10x64x128xf32, #tpu.memory_space<vmem>> -> memref<1x64x128xf32, #tpu.memory_space<vmem>>
    %dma_start3A_269 = tpu.memref_squeeze %dma_start3A_268 : memref<1x64x128xf32, #tpu.memory_space<vmem>> -> memref<64x128xf32, #tpu.memory_space<vmem>>
    %dma_start3A_270 = arith.constant 0 : i32
    %dma_start3A_271 = tpu.memref_slice %arg4[%dma_start3A_265, %add3A_263, %dma_start3A_270] : memref<20x16384x128xf32, #tpu.memory_space<hbm>> -> memref<1x64x128xf32, #tpu.memory_space<hbm>>
    %dma_start3A_272 = tpu.memref_squeeze %dma_start3A_271 : memref<1x64x128xf32, #tpu.memory_space<hbm>> -> memref<64x128xf32, #tpu.memory_space<hbm>>
    %dma_start3A_273 = arith.constant 0 : i32
    %dma_start3A_274 = tpu.memref_slice %arg4[%dma_start3A_265, %add3A_263, %dma_start3A_273] : memref<20x16384x128xf32, #tpu.memory_space<hbm>> -> memref<1x64x128xf32, #tpu.memory_space<hbm>>
    %dma_start3A_275 = tpu.memref_squeeze %dma_start3A_274 : memref<1x64x128xf32, #tpu.memory_space<hbm>> -> memref<64x128xf32, #tpu.memory_space<hbm>>
    %dma_start3A_276 = arith.constant 0 : i32
    %dma_start3A_277 = arith.constant 0 : i32
    %dma_start3A_278 = tpu.memref_slice %arg6[%dma_start3A_264, %dma_start3A_276, %dma_start3A_277] : memref<10x64x128xf32, #tpu.memory_space<vmem>> -> memref<1x64x128xf32, #tpu.memory_space<vmem>>
    %dma_start3A_279 = tpu.memref_squeeze %dma_start3A_278 : memref<1x64x128xf32, #tpu.memory_space<vmem>> -> memref<64x128xf32, #tpu.memory_space<vmem>>
    tpu.enqueue_dma source(%dma_start3A_279 : memref<64x128xf32, #tpu.memory_space<vmem>>) target(%dma_start3A_275 : memref<64x128xf32, #tpu.memory_space<hbm>>) target_semaphore(%arg22 : memref<!tpu.dma_semaphore, #tpu.memory_space<semaphore_mem>>)
    %dma_wait3A_280 = arith.constant 19 : i32
    %dma_wait3A_281 = arith.constant 5 : i32
    %dma_wait3A_282 = arith.constant 0 : i32
    %dma_wait3A_283 = arith.constant 0 : i32
    %dma_wait3A_284 = tpu.memref_slice %arg6[%dma_wait3A_281, %dma_wait3A_282, %dma_wait3A_283] : memref<10x64x128xf32, #tpu.memory_space<vmem>> -> memref<1x64x128xf32, #tpu.memory_space<vmem>>
    %dma_wait3A_285 = tpu.memref_squeeze %dma_wait3A_284 : memref<1x64x128xf32, #tpu.memory_space<vmem>> -> memref<64x128xf32, #tpu.memory_space<vmem>>
    %dma_wait3A_286 = arith.constant 192 : i32
    %dma_wait3A_287 = tpu.memref_slice %arg5[%dma_wait3A_280, %dma_wait3A_286] : memref<20x512xi32, #tpu.memory_space<vmem>> -> memref<1x64xi32, #tpu.memory_space<vmem>>
    %dma_wait3A_288 = tpu.memref_squeeze %dma_wait3A_287 : memref<1x64xi32, #tpu.memory_space<vmem>> -> memref<64xi32, #tpu.memory_space<vmem>>
    %dma_wait3A_289 = arith.constant 0 : i32
    %dma_wait3A_290 = arith.constant 0 : i32
    %dma_wait3A_291 = tpu.memref_slice %arg7[%dma_wait3A_289, %dma_wait3A_290] : memref<1024x128xf32, #tpu.memory_space<vmem_shared>> -> memref<1024x128xf32, #tpu.memory_space<vmem_shared>>
    tpu.wait_indirect_dma semaphore(%arg13 : memref<!tpu.dma_semaphore, #tpu.memory_space<semaphore_mem>>) src(%dma_wait3A_291 : memref<1024x128xf32, #tpu.memory_space<vmem_shared>>) dst(%dma_wait3A_285 : memref<64x128xf32, #tpu.memory_space<vmem>>)
    %add3A_292 = arith.constant 192 : i32
    %add3A_293 = arith.addi %mul3A_2, %add3A_292 : i32
    %dma_start3A_294 = arith.constant 5 : i32
    %dma_start3A_295 = arith.constant 19 : i32
    %dma_start3A_296 = arith.constant 0 : i32
    %dma_start3A_297 = arith.constant 0 : i32
    %dma_start3A_298 = tpu.memref_slice %arg6[%dma_start3A_294, %dma_start3A_296, %dma_start3A_297] : memref<10x64x128xf32, #tpu.memory_space<vmem>> -> memref<1x64x128xf32, #tpu.memory_space<vmem>>
    %dma_start3A_299 = tpu.memref_squeeze %dma_start3A_298 : memref<1x64x128xf32, #tpu.memory_space<vmem>> -> memref<64x128xf32, #tpu.memory_space<vmem>>
    %dma_start3A_300 = arith.constant 0 : i32
    %dma_start3A_301 = tpu.memref_slice %arg4[%dma_start3A_295, %add3A_293, %dma_start3A_300] : memref<20x16384x128xf32, #tpu.memory_space<hbm>> -> memref<1x64x128xf32, #tpu.memory_space<hbm>>
    %dma_start3A_302 = tpu.memref_squeeze %dma_start3A_301 : memref<1x64x128xf32, #tpu.memory_space<hbm>> -> memref<64x128xf32, #tpu.memory_space<hbm>>
    %dma_start3A_303 = arith.constant 0 : i32
    %dma_start3A_304 = tpu.memref_slice %arg4[%dma_start3A_295, %add3A_293, %dma_start3A_303] : memref<20x16384x128xf32, #tpu.memory_space<hbm>> -> memref<1x64x128xf32, #tpu.memory_space<hbm>>
    %dma_start3A_305 = tpu.memref_squeeze %dma_start3A_304 : memref<1x64x128xf32, #tpu.memory_space<hbm>> -> memref<64x128xf32, #tpu.memory_space<hbm>>
    %dma_start3A_306 = arith.constant 0 : i32
    %dma_start3A_307 = arith.constant 0 : i32
    %dma_start3A_308 = tpu.memref_slice %arg6[%dma_start3A_294, %dma_start3A_306, %dma_start3A_307] : memref<10x64x128xf32, #tpu.memory_space<vmem>> -> memref<1x64x128xf32, #tpu.memory_space<vmem>>
    %dma_start3A_309 = tpu.memref_squeeze %dma_start3A_308 : memref<1x64x128xf32, #tpu.memory_space<vmem>> -> memref<64x128xf32, #tpu.memory_space<vmem>>
    tpu.enqueue_dma source(%dma_start3A_309 : memref<64x128xf32, #tpu.memory_space<vmem>>) target(%dma_start3A_305 : memref<64x128xf32, #tpu.memory_space<hbm>>) target_semaphore(%arg23 : memref<!tpu.dma_semaphore, #tpu.memory_space<semaphore_mem>>)
    %dma_wait3A_310 = arith.constant 19 : i32
    %dma_wait3A_311 = arith.constant 6 : i32
    %dma_wait3A_312 = arith.constant 0 : i32
    %dma_wait3A_313 = arith.constant 0 : i32
    %dma_wait3A_314 = tpu.memref_slice %arg6[%dma_wait3A_311, %dma_wait3A_312, %dma_wait3A_313] : memref<10x64x128xf32, #tpu.memory_space<vmem>> -> memref<1x64x128xf32, #tpu.memory_space<vmem>>
    %dma_wait3A_315 = tpu.memref_squeeze %dma_wait3A_314 : memref<1x64x128xf32, #tpu.memory_space<vmem>> -> memref<64x128xf32, #tpu.memory_space<vmem>>
    %dma_wait3A_316 = arith.constant 256 : i32
    %dma_wait3A_317 = tpu.memref_slice %arg5[%dma_wait3A_310, %dma_wait3A_316] : memref<20x512xi32, #tpu.memory_space<vmem>> -> memref<1x64xi32, #tpu.memory_space<vmem>>
    %dma_wait3A_318 = tpu.memref_squeeze %dma_wait3A_317 : memref<1x64xi32, #tpu.memory_space<vmem>> -> memref<64xi32, #tpu.memory_space<vmem>>
    %dma_wait3A_319 = arith.constant 0 : i32
    %dma_wait3A_320 = arith.constant 0 : i32
    %dma_wait3A_321 = tpu.memref_slice %arg7[%dma_wait3A_319, %dma_wait3A_320] : memref<1024x128xf32, #tpu.memory_space<vmem_shared>> -> memref<1024x128xf32, #tpu.memory_space<vmem_shared>>
    tpu.wait_indirect_dma semaphore(%arg14 : memref<!tpu.dma_semaphore, #tpu.memory_space<semaphore_mem>>) src(%dma_wait3A_321 : memref<1024x128xf32, #tpu.memory_space<vmem_shared>>) dst(%dma_wait3A_315 : memref<64x128xf32, #tpu.memory_space<vmem>>)
    %add3A_322 = arith.constant 256 : i32
    %add3A_323 = arith.addi %mul3A_2, %add3A_322 : i32
    %dma_start3A_324 = arith.constant 6 : i32
    %dma_start3A_325 = arith.constant 19 : i32
    %dma_start3A_326 = arith.constant 0 : i32
    %dma_start3A_327 = arith.constant 0 : i32
    %dma_start3A_328 = tpu.memref_slice %arg6[%dma_start3A_324, %dma_start3A_326, %dma_start3A_327] : memref<10x64x128xf32, #tpu.memory_space<vmem>> -> memref<1x64x128xf32, #tpu.memory_space<vmem>>
    %dma_start3A_329 = tpu.memref_squeeze %dma_start3A_328 : memref<1x64x128xf32, #tpu.memory_space<vmem>> -> memref<64x128xf32, #tpu.memory_space<vmem>>
    %dma_start3A_330 = arith.constant 0 : i32
    %dma_start3A_331 = tpu.memref_slice %arg4[%dma_start3A_325, %add3A_323, %dma_start3A_330] : memref<20x16384x128xf32, #tpu.memory_space<hbm>> -> memref<1x64x128xf32, #tpu.memory_space<hbm>>
    %dma_start3A_332 = tpu.memref_squeeze %dma_start3A_331 : memref<1x64x128xf32, #tpu.memory_space<hbm>> -> memref<64x128xf32, #tpu.memory_space<hbm>>
    %dma_start3A_333 = arith.constant 0 : i32
    %dma_start3A_334 = tpu.memref_slice %arg4[%dma_start3A_325, %add3A_323, %dma_start3A_333] : memref<20x16384x128xf32, #tpu.memory_space<hbm>> -> memref<1x64x128xf32, #tpu.memory_space<hbm>>
    %dma_start3A_335 = tpu.memref_squeeze %dma_start3A_334 : memref<1x64x128xf32, #tpu.memory_space<hbm>> -> memref<64x128xf32, #tpu.memory_space<hbm>>
    %dma_start3A_336 = arith.constant 0 : i32
    %dma_start3A_337 = arith.constant 0 : i32
    %dma_start3A_338 = tpu.memref_slice %arg6[%dma_start3A_324, %dma_start3A_336, %dma_start3A_337] : memref<10x64x128xf32, #tpu.memory_space<vmem>> -> memref<1x64x128xf32, #tpu.memory_space<vmem>>
    %dma_start3A_339 = tpu.memref_squeeze %dma_start3A_338 : memref<1x64x128xf32, #tpu.memory_space<vmem>> -> memref<64x128xf32, #tpu.memory_space<vmem>>
    tpu.enqueue_dma source(%dma_start3A_339 : memref<64x128xf32, #tpu.memory_space<vmem>>) target(%dma_start3A_335 : memref<64x128xf32, #tpu.memory_space<hbm>>) target_semaphore(%arg24 : memref<!tpu.dma_semaphore, #tpu.memory_space<semaphore_mem>>)
    %dma_wait3A_340 = arith.constant 19 : i32
    %dma_wait3A_341 = arith.constant 7 : i32
    %dma_wait3A_342 = arith.constant 0 : i32
    %dma_wait3A_343 = arith.constant 0 : i32
    %dma_wait3A_344 = tpu.memref_slice %arg6[%dma_wait3A_341, %dma_wait3A_342, %dma_wait3A_343] : memref<10x64x128xf32, #tpu.memory_space<vmem>> -> memref<1x64x128xf32, #tpu.memory_space<vmem>>
    %dma_wait3A_345 = tpu.memref_squeeze %dma_wait3A_344 : memref<1x64x128xf32, #tpu.memory_space<vmem>> -> memref<64x128xf32, #tpu.memory_space<vmem>>
    %dma_wait3A_346 = arith.constant 320 : i32
    %dma_wait3A_347 = tpu.memref_slice %arg5[%dma_wait3A_340, %dma_wait3A_346] : memref<20x512xi32, #tpu.memory_space<vmem>> -> memref<1x64xi32, #tpu.memory_space<vmem>>
    %dma_wait3A_348 = tpu.memref_squeeze %dma_wait3A_347 : memref<1x64xi32, #tpu.memory_space<vmem>> -> memref<64xi32, #tpu.memory_space<vmem>>
    %dma_wait3A_349 = arith.constant 0 : i32
    %dma_wait3A_350 = arith.constant 0 : i32
    %dma_wait3A_351 = tpu.memref_slice %arg7[%dma_wait3A_349, %dma_wait3A_350] : memref<1024x128xf32, #tpu.memory_space<vmem_shared>> -> memref<1024x128xf32, #tpu.memory_space<vmem_shared>>
    tpu.wait_indirect_dma semaphore(%arg15 : memref<!tpu.dma_semaphore, #tpu.memory_space<semaphore_mem>>) src(%dma_wait3A_351 : memref<1024x128xf32, #tpu.memory_space<vmem_shared>>) dst(%dma_wait3A_345 : memref<64x128xf32, #tpu.memory_space<vmem>>)
    %add3A_352 = arith.constant 320 : i32
    %add3A_353 = arith.addi %mul3A_2, %add3A_352 : i32
    %dma_start3A_354 = arith.constant 7 : i32
    %dma_start3A_355 = arith.constant 19 : i32
    %dma_start3A_356 = arith.constant 0 : i32
    %dma_start3A_357 = arith.constant 0 : i32
    %dma_start3A_358 = tpu.memref_slice %arg6[%dma_start3A_354, %dma_start3A_356, %dma_start3A_357] : memref<10x64x128xf32, #tpu.memory_space<vmem>> -> memref<1x64x128xf32, #tpu.memory_space<vmem>>
    %dma_start3A_359 = tpu.memref_squeeze %dma_start3A_358 : memref<1x64x128xf32, #tpu.memory_space<vmem>> -> memref<64x128xf32, #tpu.memory_space<vmem>>
    %dma_start3A_360 = arith.constant 0 : i32
    %dma_start3A_361 = tpu.memref_slice %arg4[%dma_start3A_355, %add3A_353, %dma_start3A_360] : memref<20x16384x128xf32, #tpu.memory_space<hbm>> -> memref<1x64x128xf32, #tpu.memory_space<hbm>>
    %dma_start3A_362 = tpu.memref_squeeze %dma_start3A_361 : memref<1x64x128xf32, #tpu.memory_space<hbm>> -> memref<64x128xf32, #tpu.memory_space<hbm>>
    %dma_start3A_363 = arith.constant 0 : i32
    %dma_start3A_364 = tpu.memref_slice %arg4[%dma_start3A_355, %add3A_353, %dma_start3A_363] : memref<20x16384x128xf32, #tpu.memory_space<hbm>> -> memref<1x64x128xf32, #tpu.memory_space<hbm>>
    %dma_start3A_365 = tpu.memref_squeeze %dma_start3A_364 : memref<1x64x128xf32, #tpu.memory_space<hbm>> -> memref<64x128xf32, #tpu.memory_space<hbm>>
    %dma_start3A_366 = arith.constant 0 : i32
    %dma_start3A_367 = arith.constant 0 : i32
    %dma_start3A_368 = tpu.memref_slice %arg6[%dma_start3A_354, %dma_start3A_366, %dma_start3A_367] : memref<10x64x128xf32, #tpu.memory_space<vmem>> -> memref<1x64x128xf32, #tpu.memory_space<vmem>>
    %dma_start3A_369 = tpu.memref_squeeze %dma_start3A_368 : memref<1x64x128xf32, #tpu.memory_space<vmem>> -> memref<64x128xf32, #tpu.memory_space<vmem>>
    tpu.enqueue_dma source(%dma_start3A_369 : memref<64x128xf32, #tpu.memory_space<vmem>>) target(%dma_start3A_365 : memref<64x128xf32, #tpu.memory_space<hbm>>) target_semaphore(%arg25 : memref<!tpu.dma_semaphore, #tpu.memory_space<semaphore_mem>>)
    %dma_wait3A_370 = arith.constant 19 : i32
    %dma_wait3A_371 = arith.constant 8 : i32
    %dma_wait3A_372 = arith.constant 0 : i32
    %dma_wait3A_373 = arith.constant 0 : i32
    %dma_wait3A_374 = tpu.memref_slice %arg6[%dma_wait3A_371, %dma_wait3A_372, %dma_wait3A_373] : memref<10x64x128xf32, #tpu.memory_space<vmem>> -> memref<1x64x128xf32, #tpu.memory_space<vmem>>
    %dma_wait3A_375 = tpu.memref_squeeze %dma_wait3A_374 : memref<1x64x128xf32, #tpu.memory_space<vmem>> -> memref<64x128xf32, #tpu.memory_space<vmem>>
    %dma_wait3A_376 = arith.constant 384 : i32
    %dma_wait3A_377 = tpu.memref_slice %arg5[%dma_wait3A_370, %dma_wait3A_376] : memref<20x512xi32, #tpu.memory_space<vmem>> -> memref<1x64xi32, #tpu.memory_space<vmem>>
    %dma_wait3A_378 = tpu.memref_squeeze %dma_wait3A_377 : memref<1x64xi32, #tpu.memory_space<vmem>> -> memref<64xi32, #tpu.memory_space<vmem>>
    %dma_wait3A_379 = arith.constant 0 : i32
    %dma_wait3A_380 = arith.constant 0 : i32
    %dma_wait3A_381 = tpu.memref_slice %arg7[%dma_wait3A_379, %dma_wait3A_380] : memref<1024x128xf32, #tpu.memory_space<vmem_shared>> -> memref<1024x128xf32, #tpu.memory_space<vmem_shared>>
    tpu.wait_indirect_dma semaphore(%arg16 : memref<!tpu.dma_semaphore, #tpu.memory_space<semaphore_mem>>) src(%dma_wait3A_381 : memref<1024x128xf32, #tpu.memory_space<vmem_shared>>) dst(%dma_wait3A_375 : memref<64x128xf32, #tpu.memory_space<vmem>>)
    %add3A_382 = arith.constant 384 : i32
    %add3A_383 = arith.addi %mul3A_2, %add3A_382 : i32
    %dma_start3A_384 = arith.constant 8 : i32
    %dma_start3A_385 = arith.constant 19 : i32
    %dma_start3A_386 = arith.constant 0 : i32
    %dma_start3A_387 = arith.constant 0 : i32
    %dma_start3A_388 = tpu.memref_slice %arg6[%dma_start3A_384, %dma_start3A_386, %dma_start3A_387] : memref<10x64x128xf32, #tpu.memory_space<vmem>> -> memref<1x64x128xf32, #tpu.memory_space<vmem>>
    %dma_start3A_389 = tpu.memref_squeeze %dma_start3A_388 : memref<1x64x128xf32, #tpu.memory_space<vmem>> -> memref<64x128xf32, #tpu.memory_space<vmem>>
    %dma_start3A_390 = arith.constant 0 : i32
    %dma_start3A_391 = tpu.memref_slice %arg4[%dma_start3A_385, %add3A_383, %dma_start3A_390] : memref<20x16384x128xf32, #tpu.memory_space<hbm>> -> memref<1x64x128xf32, #tpu.memory_space<hbm>>
    %dma_start3A_392 = tpu.memref_squeeze %dma_start3A_391 : memref<1x64x128xf32, #tpu.memory_space<hbm>> -> memref<64x128xf32, #tpu.memory_space<hbm>>
    %dma_start3A_393 = arith.constant 0 : i32
    %dma_start3A_394 = tpu.memref_slice %arg4[%dma_start3A_385, %add3A_383, %dma_start3A_393] : memref<20x16384x128xf32, #tpu.memory_space<hbm>> -> memref<1x64x128xf32, #tpu.memory_space<hbm>>
    %dma_start3A_395 = tpu.memref_squeeze %dma_start3A_394 : memref<1x64x128xf32, #tpu.memory_space<hbm>> -> memref<64x128xf32, #tpu.memory_space<hbm>>
    %dma_start3A_396 = arith.constant 0 : i32
    %dma_start3A_397 = arith.constant 0 : i32
    %dma_start3A_398 = tpu.memref_slice %arg6[%dma_start3A_384, %dma_start3A_396, %dma_start3A_397] : memref<10x64x128xf32, #tpu.memory_space<vmem>> -> memref<1x64x128xf32, #tpu.memory_space<vmem>>
    %dma_start3A_399 = tpu.memref_squeeze %dma_start3A_398 : memref<1x64x128xf32, #tpu.memory_space<vmem>> -> memref<64x128xf32, #tpu.memory_space<vmem>>
    tpu.enqueue_dma source(%dma_start3A_399 : memref<64x128xf32, #tpu.memory_space<vmem>>) target(%dma_start3A_395 : memref<64x128xf32, #tpu.memory_space<hbm>>) target_semaphore(%arg26 : memref<!tpu.dma_semaphore, #tpu.memory_space<semaphore_mem>>)
    %dma_wait3A_400 = arith.constant 19 : i32
    %dma_wait3A_401 = arith.constant 9 : i32
    %dma_wait3A_402 = arith.constant 0 : i32
    %dma_wait3A_403 = arith.constant 0 : i32
    %dma_wait3A_404 = tpu.memref_slice %arg6[%dma_wait3A_401, %dma_wait3A_402, %dma_wait3A_403] : memref<10x64x128xf32, #tpu.memory_space<vmem>> -> memref<1x64x128xf32, #tpu.memory_space<vmem>>
    %dma_wait3A_405 = tpu.memref_squeeze %dma_wait3A_404 : memref<1x64x128xf32, #tpu.memory_space<vmem>> -> memref<64x128xf32, #tpu.memory_space<vmem>>
    %dma_wait3A_406 = arith.constant 448 : i32
    %dma_wait3A_407 = tpu.memref_slice %arg5[%dma_wait3A_400, %dma_wait3A_406] : memref<20x512xi32, #tpu.memory_space<vmem>> -> memref<1x64xi32, #tpu.memory_space<vmem>>
    %dma_wait3A_408 = tpu.memref_squeeze %dma_wait3A_407 : memref<1x64xi32, #tpu.memory_space<vmem>> -> memref<64xi32, #tpu.memory_space<vmem>>
    %dma_wait3A_409 = arith.constant 0 : i32
    %dma_wait3A_410 = arith.constant 0 : i32
    %dma_wait3A_411 = tpu.memref_slice %arg7[%dma_wait3A_409, %dma_wait3A_410] : memref<1024x128xf32, #tpu.memory_space<vmem_shared>> -> memref<1024x128xf32, #tpu.memory_space<vmem_shared>>
    tpu.wait_indirect_dma semaphore(%arg17 : memref<!tpu.dma_semaphore, #tpu.memory_space<semaphore_mem>>) src(%dma_wait3A_411 : memref<1024x128xf32, #tpu.memory_space<vmem_shared>>) dst(%dma_wait3A_405 : memref<64x128xf32, #tpu.memory_space<vmem>>)
    %add3A_412 = arith.constant 448 : i32
    %add3A_413 = arith.addi %mul3A_2, %add3A_412 : i32
    %dma_start3A_414 = arith.constant 9 : i32
    %dma_start3A_415 = arith.constant 19 : i32
    %dma_start3A_416 = arith.constant 0 : i32
    %dma_start3A_417 = arith.constant 0 : i32
    %dma_start3A_418 = tpu.memref_slice %arg6[%dma_start3A_414, %dma_start3A_416, %dma_start3A_417] : memref<10x64x128xf32, #tpu.memory_space<vmem>> -> memref<1x64x128xf32, #tpu.memory_space<vmem>>
    %dma_start3A_419 = tpu.memref_squeeze %dma_start3A_418 : memref<1x64x128xf32, #tpu.memory_space<vmem>> -> memref<64x128xf32, #tpu.memory_space<vmem>>
    %dma_start3A_420 = arith.constant 0 : i32
    %dma_start3A_421 = tpu.memref_slice %arg4[%dma_start3A_415, %add3A_413, %dma_start3A_420] : memref<20x16384x128xf32, #tpu.memory_space<hbm>> -> memref<1x64x128xf32, #tpu.memory_space<hbm>>
    %dma_start3A_422 = tpu.memref_squeeze %dma_start3A_421 : memref<1x64x128xf32, #tpu.memory_space<hbm>> -> memref<64x128xf32, #tpu.memory_space<hbm>>
    %dma_start3A_423 = arith.constant 0 : i32
    %dma_start3A_424 = tpu.memref_slice %arg4[%dma_start3A_415, %add3A_413, %dma_start3A_423] : memref<20x16384x128xf32, #tpu.memory_space<hbm>> -> memref<1x64x128xf32, #tpu.memory_space<hbm>>
    %dma_start3A_425 = tpu.memref_squeeze %dma_start3A_424 : memref<1x64x128xf32, #tpu.memory_space<hbm>> -> memref<64x128xf32, #tpu.memory_space<hbm>>
    %dma_start3A_426 = arith.constant 0 : i32
    %dma_start3A_427 = arith.constant 0 : i32
    %dma_start3A_428 = tpu.memref_slice %arg6[%dma_start3A_414, %dma_start3A_426, %dma_start3A_427] : memref<10x64x128xf32, #tpu.memory_space<vmem>> -> memref<1x64x128xf32, #tpu.memory_space<vmem>>
    %dma_start3A_429 = tpu.memref_squeeze %dma_start3A_428 : memref<1x64x128xf32, #tpu.memory_space<vmem>> -> memref<64x128xf32, #tpu.memory_space<vmem>>
    tpu.enqueue_dma source(%dma_start3A_429 : memref<64x128xf32, #tpu.memory_space<vmem>>) target(%dma_start3A_425 : memref<64x128xf32, #tpu.memory_space<hbm>>) target_semaphore(%arg27 : memref<!tpu.dma_semaphore, #tpu.memory_space<semaphore_mem>>)
    %add3A_430 = arith.constant 384 : i32
    %add3A_431 = arith.addi %mul3A_2, %add3A_430 : i32
    %dma_wait3A_432 = arith.constant 0 : i32
    %dma_wait3A_433 = arith.constant 18 : i32
    %dma_wait3A_434 = arith.constant 0 : i32
    %dma_wait3A_435 = arith.constant 0 : i32
    %dma_wait3A_436 = tpu.memref_slice %arg6[%dma_wait3A_432, %dma_wait3A_434, %dma_wait3A_435] : memref<10x64x128xf32, #tpu.memory_space<vmem>> -> memref<1x64x128xf32, #tpu.memory_space<vmem>>
    %dma_wait3A_437 = tpu.memref_squeeze %dma_wait3A_436 : memref<1x64x128xf32, #tpu.memory_space<vmem>> -> memref<64x128xf32, #tpu.memory_space<vmem>>
    %dma_wait3A_438 = arith.constant 0 : i32
    %dma_wait3A_439 = tpu.memref_slice %arg4[%dma_wait3A_433, %add3A_431, %dma_wait3A_438] : memref<20x16384x128xf32, #tpu.memory_space<hbm>> -> memref<1x64x128xf32, #tpu.memory_space<hbm>>
    %dma_wait3A_440 = tpu.memref_squeeze %dma_wait3A_439 : memref<1x64x128xf32, #tpu.memory_space<hbm>> -> memref<64x128xf32, #tpu.memory_space<hbm>>
    %dma_wait3A_441 = arith.constant 0 : i32
    %dma_wait3A_442 = tpu.memref_slice %arg4[%dma_wait3A_433, %add3A_431, %dma_wait3A_441] : memref<20x16384x128xf32, #tpu.memory_space<hbm>> -> memref<1x64x128xf32, #tpu.memory_space<hbm>>
    %dma_wait3A_443 = tpu.memref_squeeze %dma_wait3A_442 : memref<1x64x128xf32, #tpu.memory_space<hbm>> -> memref<64x128xf32, #tpu.memory_space<hbm>>
    %dma_wait3A_444 = arith.constant 0 : i32
    %dma_wait3A_445 = arith.constant 0 : i32
    %dma_wait3A_446 = tpu.memref_slice %arg6[%dma_wait3A_432, %dma_wait3A_444, %dma_wait3A_445] : memref<10x64x128xf32, #tpu.memory_space<vmem>> -> memref<1x64x128xf32, #tpu.memory_space<vmem>>
    %dma_wait3A_447 = tpu.memref_squeeze %dma_wait3A_446 : memref<1x64x128xf32, #tpu.memory_space<vmem>> -> memref<64x128xf32, #tpu.memory_space<vmem>>
    tpu.wait_dma2 semaphore(%arg18 : memref<!tpu.dma_semaphore, #tpu.memory_space<semaphore_mem>>) src(%dma_wait3A_447 : memref<64x128xf32, #tpu.memory_space<vmem>>) dst(%dma_wait3A_443 : memref<64x128xf32, #tpu.memory_space<hbm>>)
    %add3A_448 = arith.constant 448 : i32
    %add3A_449 = arith.addi %mul3A_2, %add3A_448 : i32
    %dma_wait3A_450 = arith.constant 1 : i32
    %dma_wait3A_451 = arith.constant 18 : i32
    %dma_wait3A_452 = arith.constant 0 : i32
    %dma_wait3A_453 = arith.constant 0 : i32
    %dma_wait3A_454 = tpu.memref_slice %arg6[%dma_wait3A_450, %dma_wait3A_452, %dma_wait3A_453] : memref<10x64x128xf32, #tpu.memory_space<vmem>> -> memref<1x64x128xf32, #tpu.memory_space<vmem>>
    %dma_wait3A_455 = tpu.memref_squeeze %dma_wait3A_454 : memref<1x64x128xf32, #tpu.memory_space<vmem>> -> memref<64x128xf32, #tpu.memory_space<vmem>>
    %dma_wait3A_456 = arith.constant 0 : i32
    %dma_wait3A_457 = tpu.memref_slice %arg4[%dma_wait3A_451, %add3A_449, %dma_wait3A_456] : memref<20x16384x128xf32, #tpu.memory_space<hbm>> -> memref<1x64x128xf32, #tpu.memory_space<hbm>>
    %dma_wait3A_458 = tpu.memref_squeeze %dma_wait3A_457 : memref<1x64x128xf32, #tpu.memory_space<hbm>> -> memref<64x128xf32, #tpu.memory_space<hbm>>
    %dma_wait3A_459 = arith.constant 0 : i32
    %dma_wait3A_460 = tpu.memref_slice %arg4[%dma_wait3A_451, %add3A_449, %dma_wait3A_459] : memref<20x16384x128xf32, #tpu.memory_space<hbm>> -> memref<1x64x128xf32, #tpu.memory_space<hbm>>
    %dma_wait3A_461 = tpu.memref_squeeze %dma_wait3A_460 : memref<1x64x128xf32, #tpu.memory_space<hbm>> -> memref<64x128xf32, #tpu.memory_space<hbm>>
    %dma_wait3A_462 = arith.constant 0 : i32
    %dma_wait3A_463 = arith.constant 0 : i32
    %dma_wait3A_464 = tpu.memref_slice %arg6[%dma_wait3A_450, %dma_wait3A_462, %dma_wait3A_463] : memref<10x64x128xf32, #tpu.memory_space<vmem>> -> memref<1x64x128xf32, #tpu.memory_space<vmem>>
    %dma_wait3A_465 = tpu.memref_squeeze %dma_wait3A_464 : memref<1x64x128xf32, #tpu.memory_space<vmem>> -> memref<64x128xf32, #tpu.memory_space<vmem>>
    tpu.wait_dma2 semaphore(%arg19 : memref<!tpu.dma_semaphore, #tpu.memory_space<semaphore_mem>>) src(%dma_wait3A_465 : memref<64x128xf32, #tpu.memory_space<vmem>>) dst(%dma_wait3A_461 : memref<64x128xf32, #tpu.memory_space<hbm>>)
    %add3A_466 = arith.constant 0 : i32
    %add3A_467 = arith.addi %mul3A_2, %add3A_466 : i32
    %dma_wait3A_468 = arith.constant 2 : i32
    %dma_wait3A_469 = arith.constant 19 : i32
    %dma_wait3A_470 = arith.constant 0 : i32
    %dma_wait3A_471 = arith.constant 0 : i32
    %dma_wait3A_472 = tpu.memref_slice %arg6[%dma_wait3A_468, %dma_wait3A_470, %dma_wait3A_471] : memref<10x64x128xf32, #tpu.memory_space<vmem>> -> memref<1x64x128xf32, #tpu.memory_space<vmem>>
    %dma_wait3A_473 = tpu.memref_squeeze %dma_wait3A_472 : memref<1x64x128xf32, #tpu.memory_space<vmem>> -> memref<64x128xf32, #tpu.memory_space<vmem>>
    %dma_wait3A_474 = arith.constant 0 : i32
    %dma_wait3A_475 = tpu.memref_slice %arg4[%dma_wait3A_469, %add3A_467, %dma_wait3A_474] : memref<20x16384x128xf32, #tpu.memory_space<hbm>> -> memref<1x64x128xf32, #tpu.memory_space<hbm>>
    %dma_wait3A_476 = tpu.memref_squeeze %dma_wait3A_475 : memref<1x64x128xf32, #tpu.memory_space<hbm>> -> memref<64x128xf32, #tpu.memory_space<hbm>>
    %dma_wait3A_477 = arith.constant 0 : i32
    %dma_wait3A_478 = tpu.memref_slice %arg4[%dma_wait3A_469, %add3A_467, %dma_wait3A_477] : memref<20x16384x128xf32, #tpu.memory_space<hbm>> -> memref<1x64x128xf32, #tpu.memory_space<hbm>>
    %dma_wait3A_479 = tpu.memref_squeeze %dma_wait3A_478 : memref<1x64x128xf32, #tpu.memory_space<hbm>> -> memref<64x128xf32, #tpu.memory_space<hbm>>
    %dma_wait3A_480 = arith.constant 0 : i32
    %dma_wait3A_481 = arith.constant 0 : i32
    %dma_wait3A_482 = tpu.memref_slice %arg6[%dma_wait3A_468, %dma_wait3A_480, %dma_wait3A_481] : memref<10x64x128xf32, #tpu.memory_space<vmem>> -> memref<1x64x128xf32, #tpu.memory_space<vmem>>
    %dma_wait3A_483 = tpu.memref_squeeze %dma_wait3A_482 : memref<1x64x128xf32, #tpu.memory_space<vmem>> -> memref<64x128xf32, #tpu.memory_space<vmem>>
    tpu.wait_dma2 semaphore(%arg20 : memref<!tpu.dma_semaphore, #tpu.memory_space<semaphore_mem>>) src(%dma_wait3A_483 : memref<64x128xf32, #tpu.memory_space<vmem>>) dst(%dma_wait3A_479 : memref<64x128xf32, #tpu.memory_space<hbm>>)
    %add3A_484 = arith.constant 64 : i32
    %add3A_485 = arith.addi %mul3A_2, %add3A_484 : i32
    %dma_wait3A_486 = arith.constant 3 : i32
    %dma_wait3A_487 = arith.constant 19 : i32
    %dma_wait3A_488 = arith.constant 0 : i32
    %dma_wait3A_489 = arith.constant 0 : i32
    %dma_wait3A_490 = tpu.memref_slice %arg6[%dma_wait3A_486, %dma_wait3A_488, %dma_wait3A_489] : memref<10x64x128xf32, #tpu.memory_space<vmem>> -> memref<1x64x128xf32, #tpu.memory_space<vmem>>
    %dma_wait3A_491 = tpu.memref_squeeze %dma_wait3A_490 : memref<1x64x128xf32, #tpu.memory_space<vmem>> -> memref<64x128xf32, #tpu.memory_space<vmem>>
    %dma_wait3A_492 = arith.constant 0 : i32
    %dma_wait3A_493 = tpu.memref_slice %arg4[%dma_wait3A_487, %add3A_485, %dma_wait3A_492] : memref<20x16384x128xf32, #tpu.memory_space<hbm>> -> memref<1x64x128xf32, #tpu.memory_space<hbm>>
    %dma_wait3A_494 = tpu.memref_squeeze %dma_wait3A_493 : memref<1x64x128xf32, #tpu.memory_space<hbm>> -> memref<64x128xf32, #tpu.memory_space<hbm>>
    %dma_wait3A_495 = arith.constant 0 : i32
    %dma_wait3A_496 = tpu.memref_slice %arg4[%dma_wait3A_487, %add3A_485, %dma_wait3A_495] : memref<20x16384x128xf32, #tpu.memory_space<hbm>> -> memref<1x64x128xf32, #tpu.memory_space<hbm>>
    %dma_wait3A_497 = tpu.memref_squeeze %dma_wait3A_496 : memref<1x64x128xf32, #tpu.memory_space<hbm>> -> memref<64x128xf32, #tpu.memory_space<hbm>>
    %dma_wait3A_498 = arith.constant 0 : i32
    %dma_wait3A_499 = arith.constant 0 : i32
    %dma_wait3A_500 = tpu.memref_slice %arg6[%dma_wait3A_486, %dma_wait3A_498, %dma_wait3A_499] : memref<10x64x128xf32, #tpu.memory_space<vmem>> -> memref<1x64x128xf32, #tpu.memory_space<vmem>>
    %dma_wait3A_501 = tpu.memref_squeeze %dma_wait3A_500 : memref<1x64x128xf32, #tpu.memory_space<vmem>> -> memref<64x128xf32, #tpu.memory_space<vmem>>
    tpu.wait_dma2 semaphore(%arg21 : memref<!tpu.dma_semaphore, #tpu.memory_space<semaphore_mem>>) src(%dma_wait3A_501 : memref<64x128xf32, #tpu.memory_space<vmem>>) dst(%dma_wait3A_497 : memref<64x128xf32, #tpu.memory_space<hbm>>)
    %add3A_502 = arith.constant 128 : i32
    %add3A_503 = arith.addi %mul3A_2, %add3A_502 : i32
    %dma_wait3A_504 = arith.constant 4 : i32
    %dma_wait3A_505 = arith.constant 19 : i32
    %dma_wait3A_506 = arith.constant 0 : i32
    %dma_wait3A_507 = arith.constant 0 : i32
    %dma_wait3A_508 = tpu.memref_slice %arg6[%dma_wait3A_504, %dma_wait3A_506, %dma_wait3A_507] : memref<10x64x128xf32, #tpu.memory_space<vmem>> -> memref<1x64x128xf32, #tpu.memory_space<vmem>>
    %dma_wait3A_509 = tpu.memref_squeeze %dma_wait3A_508 : memref<1x64x128xf32, #tpu.memory_space<vmem>> -> memref<64x128xf32, #tpu.memory_space<vmem>>
    %dma_wait3A_510 = arith.constant 0 : i32
    %dma_wait3A_511 = tpu.memref_slice %arg4[%dma_wait3A_505, %add3A_503, %dma_wait3A_510] : memref<20x16384x128xf32, #tpu.memory_space<hbm>> -> memref<1x64x128xf32, #tpu.memory_space<hbm>>
    %dma_wait3A_512 = tpu.memref_squeeze %dma_wait3A_511 : memref<1x64x128xf32, #tpu.memory_space<hbm>> -> memref<64x128xf32, #tpu.memory_space<hbm>>
    %dma_wait3A_513 = arith.constant 0 : i32
    %dma_wait3A_514 = tpu.memref_slice %arg4[%dma_wait3A_505, %add3A_503, %dma_wait3A_513] : memref<20x16384x128xf32, #tpu.memory_space<hbm>> -> memref<1x64x128xf32, #tpu.memory_space<hbm>>
    %dma_wait3A_515 = tpu.memref_squeeze %dma_wait3A_514 : memref<1x64x128xf32, #tpu.memory_space<hbm>> -> memref<64x128xf32, #tpu.memory_space<hbm>>
    %dma_wait3A_516 = arith.constant 0 : i32
    %dma_wait3A_517 = arith.constant 0 : i32
    %dma_wait3A_518 = tpu.memref_slice %arg6[%dma_wait3A_504, %dma_wait3A_516, %dma_wait3A_517] : memref<10x64x128xf32, #tpu.memory_space<vmem>> -> memref<1x64x128xf32, #tpu.memory_space<vmem>>
    %dma_wait3A_519 = tpu.memref_squeeze %dma_wait3A_518 : memref<1x64x128xf32, #tpu.memory_space<vmem>> -> memref<64x128xf32, #tpu.memory_space<vmem>>
    tpu.wait_dma2 semaphore(%arg22 : memref<!tpu.dma_semaphore, #tpu.memory_space<semaphore_mem>>) src(%dma_wait3A_519 : memref<64x128xf32, #tpu.memory_space<vmem>>) dst(%dma_wait3A_515 : memref<64x128xf32, #tpu.memory_space<hbm>>)
    %add3A_520 = arith.constant 192 : i32
    %add3A_521 = arith.addi %mul3A_2, %add3A_520 : i32
    %dma_wait3A_522 = arith.constant 5 : i32
    %dma_wait3A_523 = arith.constant 19 : i32
    %dma_wait3A_524 = arith.constant 0 : i32
    %dma_wait3A_525 = arith.constant 0 : i32
    %dma_wait3A_526 = tpu.memref_slice %arg6[%dma_wait3A_522, %dma_wait3A_524, %dma_wait3A_525] : memref<10x64x128xf32, #tpu.memory_space<vmem>> -> memref<1x64x128xf32, #tpu.memory_space<vmem>>
    %dma_wait3A_527 = tpu.memref_squeeze %dma_wait3A_526 : memref<1x64x128xf32, #tpu.memory_space<vmem>> -> memref<64x128xf32, #tpu.memory_space<vmem>>
    %dma_wait3A_528 = arith.constant 0 : i32
    %dma_wait3A_529 = tpu.memref_slice %arg4[%dma_wait3A_523, %add3A_521, %dma_wait3A_528] : memref<20x16384x128xf32, #tpu.memory_space<hbm>> -> memref<1x64x128xf32, #tpu.memory_space<hbm>>
    %dma_wait3A_530 = tpu.memref_squeeze %dma_wait3A_529 : memref<1x64x128xf32, #tpu.memory_space<hbm>> -> memref<64x128xf32, #tpu.memory_space<hbm>>
    %dma_wait3A_531 = arith.constant 0 : i32
    %dma_wait3A_532 = tpu.memref_slice %arg4[%dma_wait3A_523, %add3A_521, %dma_wait3A_531] : memref<20x16384x128xf32, #tpu.memory_space<hbm>> -> memref<1x64x128xf32, #tpu.memory_space<hbm>>
    %dma_wait3A_533 = tpu.memref_squeeze %dma_wait3A_532 : memref<1x64x128xf32, #tpu.memory_space<hbm>> -> memref<64x128xf32, #tpu.memory_space<hbm>>
    %dma_wait3A_534 = arith.constant 0 : i32
    %dma_wait3A_535 = arith.constant 0 : i32
    %dma_wait3A_536 = tpu.memref_slice %arg6[%dma_wait3A_522, %dma_wait3A_534, %dma_wait3A_535] : memref<10x64x128xf32, #tpu.memory_space<vmem>> -> memref<1x64x128xf32, #tpu.memory_space<vmem>>
    %dma_wait3A_537 = tpu.memref_squeeze %dma_wait3A_536 : memref<1x64x128xf32, #tpu.memory_space<vmem>> -> memref<64x128xf32, #tpu.memory_space<vmem>>
    tpu.wait_dma2 semaphore(%arg23 : memref<!tpu.dma_semaphore, #tpu.memory_space<semaphore_mem>>) src(%dma_wait3A_537 : memref<64x128xf32, #tpu.memory_space<vmem>>) dst(%dma_wait3A_533 : memref<64x128xf32, #tpu.memory_space<hbm>>)
    %add3A_538 = arith.constant 256 : i32
    %add3A_539 = arith.addi %mul3A_2, %add3A_538 : i32
    %dma_wait3A_540 = arith.constant 6 : i32
    %dma_wait3A_541 = arith.constant 19 : i32
    %dma_wait3A_542 = arith.constant 0 : i32
    %dma_wait3A_543 = arith.constant 0 : i32
    %dma_wait3A_544 = tpu.memref_slice %arg6[%dma_wait3A_540, %dma_wait3A_542, %dma_wait3A_543] : memref<10x64x128xf32, #tpu.memory_space<vmem>> -> memref<1x64x128xf32, #tpu.memory_space<vmem>>
    %dma_wait3A_545 = tpu.memref_squeeze %dma_wait3A_544 : memref<1x64x128xf32, #tpu.memory_space<vmem>> -> memref<64x128xf32, #tpu.memory_space<vmem>>
    %dma_wait3A_546 = arith.constant 0 : i32
    %dma_wait3A_547 = tpu.memref_slice %arg4[%dma_wait3A_541, %add3A_539, %dma_wait3A_546] : memref<20x16384x128xf32, #tpu.memory_space<hbm>> -> memref<1x64x128xf32, #tpu.memory_space<hbm>>
    %dma_wait3A_548 = tpu.memref_squeeze %dma_wait3A_547 : memref<1x64x128xf32, #tpu.memory_space<hbm>> -> memref<64x128xf32, #tpu.memory_space<hbm>>
    %dma_wait3A_549 = arith.constant 0 : i32
    %dma_wait3A_550 = tpu.memref_slice %arg4[%dma_wait3A_541, %add3A_539, %dma_wait3A_549] : memref<20x16384x128xf32, #tpu.memory_space<hbm>> -> memref<1x64x128xf32, #tpu.memory_space<hbm>>
    %dma_wait3A_551 = tpu.memref_squeeze %dma_wait3A_550 : memref<1x64x128xf32, #tpu.memory_space<hbm>> -> memref<64x128xf32, #tpu.memory_space<hbm>>
    %dma_wait3A_552 = arith.constant 0 : i32
    %dma_wait3A_553 = arith.constant 0 : i32
    %dma_wait3A_554 = tpu.memref_slice %arg6[%dma_wait3A_540, %dma_wait3A_552, %dma_wait3A_553] : memref<10x64x128xf32, #tpu.memory_space<vmem>> -> memref<1x64x128xf32, #tpu.memory_space<vmem>>
    %dma_wait3A_555 = tpu.memref_squeeze %dma_wait3A_554 : memref<1x64x128xf32, #tpu.memory_space<vmem>> -> memref<64x128xf32, #tpu.memory_space<vmem>>
    tpu.wait_dma2 semaphore(%arg24 : memref<!tpu.dma_semaphore, #tpu.memory_space<semaphore_mem>>) src(%dma_wait3A_555 : memref<64x128xf32, #tpu.memory_space<vmem>>) dst(%dma_wait3A_551 : memref<64x128xf32, #tpu.memory_space<hbm>>)
    %add3A_556 = arith.constant 320 : i32
    %add3A_557 = arith.addi %mul3A_2, %add3A_556 : i32
    %dma_wait3A_558 = arith.constant 7 : i32
    %dma_wait3A_559 = arith.constant 19 : i32
    %dma_wait3A_560 = arith.constant 0 : i32
    %dma_wait3A_561 = arith.constant 0 : i32
    %dma_wait3A_562 = tpu.memref_slice %arg6[%dma_wait3A_558, %dma_wait3A_560, %dma_wait3A_561] : memref<10x64x128xf32, #tpu.memory_space<vmem>> -> memref<1x64x128xf32, #tpu.memory_space<vmem>>
    %dma_wait3A_563 = tpu.memref_squeeze %dma_wait3A_562 : memref<1x64x128xf32, #tpu.memory_space<vmem>> -> memref<64x128xf32, #tpu.memory_space<vmem>>
    %dma_wait3A_564 = arith.constant 0 : i32
    %dma_wait3A_565 = tpu.memref_slice %arg4[%dma_wait3A_559, %add3A_557, %dma_wait3A_564] : memref<20x16384x128xf32, #tpu.memory_space<hbm>> -> memref<1x64x128xf32, #tpu.memory_space<hbm>>
    %dma_wait3A_566 = tpu.memref_squeeze %dma_wait3A_565 : memref<1x64x128xf32, #tpu.memory_space<hbm>> -> memref<64x128xf32, #tpu.memory_space<hbm>>
    %dma_wait3A_567 = arith.constant 0 : i32
    %dma_wait3A_568 = tpu.memref_slice %arg4[%dma_wait3A_559, %add3A_557, %dma_wait3A_567] : memref<20x16384x128xf32, #tpu.memory_space<hbm>> -> memref<1x64x128xf32, #tpu.memory_space<hbm>>
    %dma_wait3A_569 = tpu.memref_squeeze %dma_wait3A_568 : memref<1x64x128xf32, #tpu.memory_space<hbm>> -> memref<64x128xf32, #tpu.memory_space<hbm>>
    %dma_wait3A_570 = arith.constant 0 : i32
    %dma_wait3A_571 = arith.constant 0 : i32
    %dma_wait3A_572 = tpu.memref_slice %arg6[%dma_wait3A_558, %dma_wait3A_570, %dma_wait3A_571] : memref<10x64x128xf32, #tpu.memory_space<vmem>> -> memref<1x64x128xf32, #tpu.memory_space<vmem>>
    %dma_wait3A_573 = tpu.memref_squeeze %dma_wait3A_572 : memref<1x64x128xf32, #tpu.memory_space<vmem>> -> memref<64x128xf32, #tpu.memory_space<vmem>>
    tpu.wait_dma2 semaphore(%arg25 : memref<!tpu.dma_semaphore, #tpu.memory_space<semaphore_mem>>) src(%dma_wait3A_573 : memref<64x128xf32, #tpu.memory_space<vmem>>) dst(%dma_wait3A_569 : memref<64x128xf32, #tpu.memory_space<hbm>>)
    %add3A_574 = arith.constant 384 : i32
    %add3A_575 = arith.addi %mul3A_2, %add3A_574 : i32
    %dma_wait3A_576 = arith.constant 8 : i32
    %dma_wait3A_577 = arith.constant 19 : i32
    %dma_wait3A_578 = arith.constant 0 : i32
    %dma_wait3A_579 = arith.constant 0 : i32
    %dma_wait3A_580 = tpu.memref_slice %arg6[%dma_wait3A_576, %dma_wait3A_578, %dma_wait3A_579] : memref<10x64x128xf32, #tpu.memory_space<vmem>> -> memref<1x64x128xf32, #tpu.memory_space<vmem>>
    %dma_wait3A_581 = tpu.memref_squeeze %dma_wait3A_580 : memref<1x64x128xf32, #tpu.memory_space<vmem>> -> memref<64x128xf32, #tpu.memory_space<vmem>>
    %dma_wait3A_582 = arith.constant 0 : i32
    %dma_wait3A_583 = tpu.memref_slice %arg4[%dma_wait3A_577, %add3A_575, %dma_wait3A_582] : memref<20x16384x128xf32, #tpu.memory_space<hbm>> -> memref<1x64x128xf32, #tpu.memory_space<hbm>>
    %dma_wait3A_584 = tpu.memref_squeeze %dma_wait3A_583 : memref<1x64x128xf32, #tpu.memory_space<hbm>> -> memref<64x128xf32, #tpu.memory_space<hbm>>
    %dma_wait3A_585 = arith.constant 0 : i32
    %dma_wait3A_586 = tpu.memref_slice %arg4[%dma_wait3A_577, %add3A_575, %dma_wait3A_585] : memref<20x16384x128xf32, #tpu.memory_space<hbm>> -> memref<1x64x128xf32, #tpu.memory_space<hbm>>
    %dma_wait3A_587 = tpu.memref_squeeze %dma_wait3A_586 : memref<1x64x128xf32, #tpu.memory_space<hbm>> -> memref<64x128xf32, #tpu.memory_space<hbm>>
    %dma_wait3A_588 = arith.constant 0 : i32
    %dma_wait3A_589 = arith.constant 0 : i32
    %dma_wait3A_590 = tpu.memref_slice %arg6[%dma_wait3A_576, %dma_wait3A_588, %dma_wait3A_589] : memref<10x64x128xf32, #tpu.memory_space<vmem>> -> memref<1x64x128xf32, #tpu.memory_space<vmem>>
    %dma_wait3A_591 = tpu.memref_squeeze %dma_wait3A_590 : memref<1x64x128xf32, #tpu.memory_space<vmem>> -> memref<64x128xf32, #tpu.memory_space<vmem>>
    tpu.wait_dma2 semaphore(%arg26 : memref<!tpu.dma_semaphore, #tpu.memory_space<semaphore_mem>>) src(%dma_wait3A_591 : memref<64x128xf32, #tpu.memory_space<vmem>>) dst(%dma_wait3A_587 : memref<64x128xf32, #tpu.memory_space<hbm>>)
    %add3A_592 = arith.constant 448 : i32
    %add3A_593 = arith.addi %mul3A_2, %add3A_592 : i32
    %dma_wait3A_594 = arith.constant 9 : i32
    %dma_wait3A_595 = arith.constant 19 : i32
    %dma_wait3A_596 = arith.constant 0 : i32
    %dma_wait3A_597 = arith.constant 0 : i32
    %dma_wait3A_598 = tpu.memref_slice %arg6[%dma_wait3A_594, %dma_wait3A_596, %dma_wait3A_597] : memref<10x64x128xf32, #tpu.memory_space<vmem>> -> memref<1x64x128xf32, #tpu.memory_space<vmem>>
    %dma_wait3A_599 = tpu.memref_squeeze %dma_wait3A_598 : memref<1x64x128xf32, #tpu.memory_space<vmem>> -> memref<64x128xf32, #tpu.memory_space<vmem>>
    %dma_wait3A_600 = arith.constant 0 : i32
    %dma_wait3A_601 = tpu.memref_slice %arg4[%dma_wait3A_595, %add3A_593, %dma_wait3A_600] : memref<20x16384x128xf32, #tpu.memory_space<hbm>> -> memref<1x64x128xf32, #tpu.memory_space<hbm>>
    %dma_wait3A_602 = tpu.memref_squeeze %dma_wait3A_601 : memref<1x64x128xf32, #tpu.memory_space<hbm>> -> memref<64x128xf32, #tpu.memory_space<hbm>>
    %dma_wait3A_603 = arith.constant 0 : i32
    %dma_wait3A_604 = tpu.memref_slice %arg4[%dma_wait3A_595, %add3A_593, %dma_wait3A_603] : memref<20x16384x128xf32, #tpu.memory_space<hbm>> -> memref<1x64x128xf32, #tpu.memory_space<hbm>>
    %dma_wait3A_605 = tpu.memref_squeeze %dma_wait3A_604 : memref<1x64x128xf32, #tpu.memory_space<hbm>> -> memref<64x128xf32, #tpu.memory_space<hbm>>
    %dma_wait3A_606 = arith.constant 0 : i32
    %dma_wait3A_607 = arith.constant 0 : i32
    %dma_wait3A_608 = tpu.memref_slice %arg6[%dma_wait3A_594, %dma_wait3A_606, %dma_wait3A_607] : memref<10x64x128xf32, #tpu.memory_space<vmem>> -> memref<1x64x128xf32, #tpu.memory_space<vmem>>
    %dma_wait3A_609 = tpu.memref_squeeze %dma_wait3A_608 : memref<1x64x128xf32, #tpu.memory_space<vmem>> -> memref<64x128xf32, #tpu.memory_space<vmem>>
    tpu.wait_dma2 semaphore(%arg27 : memref<!tpu.dma_semaphore, #tpu.memory_space<semaphore_mem>>) src(%dma_wait3A_609 : memref<64x128xf32, #tpu.memory_space<vmem>>) dst(%dma_wait3A_605 : memref<64x128xf32, #tpu.memory_space<hbm>>)
    return
  }
}

module attributes {stable_mosaic.version = 14 : i64} {
  func.func @_scale_table_body(%arg0: memref<1000x128xf32, #tpu.memory_space<vmem>>, %arg1: memref<1024x128xf32, #tpu.memory_space<vmem>>) attributes {dimension_semantics = [], scalar_prefetch = 0 : i64, scratch_operands = 0 : i64, tpu.core_type = #tpu.core_type<tc>} {
    %get3A = arith.constant 0 : index
    %get3A_0 = arith.constant 0 : index
    %get3A_1 = vector.load %arg0[%get3A, %get3A_0] : memref<1000x128xf32, #tpu.memory_space<vmem>>, vector<1000x128xf32>
    %mul3A = arith.constant 11.3137083 : f32
    %mul3A_2 = vector.broadcast %mul3A : f32 to vector<1000x128xf32>
    %mul3A_3 = arith.mulf %get3A_1, %mul3A_2 : vector<1000x128xf32>
    %swap3A = arith.constant 0 : index
    %swap3A_4 = arith.constant 0 : index
    %swap3A_5 = vector.load %arg1[%swap3A, %swap3A_4] : memref<1024x128xf32, #tpu.memory_space<vmem>>, vector<1000x128xf32>
    tpu.vector_store %arg1[%swap3A, %swap3A_4], %mul3A_3 {strides = array<i32>} : memref<1024x128xf32, #tpu.memory_space<vmem>>, vector<1000x128xf32>,
    return
  }
}

</mosaic_0001>

<sc_bundles>
// kernel: kernel.4.cloned.1.call-start
scs
__scs_entry_jumppad:
0x0: {  	(pc) =	sbr.rel $0x88, $3  }
0x1: {  	(tag) =	ssettag $0x0;
	lr =	simm.s32 $0x1  }
0x2: {  	[smem:$0x3F9F] =	sst lr;
	_ =	strace $0xD0000000  }
0x3: {  	_ = 	snop  }
0x4: {  	_ = 	snop  }
0x5: {  	_ = 	snop  }
0x6: {  	_ = 	snop  }
0x7: {  	_ = 	snop  }
__scs_overlays_trampoline_lowered:
0x8: {  	[smem:$0x3FAE] =	sst s0  }
0x9: {  	[smem:$0x3FAF] =	sst s1  }
0xa: {  	[smem:$0x3FB0] =	sst s2  }
0xb: {  	[smem:$0x3FB1] =	sst s3  }
0xc: {  	[smem:$0x3FB2] =	sst s4  }
0xd: {  	[smem:$0x3FB3] =	sst s5  }
0xe: {  	[smem:$0x3FB4] =	sst s6  }
0xf: {  	[smem:$0x3FB5] =	sst s7  }
0x10: {  	[smem:$0x3FB6] =	sst s8  }
0x11: {  	[smem:$0x3FB7] =	sst s9;
	s0 =	simm.s32 @!p0 $0x0  }
0x12: {  	s1 =	sld [smem:$0x3F9D];
	s0 =	simm.s32 @p0 $0x1  }
0x13: {  	[smem:$0x3FB8] =	sst s0;
	s0 =	simm.s32 @!p1 $0x0  }
0x14: {  	s2 =	sld [smem:$0x3F9C];
	s0 =	simm.s32 @p1 $0x1  }
0x15: {  	[smem:$0x3FB9] =	sst s0;
	s0 =	simm.s32 @!p2 $0x0  }
0x16: {  	s3 =	sld [smem:$0x3FDB];
	s0 =	simm.s32 @p2 $0x1  }
0x17: {  	s4 =	simm.s32 $0x1BF5;
	[smem:$0x3FBB] =	sst s0  }
0x18: {  	s0 =	sld [smem:$0x3F9E];
	_ =	swait.ge [sflag:s4], $0x0  }
0x19: {  	s7 =	sld [smem:$0x3F9F]  }
0x1a: {  	s8 =	sadd.s32 $0xFFFFE003, lr  }
0x1b: {  	s9 =	sadd.s32 $0xFFFFFEF7, lr;
	s5 =	simm.s32 $0xFFFFFFFF;
	p2 =	slt.u32 s8, $0xFFFFF086  }
0x1c: {  	p1 =	slt.u32 s9, $0xF7A;
	s5 =	simm.s32 @!p2 $0x0  }
0x1d: {  	s5 =	simm.s32 @p1 $0x1;
	p0 =	seq.s32 s7, s2  }
0x1e: {  	s7 =	smul.u32 @!p0 $0xF7A, s2;
	p2 =	seq.s32 @!p0 s5, $0x0  }
0x1f: {  	s9 =	smul.u32 $0xF7A, s1;
	s8 =	simm.s32 @!p0 $0x1BF5;
	p2 =	por !p2, p0  }
0x20: {  	[sflag:s8] =	ssyncset.s32 @!p0 $0xFFFFF086;
	s6 =	sadd.s32 @!p0 s3, s7;
	s7 =	simm.s32 @!p0 $0x108  }
0x21: {  	s3 =	sadd.s32 s3, s9;
	s6 =	sadd.s32 @!p0 $0x88, s6;
	s7 =	simm.s32 @p2 $0x1082  }
0x22: {  	[simem:s7], [sflag:s8] =	dma.local @!p0 [hbm:s6], $0xF7A  }
0x23: {  	s9 =	sor.u32 $0xD0000000, s2;
	s6 =	simm.s32 $0x108;
	_ =	swait.ge @!p0 [sflag:s8], $0x0  }
0x24: {  	s3 =	sadd.s32 $0x88, s3;
	s6 =	simm.s32 @!p1 $0x1082;
	[sflag:s4] =	ssyncset.s32 $0xFFFFF086  }
0x25: {  	[simem:s6], [sflag:s4] =	dma.local [hbm:s3], $0xF7A  }
0x26: {  	[smem:$0x3F9F] =	sst s1;
	(tag) =	ssettag s2;
	_ =	strace s9  }
0x27: {  	s1 =	sld [smem:$0x3FAF]  }
0x28: {  	s2 =	sld [smem:$0x3FB0]  }
0x29: {  	s4 =	sld [smem:$0x3FB2]  }
0x2a: {  	p0 =	seq.s32 s5, $0x0;
	s5 =	sld [smem:$0x3FB3]  }
0x2b: {  	s6 =	sld [smem:$0x3FB4]  }
0x2c: {  	s7 =	sld [smem:$0x3FB5]  }
0x2d: {  	s3 =	simm.s32 $0x108;
	s8 =	sld [smem:$0x3FB6]  }
0x2e: {  	s3 =	simm.s32 @!p0 $0x1082;
	s9 =	sld [smem:$0x3FB7]  }
0x2f: {  	lr =	sadd.s32 s0, s3;
	s0 =	sld [smem:$0x3FAE]  }
0x30: {  	s3 =	sld [smem:$0x3FB1]  }
0x31: {  	[smem:$0x3FBA] =	sst s10  }
0x32: {  	s10 =	sld [smem:$0x3FB8];
	_ =	sdelay $0x3  }
0x33: {  	p0 =	seq.s32 s10, $0x1;
	s10 =	sld [smem:$0x3FBA];
	_ =	sdelay $0x3  }
0x34: {  	[smem:$0x3FBA] =	sst s10  }
0x35: {  	s10 =	sld [smem:$0x3FB9];
	_ =	sdelay $0x3  }
0x36: {  	p1 =	seq.s32 s10, $0x1;
	s10 =	sld [smem:$0x3FBA];
	_ =	sdelay $0x3  }
0x37: {  	[smem:$0x3FBA] =	sst s10  }
0x38: {  	s10 =	sld [smem:$0x3FBB]  }
0x39: {  	_ = 	snop;
	(pc) =	sbr.ind lr, $3  }
0x3a: {  	_ = 	snop  }
0x3b: {  	_ = 	snop  }
0x3c: {  	p2 =	seq.s32 s10, $0x1;
	s10 =	sld [smem:$0x3FBA]  }
0x3d: {  	_ =	shalt  }
0x3e: {  	_ =	shalt  }
0x3f: {  	_ =	shalt  }
0x40: {  	_ =	shalt  }
0x41: {  	_ =	shalt  }
0x42: {  	_ =	shalt  }
0x43: {  	_ =	shalt  }
0x44: {  	_ =	shalt  }
0x45: {  	_ =	shalt  }
0x46: {  	_ =	shalt  }
0x47: {  	_ =	shalt  }
0x48: {  	_ =	shalt  }
0x49: {  	_ =	shalt  }
0x4a: {  	_ =	shalt  }
0x4b: {  	_ =	shalt  }
0x4c: {  	_ =	shalt  }
0x4d: {  	_ =	shalt  }
0x4e: {  	_ =	shalt  }
0x4f: {  	_ =	shalt  }
0x50: {  	_ =	shalt  }
0x51: {  	_ =	shalt  }
0x52: {  	_ =	shalt  }
0x53: {  	_ =	shalt  }
0x54: {  	_ =	shalt  }
0x55: {  	_ =	shalt  }
0x56: {  	_ =	shalt  }
0x57: {  	_ =	shalt  }
0x58: {  	_ =	shalt  }
0x59: {  	_ =	shalt  }
0x5a: {  	_ =	shalt  }
0x5b: {  	_ =	shalt  }
0x5c: {  	_ =	shalt  }
0x5d: {  	_ =	shalt  }
0x5e: {  	_ =	shalt  }
0x5f: {  	_ =	shalt  }
0x60: {  	_ =	shalt  }
0x61: {  	_ =	shalt  }
0x62: {  	_ =	shalt  }
0x63: {  	_ =	shalt  }
0x64: {  	_ =	shalt  }
0x65: {  	_ =	shalt  }
0x66: {  	_ =	shalt  }
0x67: {  	_ =	shalt  }
0x68: {  	_ =	shalt  }
0x69: {  	_ =	shalt  }
0x6a: {  	_ =	shalt  }
0x6b: {  	_ =	shalt  }
0x6c: {  	_ =	shalt  }
0x6d: {  	_ =	shalt  }
0x6e: {  	_ =	shalt  }
0x6f: {  	_ =	shalt  }
0x70: {  	_ =	shalt  }
0x71: {  	_ =	shalt  }
0x72: {  	_ =	shalt  }
0x73: {  	_ =	shalt  }
0x74: {  	_ =	shalt  }
0x75: {  	_ =	shalt  }
0x76: {  	_ =	shalt  }
0x77: {  	_ =	shalt  }
0x78: {  	_ =	shalt  }
0x79: {  	_ =	shalt  }
0x7a: {  	_ =	shalt  }
0x7b: {  	_ =	shalt  }
0x7c: {  	_ =	shalt  }
0x7d: {  	_ =	shalt  }
0x7e: {  	_ =	shalt  }
0x7f: {  	_ =	shalt  }
0x80: {  	_ =	shalt  }
0x81: {  	_ =	shalt  }
0x82: {  	_ =	shalt  }
0x83: {  	_ =	shalt  }
0x84: {  	_ =	shalt  }
0x85: {  	_ =	shalt  }
0x86: {  	_ =	shalt  }
0x87: {  	_ =	shalt  }
.Lfunc_end0:
.L_simem_size_0:
called_computation_lowered:
.L_overlay_start_0:
0x88: {  	s2 =	sld [smem:$0x3FD9]  }
0x89: {  	s3 =	sld [smem:$0x3FFE];
	_ =	sdelay $0x1  }
0x8a: {  	s1 =	srdreg.scid  }
0x8b: {  	s0 =	sand.u32 $0x1, s1  }
0x8c: {  	s17 =	sshll.u32 s0, $0xA;
	s2 =	sadd.s32 s3, s2  }
0x8d: {  	s2 =	sadd.s32 s2, s17  }
0x8e: {  	[smem:$0x3FC6] =	sst s2  }
0x8f: {  	_ = 	snop  }
0x90: {  	s2 =	sld [smem:$0x3FC9]  }
0x91: {  	s18 =	sld [smem:$0x3FD0];
	(tm) =	ssettm $0x1  }
0x92: {  	s4 =	sld [smem:$0x3FFB];
	_ =	sdelay $0x3  }
0x93: {  	_ =	strace s4  }
0x94: {  	s4 =	sld [smem:$0x3FFC];
	_ =	sdelay $0x3  }
0x95: {  	_ =	strace s4  }
0x96: {  	s4 =	sld [smem:$0x3FFD];
	_ =	sdelay $0x3  }
0x97: {  	_ =	strace s4  }
0x98: {  	_ =	strace $0x8FFFFFFF  }
0x99: {  	s19 =	sld [smem:$0x3FDB];
	_ =	sdelay $0x1  }
0x9a: {  	s5 =	simm.s32 $_scs_section_size  }
0x9b: {  	s6 =	simm.s32 $_size__tile_overlayer_lowered;
	s7 =	simm.s32 $_tile_overlayer_lowered  }
0x9c: {  	s22 =	simm.s32 $0x1BFF;
	s21 =	sshll.u32 s7, $0x1;
	s4 =	sadd.s32 s5, s19  }
0x9d: {  	s8 =	simm.s32 $0x0;
	s20 =	sshll.u32 s6, $0x1;
	s6 =	sadd.s32 s21, s4  }
0x9e: {  	[timem:s8], [sflag:s22] =	dma.local [hbm:s6], s20  }
0x9f: {  	_ =	swait.ge [sflag:s22], s20  }
0xa0: {  	s5 =	ssub.s32 $0x0, s20;
	[sflag:s22] =	ssyncset.done $0x0  }
0xa1: {  	[sflag:s22] =	ssyncadd.s32 s5;
	_ =	sdelay $0x1  }
0xa2: {  	s23 =	simm.s32 $0x1B8B  }
0xa3: {  	_ =	swait.ge [sflag:s23], $0x1  }
0xa4: {  	[sflag:s23] =	ssyncset.done $0x0  }
0xa5: {  	s25 =	simm.s32 $0x1B8E;
	s24 =	sld [smem:$0x3FFE];
	[sflag:s23] =	ssyncadd.s32 $0xFFFFFFFF  }
0xa6: {  	s26 =	simm.s32 $execute0_lowered;
	[smem:$0x3FD2] =	sst s25  }
0xa7: {  	s6 =	sshll.u32 s26, $0x1;
	_ =	strace $0x80000046;
	[dreg:$0x1] =	wrdreg $0xFFFFFFFF  }
0xa8: {  	s28 =	simm.s32 $_size_execute0_lowered;
	s4 =	sadd.s32 s4, s6;
	[dreg:$0x0] =	wrdreg $0x0  }
0xa9: {  	s6 =	sshll.u32 s28, $0x1;
	[dreg:$0x2] =	wrdreg s4  }
0xaa: {  	[dreg:$0x3] =	wrdreg s6  }
0xab: {  	[dreg:$0x4] =	wrdreg $0xC0  }
0xac: {  	_ =	task [dreg:s8], $0x5FFFF  }
0xad: {  	[dreg:$0x1] =	wrdreg $0xFFFFFFFF  }
0xae: {  	[dreg:$0x0] =	wrdreg $0x60  }
0xaf: {  	[dreg:$0x2] =	wrdreg s24  }
0xb0: {  	[dreg:$0x3] =	wrdreg s2  }
0xb1: {  	[dreg:$0x4] =	wrdreg s18  }
0xb2: {  	[dreg:$0x5] =	wrdreg $0x170000  }
0xb3: {  	[dreg:$0x6] =	wrdreg $0x9  }
0xb4: {  	_ =	task.clear_ibuf [dreg:s8], $0x7FFFF;
	_ =	strace $0x90000046  }
0xb5: {  	s29 =	simm.s32 $0x9;
	_ =	strace $0x80000048  }
0xb6: {  	_ =	swait.ge [sflag:s29], $0x1  }
0xb7: {  	[sflag:s29] =	ssyncadd.s32 $0xFFFFFFFF  }
0xb8: {  	_ =	strace $0x90000048  }
0xb9: {  	_ =	sfence  }
0xba: {  	s30 =	sld [smem:$0x0];
	_ =	sdelay $0x2  }
0xbb: {  	s31 =	sshll.u32 s1, $0xD;
	s1 =	sshrl.u32 s1, $0x2  }
0xbc: {  	s3 =	sand.u32 $0x4000, s31;
	s1 =	sadd.s32 s1, s30  }
0xbd: {  	s0 =	sor.u32 s3, s0;
	s1 =	sshll.u32 s1, $0x11  }
0xbe: {  	s0 =	sor.u32 s1, s0  }
0xbf: {  	s0 =	sadd.s32 $0x8F2B, s0  }
0xc0: {  	[sflag:s0] =	ssyncadd.remote.s32 $0x1  }
0xc1: {  	_ =	sfence.sel $0xFFFF  }
0xc2: {  	[dreg:$0x0] =	wrdreg $0xFFFFFFFF;
	(pc) =	sbr.abs _section_cstart, $3  }
0xc3: {  	[dreg:$0x1] =	wrdreg $0xFFFFFFFF  }
0xc4: {  	_ =	task.clear_ibuf [dreg:s8], $0x2FFFF;
	_ =	strace $0x9FFFFFFF  }
0xc5: {  	(tm) =	ssettm $0x7FFFFFFF  }
tec
execute0_lowered:
.L_overlay_start_1:
0x0: {  	(tag) =	ssettag $0x1  }
0x1: {  	s0 =	rddreg [dreg:$0x0]  }
0x2: {  	s2 =	rddreg [dreg:$0x1]  }
0x3: {  	s26 =	rddreg [dreg:$0x2]  }
0x4: {  	s3 =	rddreg [dreg:$0x3]  }
0x5: {  	s5 =	srdreg.scid;
	s4 =	simm.s32 $0x0;
	s1 =	stileid.u32  }
0x6: {  	s5 =	sand.u32 $0x1, s5;
	[smem:$0x7FF] =	sst s4;
	s6 =	sshll.u32 s1, $0xA  }
0x7: {  	s13 =	sshll.u32 s1, $0x6;
	s9 =	sshll.u32 s1, $0xD;
	s7 =	sshll.u32 s5, $0x9  }
0x8: {  	_ =	strace $0x80000047;
	s8 =	ssub.s32 $0x2, s5;
	s0 =	sadd.s32 s6, s0  }
0x9: {  	s14 =	sor.u32 $0x1C15, s13;
	s16 =	sadd.s32 s9, s3;
	s31 =	sor.u32 s7, s6  }
0xa: {  	s12 =	sshrl.u32 s8, $0x1;
	[dreg:$0x6] =	wrdreg s14;
	s0 =	sadd.s32 $0x800, s0  }
0xb: {  	s30 =	sshrl.u32 s16, $0x3;
	s7 =	sshll.u32 s31, $0x4;
	[dreg:$0xa] =	wrdreg s0  }
0xc: {  	s6 =	ssub.s32 s8, s12;
	s24 =	sadd.s32 s2, s31;
	[dreg:$0x14] =	wrdreg s30  }
0xd: {  	s7 =	sadd.s32 s7, s26;
	[dreg:$0x10] =	wrdreg s24;
	s29 =	smax.u32 s6, $0x1  }
0xe: {  	s15 =	sadd.s32 $0x481800, s7;
	[dreg:$0x13] =	wrdreg s29  }
0xf: {  	s17 =	sadd.s32 $0x481C00, s7;
	[dreg:$0x7] =	wrdreg s15  }
0x10: {  	s18 =	sadd.s32 $0x4C0400, s7;
	[dreg:$0x8] =	wrdreg s17  }
0x11: {  	s19 =	sadd.s32 $0x4C0800, s7;
	[dreg:$0x9] =	wrdreg s18  }
0x12: {  	s20 =	sadd.s32 $0x4C0C00, s7;
	[dreg:$0xb] =	wrdreg s19  }
0x13: {  	s21 =	sadd.s32 $0x4C0000, s7;
	[dreg:$0xc] =	wrdreg s20  }
0x14: {  	s22 =	sadd.s32 $0x4C1000, s7;
	[dreg:$0xd] =	wrdreg s21  }
0x15: {  	s23 =	sadd.s32 $0x4C1400, s7;
	[dreg:$0xe] =	wrdreg s22  }
0x16: {  	s25 =	sadd.s32 $0x4C1800, s7;
	[dreg:$0xf] =	wrdreg s23  }
0x17: {  	s28 =	sadd.s32 $0x4C1C00, s7;
	[dreg:$0x11] =	wrdreg s25  }
0x18: {  	s1 =	simm.s32 $0x0;
	s24 =	simm.s32 $0xF;
	[dreg:$0x12] =	wrdreg s28  }
.LBB2_1:
0x19: {  	[dreg:$0x15] =	wrdreg s1  }
0x1a: {  	s0 =	rddreg [dreg:$0x6]  }
0x1b: {  	s25 =	rddreg [dreg:$0xa]  }
0x1c: {  	s2 =	rddreg [dreg:$0x14];
	s29 =	simm.s32 $0x15;
	s3 =	simm.s32 $0x0  }
0x1d: {  	s5 =	simm.s32 $0x1000;
	s4 =	simm.s32 $0x20000;
	s20 =	simm.s32 $0x3000  }
0x1e: {  	s21 =	simm.s32 $0x5000;
	s6 =	simm.s32 $0x400;
	s7 =	simm.s32 $0x440  }
0x1f: {  	[spmem:s2], [sflag:s0] =	dma.local [hbm:s25], $0x400  }
0x20: {  	s8 =	simm.s32 $0x9000;
	s28 =	simm.s32 $0x9000;
	_ =	swait.ge [sflag:s29], $0x400  }
0x21: {  	s9 =	simm.s32 $0x800;
	s14 =	simm.s32 $0xB000;
	[sflag:s29] =	ssyncset.done $0x0  }
0x22: {  	s10 =	simm.s32 $0x840;
	s2 =	rddreg [dreg:$0x10];
	[sflag:s29] =	ssyncadd.s32 $0xFFFFFC00  }
0x23: {  	[tilespmem:s3], [sflag:$0x15] =	stream.strided.gather [hbm4b:s2+s5], $0x3000, s4, s5, $0x38;
	[tilespmem:$0x19000] =	vst v63  }
0x24: {  	s15 =	simm.s32 $0xD000;
	s11 =	simm.s32 $0xC00;
	_ =	swait.ge [sflag:s29], $0x3000  }
0x25: {  	s16 =	simm.s32 $0xF000;
	s12 =	simm.s32 $0xC40;
	[sflag:s29] =	ssyncset.done $0x0  }
0x26: {  	s18 =	simm.s32 $0x11000;
	s13 =	simm.s32 $0x80;
	[sflag:s29] =	ssyncadd.s32 $0xFFFFD000  }
0x27: {  	s19 =	simm.s32 $0x13000;
	s17 =	simm.s32 $0xC0;
	[bflag:$0x0] =	sbarrier.arrive $0xFFFF  }
0x28: {  	s22 =	simm.s32 $0x15000;
	s4 =	simm.s32 $0x40;
	s1 =	rddreg [dreg:$0x3]  }
0x29: {  	[tilespmem:s20], [sflag:$0x1] =	stream.indirect.gather [spmem:s1], $0x80, s3, s4, $0xb8;
	[tilespmem:$0x19000] =	vst v63  }
0x2a: {  	s30 =	simm.s32 $0x1D;
	s25 =	simm.s32 $0x7000;
	s23 =	sand.u32 $0x180, s3  }
0x2b: {  	[tilespmem:s21], [sflag:$0x2] =	stream.indirect.gather [spmem:s1], $0x80, s4, s4, $0xb8;
	[tilespmem:$0x19000] =	vst v63  }
0x2c: {  	s0 =	sor.u32 s31, s23;
	s23 =	simm.s32 $0x48000;
	s5 =	simm.s32 $0x2400  }
0x2d: {  	[tilespmem:s25], [sflag:$0x3] =	stream.indirect.gather [spmem:s1], $0x80, s6, s4, $0xb8;
	[tilespmem:$0x19000] =	vst v63  }
0x2e: {  	s2 =	simm.s32 $0x2600;
	[dreg:$0x5] =	wrdreg s5;
	s5 =	simm.s32 $0x2  }
0x2f: {  	[tilespmem:s8], [sflag:$0x4] =	stream.indirect.gather [spmem:s1], $0x80, s7, s4, $0xb8;
	[tilespmem:$0x19000] =	vst v63  }
0x30: {  	s6 =	simm.s32 $0x0;
	s7 =	simm.s32 $0x240;
	s8 =	simm.s32 $0x200000  }
0x31: {  	[tilespmem:s14], [sflag:$0x5] =	stream.indirect.gather [spmem:s1], $0x80, s9, s4, $0xb8;
	[tilespmem:$0x19000] =	vst v63  }
0x32: {  	s7 =	sand.u32 $0x1C0, s7;
	s9 =	sand.u32 $0x3E00000, s6;
	s6 =	sshll.u32 s0, $0x7  }
0x33: {  	[tilespmem:s15], [sflag:$0x6] =	stream.indirect.gather [spmem:s1], $0x80, s10, s4, $0xb8;
	[tilespmem:$0x19000] =	vst v63  }
0x34: {  	s8 =	sand.u32 $0x7E00000, s8;
	s7 =	sor.u32 s31, s7;
	s0 =	sor.u32 s9, s6  }
0x35: {  	[tilespmem:s16], [sflag:$0x7] =	stream.indirect.gather [spmem:s1], $0x80, s11, s4, $0xb8;
	[tilespmem:$0x19000] =	vst v63  }
0x36: {  	s6 =	sor.u32 s8, s6;
	s7 =	sshll.u32 s7, $0x4;
	s0 =	sshrl.u32 s0, $0x3  }
0x37: {  	[tilespmem:s18], [sflag:$0x8] =	stream.indirect.gather [spmem:s1], $0x80, s12, s4, $0xb8;
	[tilespmem:$0x19000] =	vst v63  }
0x38: {  	s10 =	simm.s32 $0x18000;
	s6 =	sshrl.u32 s6, $0x3;
	s9 =	sor.u32 $0x400, s0  }
0x39: {  	[tilespmem:s19], [sflag:$0x9] =	stream.indirect.gather [spmem:s1], $0x80, s13, s4, $0xb8;
	[tilespmem:$0x19000] =	vst v63  }
0x3a: {  	s0 =	sadd.s32 s26, s0;
	s10 =	sand.u32 $0xFC0000, s10;
	s11 =	simm.s32 $0x80  }
0x3b: {  	[tilespmem:s22], [sflag:$0xA] =	stream.indirect.gather [spmem:s1], $0x80, s17, s4, $0xb8;
	[tilespmem:$0x19000] =	vst v63  }
0x3c: {  	s9 =	sadd.s32 s26, s9;
	s11 =	sand.u32 $0x180, s11;
	s17 =	simm.s32 $0x1  }
0x3d: {  	s10 =	sadd.s32 s26, s10;
	s11 =	sor.u32 s31, s11;
	_ =	swait.ge [sflag:s17], $0x2000  }
0x3e: {  	s12 =	simm.s32 $0xC0;
	s11 =	sshll.u32 s11, $0x4;
	[sflag:s17] =	ssyncset.done $0x0  }
0x3f: {  	s12 =	sand.u32 $0x1C0, s12;
	s13 =	simm.s32 $0x10000;
	[sflag:s17] =	ssyncadd.s32 $0xFFFFE000  }
0x40: {  	[hbm4b:s0+s3] =	stream.linear.scatter [tilespmem:s20], [sflag:$0xB], $0x2000, $0x38;
	[tilespmem:$0x19000] =	vst v63  }
0x41: {  	s29 =	sand.u32 $0xFC0000, s13;
	s13 =	simm.s32 $0x3;
	_ =	swait.ge [sflag:s5], $0x2000  }
0x42: {  	s0 =	sadd.s32 s26, s29;
	s29 =	simm.s32 $0x100;
	[sflag:s5] =	ssyncset.done $0x0  }
0x43: {  	s0 =	sadd.s32 s11, s0;
	s11 =	simm.s32 $0x180;
	[sflag:s5] =	ssyncadd.s32 $0xFFFFE000  }
0x44: {  	[hbm4b:s9+s3] =	stream.linear.scatter [tilespmem:s21], [sflag:$0xC], $0x2000, $0x38;
	[tilespmem:$0x19000] =	vst v63  }
0x45: {  	s5 =	simm.s32 $0x4;
	s9 =	sor.u32 s31, s12;
	_ =	swait.ge [sflag:s13], $0x2000  }
0x46: {  	s12 =	simm.s32 $0x20000;
	s9 =	sshll.u32 s9, $0x4;
	[sflag:s13] =	ssyncset.done $0x0  }
0x47: {  	s17 =	sadd.s32 s9, s10;
	s9 =	sand.u32 $0x180, s29;
	s10 =	sand.u32 $0xFC0000, s12  }
0x48: {  	s29 =	simm.s32 $0x140;
	[sflag:s13] =	ssyncadd.s32 $0xFFFFE000;
	s9 =	sor.u32 s31, s9  }
0x49: {  	[hbm4b:s0+s3] =	stream.linear.scatter [tilespmem:s25], [sflag:$0xD], $0x2000, $0x38;
	[tilespmem:$0x19000] =	vst v63  }
0x4a: {  	s12 =	sand.u32 $0x1C0, s29;
	s29 =	simm.s32 $0x6;
	_ =	swait.ge [sflag:s5], $0x2000  }
0x4b: {  	s13 =	sshll.u32 s9, $0x4;
	s0 =	sor.u32 s31, s12;
	[sflag:s5] =	ssyncset.done $0x0  }
0x4c: {  	s12 =	sand.u32 $0xC00, s2;
	[sflag:s5] =	ssyncadd.s32 $0xFFFFE000;
	s5 =	simm.s32 $0x5  }
0x4d: {  	[hbm4b:s17+s3] =	stream.linear.scatter [tilespmem:s28], [sflag:$0xE], $0x2000, $0x38;
	[tilespmem:$0x19000] =	vst v63  }
0x4e: {  	s17 =	sadd.s32 s26, s10;
	s28 =	simm.s32 $0x400;
	_ =	swait.ge [sflag:s5], $0x2000  }
0x4f: {  	s9 =	sadd.s32 s13, s17;
	s13 =	simm.s32 $0x28000;
	s17 =	sshll.u32 s0, $0x4  }
0x50: {  	s0 =	simm.s32 $0x4C0;
	[sflag:s5] =	ssyncset.done $0x0;
	s10 =	sand.u32 $0xFC0000, s13  }
0x51: {  	s13 =	simm.s32 $0x30000;
	[sflag:s5] =	ssyncadd.s32 $0xFFFFE000;
	s10 =	sadd.s32 s26, s10  }
0x52: {  	[hbm4b:s9+s3] =	stream.linear.scatter [tilespmem:s14], [sflag:$0xF], $0x2000, $0x38;
	[tilespmem:$0x19000] =	vst v63  }
0x53: {  	s5 =	sadd.s32 s17, s10;
	s10 =	sand.u32 $0x180, s11;
	s11 =	sand.u32 $0xFC0000, s13  }
0x54: {  	s17 =	simm.s32 $0x7;
	s13 =	sadd.s32 s26, s6;
	_ =	swait.ge [sflag:s29], $0x2000  }
0x55: {  	s10 =	sor.u32 s31, s10;
	s14 =	sadd.s32 s26, s11;
	[sflag:s29] =	ssyncset.done $0x0  }
0x56: {  	s11 =	simm.s32 $0x10;
	s10 =	sshll.u32 s10, $0x4;
	[sflag:s29] =	ssyncadd.s32 $0xFFFFE000  }
0x57: {  	s8 =	sadd.s32 s10, s14;
	s29 =	simm.s32 $0x1C0;
	s10 =	simm.s32 $0x2200  }
0x58: {  	[hbm4b:s5+s3] =	stream.linear.scatter [tilespmem:s15], [sflag:$0x10], $0x2000, $0x38;
	[tilespmem:$0x19000] =	vst v63  }
0x59: {  	s5 =	simm.s32 $0x38000;
	s9 =	sand.u32 $0x1C0, s29;
	s15 =	simm.s32 $0x4C0  }
0x5a: {  	s29 =	simm.s32 $0x8;
	s10 =	sand.u32 $0xC00, s10;
	_ =	swait.ge [sflag:s17], $0x2000  }
0x5b: {  	s9 =	sor.u32 s31, s9;
	s14 =	sand.u32 $0xFC0000, s5;
	s5 =	sand.u32 $0x7000, s15  }
0x5c: {  	s15 =	simm.s32 $0x1E00;
	[sflag:s17] =	ssyncset.done $0x0;
	s9 =	sshll.u32 s9, $0x4  }
0x5d: {  	s6 =	sadd.s32 s26, s14;
	[sflag:s17] =	ssyncadd.s32 $0xFFFFE000;
	s17 =	simm.s32 $0x130  }
0x5e: {  	[hbm4b:s8+s3] =	stream.linear.scatter [tilespmem:s16], [sflag:$0x11], $0x2000, $0x38;
	[tilespmem:$0x19000] =	vst v63  }
0x5f: {  	s9 =	sadd.s32 s9, s6;
	s6 =	simm.s32 $0x480000;
	s14 =	sand.u32 $0x380, s17  }
0x60: {  	s16 =	simm.s32 $0x110;
	s17 =	simm.s32 $0x440;
	_ =	swait.ge [sflag:s29], $0x2000  }
0x61: {  	s8 =	sor.u32 s12, s5;
	s5 =	sand.u32 $0xFC0000, s23;
	[sflag:s29] =	ssyncset.done $0x0  }
0x62: {  	s12 =	sand.u32 $0xC00, s3;
	s8 =	sor.u32 s14, s8;
	[sflag:s29] =	ssyncadd.s32 $0xFFFFE000  }
0x63: {  	[hbm4b:s9+s3] =	stream.linear.scatter [tilespmem:s18], [sflag:$0x12], $0x2000, $0x38;
	[tilespmem:$0x19000] =	vst v63  }
0x64: {  	s16 =	sand.u32 $0x380, s16;
	s29 =	simm.s32 $0x9;
	s9 =	sand.u32 $0xC00, s15  }
0x65: {  	s18 =	sadd.s32 s26, s5;
	s15 =	simm.s32 $0x1600;
	_ =	swait.ge [sflag:s29], $0x2000  }
0x66: {  	s5 =	simm.s32 $0x280;
	s7 =	sadd.s32 s7, s18;
	[sflag:s29] =	ssyncset.done $0x0  }
0x67: {  	s18 =	simm.s32 $0x1400;
	s14 =	sand.u32 $0x7000, s5;
	[sflag:s29] =	ssyncadd.s32 $0xFFFFE000  }
0x68: {  	[hbm4b:s13+s3] =	stream.linear.scatter [tilespmem:s19], [sflag:$0x13], $0x2000, $0x38;
	[tilespmem:$0x19000] =	vst v63  }
0x69: {  	s5 =	simm.s32 $0xA0;
	s18 =	sand.u32 $0xC00, s18;
	s19 =	simm.s32 $0xA  }
0x6a: {  	s14 =	sor.u32 s18, s14;
	s18 =	simm.s32 $0x1A00;
	_ =	swait.ge [sflag:s19], $0x2000  }
0x6b: {  	s29 =	simm.s32 $0x2C0;
	s13 =	sand.u32 $0x380, s5;
	[sflag:s19] =	ssyncset.done $0x0  }
0x6c: {  	s18 =	sand.u32 $0xC00, s18;
	s13 =	sor.u32 s13, s14;
	[sflag:s19] =	ssyncadd.s32 $0xFFFFE000  }
0x6d: {  	[hbm4b:s7+s3] =	stream.linear.scatter [tilespmem:s22], [sflag:$0x14], $0x2000, $0x38;
	[tilespmem:$0x19000] =	vst v63  }
0x6e: {  	s19 =	sand.u32 $0x7000, s29;
	s29 =	simm.s32 $0xB0;
	s22 =	sand.u32 $0xC00, s15  }
0x6f: {  	s3 =	simm.s32 $0x1800;
	s5 =	sand.u32 $0x380, s29;
	s15 =	sand.u32 $0x7000, s17  }
0x70: {  	s29 =	simm.s32 $0x340;
	s7 =	sor.u32 s22, s19;
	s19 =	simm.s32 $0x300  }
0x71: {  	s22 =	simm.s32 $0xB;
	s14 =	sand.u32 $0xC00, s3;
	s3 =	sand.u32 $0x7000, s29  }
0x72: {  	s29 =	simm.s32 $0x1C00;
	s17 =	sor.u32 s5, s7;
	_ =	swait.ge [sflag:s22], $0x2000  }
0x73: {  	s7 =	sand.u32 $0x7000, s19;
	s5 =	sor.u32 s18, s3;
	s19 =	simm.s32 $0xC  }
0x74: {  	[sflag:s22] =	ssyncset.done $0x0;
	s14 =	sor.u32 s14, s7;
	s7 =	simm.s32 $0xD0  }
0x75: {  	s17 =	sor.u32 $0x40, s17;
	[sflag:s22] =	ssyncadd.s32 $0xFFFFE000;
	s18 =	sand.u32 $0x380, s7  }
0x76: {  	[tilespmem:s20], [sflag:$0x1] =	stream.indirect.gather [spmem:s1], $0x80, s13, s4, $0xb8;
	[tilespmem:$0x19000] =	vst v63  }
0x77: {  	s22 =	simm.s32 $0x80;
	s7 =	simm.s32 $0x380;
	s13 =	sor.u32 s18, s5  }
0x78: {  	s20 =	simm.s32 $0xC0;
	s5 =	simm.s32 $0xD;
	_ =	swait.ge [sflag:s19], $0x2000  }
0x79: {  	s18 =	sand.u32 $0x380, s20;
	s13 =	sor.u32 $0x40, s13;
	[sflag:s19] =	ssyncset.done $0x0  }
0x7a: {  	s20 =	simm.s32 $0xE;
	s14 =	sor.u32 s18, s14;
	[sflag:s19] =	ssyncadd.s32 $0xFFFFE000  }
0x7b: {  	[tilespmem:s21], [sflag:$0x2] =	stream.indirect.gather [spmem:s1], $0x80, s17, s4, $0xb8;
	[tilespmem:$0x19000] =	vst v63  }
0x7c: {  	s18 =	sand.u32 $0x7000, s7;
	s19 =	simm.s32 $0xE0;
	_ =	swait.ge [sflag:s5], $0x2000  }
0x7d: {  	s17 =	sand.u32 $0xC00, s29;
	s21 =	simm.s32 $0x3C0;
	[sflag:s5] =	ssyncset.done $0x0  }
0x7e: {  	s29 =	simm.s32 $0xF0;
	s17 =	sor.u32 s17, s18;
	[sflag:s5] =	ssyncadd.s32 $0xFFFFE000  }
0x7f: {  	[tilespmem:s25], [sflag:$0x3] =	stream.indirect.gather [spmem:s1], $0x80, s14, s4, $0xb8;
	[tilespmem:$0x19000] =	vst v63  }
0x80: {  	s18 =	simm.s32 $0x400;
	s14 =	sand.u32 $0x380, s19;
	_ =	swait.ge [sflag:s20], $0x2000  }
0x81: {  	s19 =	sor.u32 s14, s17;
	s14 =	sand.u32 $0x7000, s21;
	[sflag:s20] =	ssyncset.done $0x0  }
0x82: {  	s25 =	simm.s32 $0x9000;
	s14 =	sor.u32 s9, s14;
	[sflag:s20] =	ssyncadd.s32 $0xFFFFE000  }
0x83: {  	[tilespmem:s25], [sflag:$0x4] =	stream.indirect.gather [spmem:s1], $0x80, s13, s4, $0xb8;
	[tilespmem:$0x19000] =	vst v63  }
0x84: {  	s9 =	simm.s32 $0x13;
	s13 =	sand.u32 $0x380, s29;
	_ =	swait.ge [sflag:s24], $0x2000  }
.LBB2_2:
0x85: {  	s1 =	simm.s32 $0xF  }
0x86: {  	s20 =	sor.u32 s13, s14;
	s2 =	sadd.s32 $0x1400, s2;
	s17 =	smov.u32 s30  }
0x87: {  	s14 =	smov.u32 s0;
	s13 =	smov.u32 s28;
	s21 =	sadd.s32 $0xFFE00000, s6  }
0x88: {  	p0 =	sne.s32 s30, $0x9F;
	s3 =	simm.s32 $0x40;
	s7 =	simm.s32 $0x40  }
0x89: {  	s25 =	simm.s32 $0x10;
	s18 =	sand.u32 $0x7000, s18;
	s11 =	sshll.u32 s11, $0x4  }
0x8a: {  	s10 =	sor.u32 s10, s15;
	s30 =	sadd.s32 $0xA, s30;
	s9 =	sadd.s32 $0xFFFFFFFF, s9  }
0x8b: {  	s24 =	sand.u32 $0x180, s22;
	s29 =	simm.s32 $0x11000;
	s23 =	sadd.s32 $0x50000, s23  }
0x8c: {  	s8 =	sor.u32 $0x40, s8;
	s28 =	sadd.s32 $0x400, s28;
	s22 =	sadd.s32 $0x80, s22  }
0x8d: {  	[sflag:s1] =	ssyncset.done $0x0;
	s11 =	sand.u32 $0x380, s11;
	s12 =	sor.u32 s12, s18  }
0x8e: {  	s5 =	sor.u32 $0x40, s20;
	s10 =	sor.u32 s16, s10;
	[sflag:s1] =	ssyncadd.s32 $0xFFFFE000  }
0x8f: {  	s20 =	sshll.u32 s9, $0x6;
	s1 =	simm.s32 $0xB000;
	s4 =	rddreg [dreg:$0x3]  }
0x90: {  	[tilespmem:s1], [sflag:$0x5] =	stream.indirect.gather [spmem:s4], $0x80, s19, s3, $0xb8;
	[tilespmem:$0x19000] =	vst v63  }
0x91: {  	s9 =	sshll.u32 s9, $0x4;
	s11 =	sor.u32 s11, s12;
	_ =	swait.ge [sflag:s25], $0x2000  }
0x92: {  	s12 =	sadd.s32 $0xFFFFFE00, s2;
	s9 =	sand.u32 $0x380, s9;
	[sflag:s25] =	ssyncset.done $0x0  }
0x93: {  	s10 =	sor.u32 $0x40, s10;
	s3 =	simm.s32 $0xD000;
	[sflag:s25] =	ssyncadd.s32 $0xFFFFE000  }
0x94: {  	[tilespmem:s3], [sflag:$0x6] =	stream.indirect.gather [spmem:s4], $0x80, s5, s7, $0xb8;
	[tilespmem:$0x19000] =	vst v63  }
0x95: {  	s16 =	smov.u32 s12;
	s12 =	sadd.s32 $0xFFFD0000, s23;
	s5 =	simm.s32 $0x11  }
0x96: {  	s19 =	simm.s32 $0x12;
	s12 =	sand.u32 $0xFC0000, s12;
	_ =	swait.ge [sflag:s5], $0x2000  }
0x97: {  	s25 =	simm.s32 $0xF000;
	[sflag:s5] =	ssyncset.done $0x0;
	s18 =	rddreg [dreg:$0x5]  }
0x98: {  	[sflag:s5] =	ssyncadd.s32 $0xFFFFE000;
	s15 =	sand.u32 $0xC00, s18;
	s18 =	sor.u32 s31, s24  }
0x99: {  	[tilespmem:s25], [sflag:$0x7] =	stream.indirect.gather [spmem:s4], $0x80, s11, s7, $0xb8;
	[tilespmem:$0x19000] =	vst v63  }
0x9a: {  	s24 =	simm.s32 $0x14;
	s5 =	sadd.s32 $0xFFFC8000, s23;
	_ =	swait.ge [sflag:s19], $0x2000  }
0x9b: {  	s11 =	sand.u32 $0x7000, s20;
	s20 =	sand.u32 $0x3E00000, s21;
	[sflag:s19] =	ssyncset.done $0x0  }
0x9c: {  	s11 =	sor.u32 s15, s11;
	[sflag:s19] =	ssyncadd.s32 $0xFFFFE000;
	s19 =	simm.s32 $0x13  }
0x9d: {  	[tilespmem:s29], [sflag:$0x8] =	stream.indirect.gather [spmem:s4], $0x80, s10, s7, $0xb8;
	[tilespmem:$0x19000] =	vst v63  }
0x9e: {  	s21 =	simm.s32 $0x13000;
	s9 =	sor.u32 s9, s11;
	_ =	swait.ge [sflag:s19], $0x2000  }
0x9f: {  	s10 =	sshll.u32 s18, $0x7;
	s18 =	simm.s32 $0x15000;
	[sflag:s19] =	ssyncset.done $0x0  }
0xa0: {  	s15 =	sor.u32 s20, s10;
	s20 =	sadd.s32 $0xFFFFFE40, s0;
	[sflag:s19] =	ssyncadd.s32 $0xFFFFE000  }
0xa1: {  	[tilespmem:s21], [sflag:$0x9] =	stream.indirect.gather [spmem:s4], $0x80, s9, s7, $0xb8;
	[tilespmem:$0x19000] =	vst v63  }
0xa2: {  	s19 =	simm.s32 $0x1;
	s9 =	sshrl.u32 s15, $0x3;
	s21 =	sadd.s32 $0xFFFFFE80, s0  }
0xa3: {  	s15 =	sadd.s32 $0xFFFFFEC0, s0;
	_ =	swait.ge [sflag:s24], $0x2000;
	s11 =	sor.u32 $0x400, s9  }
0xa4: {  	[dreg:$0x5] =	wrdreg s16;
	s9 =	sadd.s32 s26, s9;
	[sflag:s24] =	ssyncset.done $0x0  }
0xa5: {  	s16 =	sand.u32 $0xFC0000, s5;
	s5 =	simm.s32 $0x7;
	[sflag:s24] =	ssyncadd.s32 $0xFFFFE000  }
0xa6: {  	[tilespmem:s18], [sflag:$0xA] =	stream.indirect.gather [spmem:s4], $0x80, s8, s7, $0xb8;
	[tilespmem:$0x19000] =	vst v63  }
0xa7: {  	s11 =	sadd.s32 s26, s11;
	s24 =	simm.s32 $0x0;
	_ =	swait.ge [sflag:s19], $0x2000  }
0xa8: {  	s8 =	sand.u32 $0x180, s20;
	s7 =	simm.s32 $0x3000;
	[sflag:s19] =	ssyncset.done $0x0  }
0xa9: {  	s20 =	sand.u32 $0x1C0, s21;
	s21 =	simm.s32 $0x5000;
	[sflag:s19] =	ssyncadd.s32 $0xFFFFE000  }
0xaa: {  	[hbm4b:s9+s24] =	stream.linear.scatter [tilespmem:s7], [sflag:$0xB], $0x2000, $0x38;
	[tilespmem:$0x19000] =	vst v63  }
0xab: {  	s18 =	simm.s32 $0x4;
	s8 =	sor.u32 s31, s8;
	s9 =	simm.s32 $0x2  }
0xac: {  	s8 =	sshll.u32 s8, $0x4;
	s19 =	sadd.s32 s26, s16;
	_ =	swait.ge [sflag:s9], $0x2000  }
0xad: {  	s16 =	simm.s32 $0x7000;
	s8 =	sadd.s32 s8, s19;
	[sflag:s9] =	ssyncset.done $0x0  }
0xae: {  	s7 =	simm.s32 $0x3;
	[sflag:s9] =	ssyncadd.s32 $0xFFFFE000;
	s9 =	sor.u32 s31, s20  }
0xaf: {  	[hbm4b:s11+s24] =	stream.linear.scatter [tilespmem:s21], [sflag:$0xC], $0x2000, $0x38;
	[tilespmem:$0x19000] =	vst v63  }
0xb0: {  	s19 =	sand.u32 $0x180, s15;
	s20 =	sadd.s32 $0xFFFD8000, s23;
	s9 =	sshll.u32 s9, $0x4  }
0xb1: {  	s11 =	sadd.s32 s26, s12;
	s12 =	sand.u32 $0xFC0000, s20;
	s21 =	simm.s32 $0x9000  }
0xb2: {  	s20 =	sand.u32 $0x7E00000, s6;
	s6 =	sadd.s32 $0x280000, s6;
	_ =	swait.ge [sflag:s7], $0x2000  }
0xb3: {  	s11 =	sadd.s32 s9, s11;
	s9 =	smov.u32 s17;
	s12 =	sadd.s32 s26, s12  }
0xb4: {  	s17 =	simm.s32 $0x6;
	s10 =	sor.u32 s20, s10;
	[sflag:s7] =	ssyncset.done $0x0  }
0xb5: {  	s20 =	sadd.s32 $0xFFFF0000, s23;
	s10 =	sshrl.u32 s10, $0x3;
	[sflag:s7] =	ssyncadd.s32 $0xFFFFE000  }
0xb6: {  	[hbm4b:s8+s24] =	stream.linear.scatter [tilespmem:s16], [sflag:$0xD], $0x2000, $0x38;
	[tilespmem:$0x19000] =	vst v63  }
0xb7: {  	s7 =	simm.s32 $0x5;
	s8 =	sor.u32 s31, s19;
	_ =	swait.ge [sflag:s18], $0x2000  }
0xb8: {  	s16 =	sadd.s32 $0xFFFE0000, s23;
	s8 =	sshll.u32 s8, $0x4;
	[sflag:s18] =	ssyncset.done $0x0  }
0xb9: {  	s8 =	sadd.s32 s8, s12;
	s12 =	sadd.s32 $0xFFFFFF00, s0;
	[sflag:s18] =	ssyncadd.s32 $0xFFFFE000  }
0xba: {  	[hbm4b:s11+s24] =	stream.linear.scatter [tilespmem:s21], [sflag:$0xE], $0x2000, $0x38;
	[tilespmem:$0x19000] =	vst v63  }
0xbb: {  	s19 =	sadd.s32 $0xFFFFFF40, s14;
	s0 =	sadd.s32 $0x280, s0;
	s11 =	sand.u32 $0x1C0, s12  }
0xbc: {  	s12 =	sand.u32 $0xFC0000, s16;
	s21 =	sadd.s32 $0xFFFE8000, s23;
	_ =	swait.ge [sflag:s7], $0x2000  }
0xbd: {  	s11 =	sor.u32 s31, s11;
	s12 =	sadd.s32 s26, s12;
	s15 =	sand.u32 $0xFC0000, s21  }
0xbe: {  	s21 =	sand.u32 $0xFC0000, s20;
	[sflag:s7] =	ssyncset.done $0x0;
	s11 =	sshll.u32 s11, $0x4  }
0xbf: {  	s20 =	sshll.u32 s9, $0x4;
	[sflag:s7] =	ssyncadd.s32 $0xFFFFE000;
	s18 =	sadd.s32 s11, s12  }
0xc0: {  	s11 =	sand.u32 $0x180, s19;
	s19 =	sadd.s32 $0xFFFFFF80, s14;
	s14 =	sand.u32 $0x1C0, s14  }
0xc1: {  	[hbm4b:s8+s24] =	stream.linear.scatter [tilespmem:s1], [sflag:$0xF], $0x2000, $0x38;
	[tilespmem:$0x19000] =	vst v63  }
0xc2: {  	s12 =	sand.u32 $0xC00, s13;
	s13 =	sadd.s32 $0xFFFFFFFC, s9;
	s11 =	sor.u32 s31, s11  }
0xc3: {  	s1 =	sadd.s32 s26, s15;
	s15 =	sand.u32 $0xC00, s2;
	s8 =	sor.u32 s31, s14  }
0xc4: {  	_ =	swait.ge [sflag:s17], $0x2000;
	s11 =	sshll.u32 s11, $0x4;
	s8 =	sshll.u32 s8, $0x4  }
0xc5: {  	[sflag:s17] =	ssyncset.done $0x0;
	s7 =	sadd.s32 s11, s1;
	s11 =	sand.u32 $0x1C0, s19  }
0xc6: {  	s1 =	sadd.s32 $0xFFFFFC00, s2;
	s19 =	sshll.u32 s9, $0x6;
	[sflag:s17] =	ssyncadd.s32 $0xFFFFE000  }
0xc7: {  	s11 =	sor.u32 s31, s11;
	s17 =	sadd.s32 s26, s10;
	s10 =	sadd.s32 s26, s21  }
0xc8: {  	[hbm4b:s18+s24] =	stream.linear.scatter [tilespmem:s3], [sflag:$0x10], $0x2000, $0x38;
	[tilespmem:$0x19000] =	vst v63  }
0xc9: {  	s11 =	sshll.u32 s11, $0x4;
	s3 =	sand.u32 $0x7000, s19;
	s18 =	sand.u32 $0x380, s20  }
0xca: {  	s20 =	sand.u32 $0xFC0000, s23;
	_ =	swait.ge [sflag:s5], $0x2000;
	s21 =	sadd.s32 s11, s10  }
0xcb: {  	s11 =	sadd.s32 $0xFFFFFFFD, s9;
	s10 =	sadd.s32 $0xFFFFF800, s2;
	s15 =	sor.u32 s15, s3  }
0xcc: {  	s19 =	sadd.s32 s26, s20;
	s20 =	sadd.s32 $0xFFFFF000, s2;
	s3 =	smov.u32 s26  }
0xcd: {  	[sflag:s5] =	ssyncset.done $0x0;
	s14 =	sand.u32 $0xC00, s10;
	s19 =	sadd.s32 s8, s19  }
0xce: {  	s8 =	sadd.s32 $0xFFFFFFF7, s9;
	s10 =	smov.u32 s31;
	s20 =	sand.u32 $0xC00, s20  }
0xcf: {  	[sflag:s5] =	ssyncadd.s32 $0xFFFFE000;
	s5 =	simm.s32 $0x8;
	s31 =	sshll.u32 s8, $0x6  }
0xd0: {  	[hbm4b:s7+s24] =	stream.linear.scatter [tilespmem:s25], [sflag:$0x11], $0x2000, $0x38;
	[tilespmem:$0x19000] =	vst v63  }
0xd1: {  	s7 =	sadd.s32 $0xFFFFFFFE, s9;
	s31 =	sand.u32 $0x7000, s31;
	_ =	swait.ge [sflag:s5], $0x2000  }
0xd2: {  	s16 =	sshll.u32 s7, $0x4;
	s25 =	sshll.u32 s7, $0x6;
	s7 =	smov.u32 s30  }
0xd3: {  	s30 =	smov.u32 s28;
	s28 =	sand.u32 $0xC00, s1;
	s1 =	sadd.s32 $0xFFFFEE00, s2  }
0xd4: {  	[sflag:s5] =	ssyncset.done $0x0;
	s26 =	sand.u32 $0xC00, s1;
	s1 =	sshll.u32 s8, $0x4  }
0xd5: {  	s8 =	sor.u32 s18, s15;
	[sflag:s5] =	ssyncadd.s32 $0xFFFFE000;
	s5 =	simm.s32 $0x9  }
0xd6: {  	[hbm4b:s21+s24] =	stream.linear.scatter [tilespmem:s29], [sflag:$0x12], $0x2000, $0x38;
	[tilespmem:$0x19000] =	vst v63  }
0xd7: {  	s15 =	simm.s32 $0x13000;
	s18 =	simm.s32 $0xA;
	_ =	swait.ge [sflag:s5], $0x2000  }
0xd8: {  	s16 =	sand.u32 $0x380, s16;
	s1 =	sand.u32 $0x380, s1;
	[sflag:s5] =	ssyncset.done $0x0  }
0xd9: {  	s21 =	sadd.s32 $0xFFFFF400, s2;
	s29 =	sadd.s32 $0xFFFFF200, s2;
	[sflag:s5] =	ssyncadd.s32 $0xFFFFE000  }
0xda: {  	[hbm4b:s17+s24] =	stream.linear.scatter [tilespmem:s15], [sflag:$0x13], $0x2000, $0x38;
	[tilespmem:$0x19000] =	vst v63  }
0xdb: {  	s17 =	sor.u32 s26, s31;
	s31 =	smov.u32 s10;
	s10 =	smov.u32 s28  }
0xdc: {  	s28 =	smov.u32 s30;
	s30 =	smov.u32 s7;
	s26 =	smov.u32 s3  }
0xdd: {  	s3 =	sadd.s32 $0xFFFFFFF8, s9;
	s15 =	sand.u32 $0x7000, s25;
	s25 =	sand.u32 $0xC00, s29  }
0xde: {  	s29 =	simm.s32 $0x7000;
	_ =	swait.ge [sflag:s18], $0x2000;
	s1 =	sor.u32 s1, s17  }
0xdf: {  	s5 =	sshll.u32 s3, $0x6;
	s17 =	sshll.u32 s3, $0x4;
	s3 =	sadd.s32 $0xFFFFFFFA, s9  }
0xe0: {  	s7 =	sand.u32 $0x7000, s5;
	[sflag:s18] =	ssyncset.done $0x0;
	s17 =	sand.u32 $0x380, s17  }
0xe1: {  	s5 =	sadd.s32 $0xFFFFFFF9, s9;
	[sflag:s18] =	ssyncadd.s32 $0xFFFFE000;
	s18 =	sor.u32 s20, s7  }
0xe2: {  	s7 =	simm.s32 $0x15000;
	s20 =	sand.u32 $0xC00, s21;
	s17 =	sor.u32 s17, s18  }
0xe3: {  	[hbm4b:s19+s24] =	stream.linear.scatter [tilespmem:s7], [sflag:$0x14], $0x2000, $0x38;
	[tilespmem:$0x19000] =	vst v63  }
0xe4: {  	s19 =	simm.s32 $0xB;
	s24 =	sshll.u32 s5, $0x6;
	s18 =	sshll.u32 s5, $0x4  }
0xe5: {  	s5 =	sshll.u32 s3, $0x6;
	s7 =	simm.s32 $0x3000;
	_ =	swait.ge [sflag:s19], $0x2000  }
0xe6: {  	s17 =	sor.u32 $0x40, s17;
	s18 =	sand.u32 $0x380, s18;
	s21 =	sand.u32 $0x7000, s5  }
0xe7: {  	s5 =	simm.s32 $0x40;
	[sflag:s19] =	ssyncset.done $0x0;
	s20 =	sor.u32 s20, s21  }
0xe8: {  	s21 =	sadd.s32 $0xFFFFFFFB, s9;
	[sflag:s19] =	ssyncadd.s32 $0xFFFFE000;
	s19 =	sand.u32 $0x7000, s24  }
0xe9: {  	[tilespmem:s7], [sflag:$0x1] =	stream.indirect.gather [spmem:s4], $0x80, s1, s5, $0xb8;
	[tilespmem:$0x19000] =	vst v63  }
0xea: {  	s24 =	simm.s32 $0x3000;
	s19 =	sor.u32 s25, s19;
	s7 =	simm.s32 $0xC  }
0xeb: {  	s25 =	sshll.u32 s3, $0x4;
	s3 =	simm.s32 $0xE;
	_ =	swait.ge [sflag:s7], $0x2000  }
0xec: {  	s25 =	sand.u32 $0x380, s25;
	s19 =	sor.u32 s18, s19;
	[sflag:s7] =	ssyncset.done $0x0  }
0xed: {  	s18 =	sshll.u32 s11, $0x6;
	[sflag:s7] =	ssyncadd.s32 $0xFFFFE000;
	s7 =	simm.s32 $0x5000  }
0xee: {  	[tilespmem:s7], [sflag:$0x2] =	stream.indirect.gather [spmem:s4], $0x80, s17, s5, $0xb8;
	[tilespmem:$0x19000] =	vst v63  }
0xef: {  	s1 =	sor.u32 s25, s20;
	s20 =	sadd.s32 $0xFFFFF600, s2;
	s17 =	simm.s32 $0xD  }
0xf0: {  	s25 =	simm.s32 $0x5000;
	s5 =	simm.s32 $0x40;
	_ =	swait.ge [sflag:s17], $0x2000  }
0xf1: {  	s7 =	sshll.u32 s21, $0x6;
	s21 =	sshll.u32 s21, $0x4;
	[sflag:s17] =	ssyncset.done $0x0  }
0xf2: {  	[sflag:s17] =	ssyncadd.s32 $0xFFFFE000;
	s17 =	sand.u32 $0x7000, s7;
	s7 =	simm.s32 $0x7000  }
0xf3: {  	[tilespmem:s7], [sflag:$0x3] =	stream.indirect.gather [spmem:s4], $0x80, s19, s5, $0xb8;
	[tilespmem:$0x19000] =	vst v63  }
0xf4: {  	s1 =	sor.u32 $0x40, s1;
	s20 =	sand.u32 $0xC00, s20;
	s7 =	sand.u32 $0x380, s21  }
0xf5: {  	s17 =	sor.u32 s20, s17;
	s21 =	sshll.u32 s13, $0x6;
	s13 =	sshll.u32 s13, $0x4  }
.Ltmp0:
0xf6: {  	s20 =	simm.s32 $0x9000;
	_ =	swait.ge [sflag:s3], $0x2000;
	(pc) =	sbr.rel @p0 .LBB2_2-.Ltmp0, $4  }
0xf7: {  	s19 =	sor.u32 s7, s17;
	s17 =	sand.u32 $0x7000, s21;
	[sflag:s3] =	ssyncset.done $0x0  }
0xf8: {  	s7 =	simm.s32 $0x9000;
	s21 =	simm.s32 $0xF;
	[sflag:s3] =	ssyncadd.s32 $0xFFFFE000  }
0xf9: {  	[tilespmem:s7], [sflag:$0x4] =	stream.indirect.gather [spmem:s4], $0x80, s1, s5, $0xb8;
	[tilespmem:$0x19000] =	vst v63  }
0xfa: {  	s13 =	sand.u32 $0x380, s13;
	s14 =	sor.u32 s14, s17;
	_ =	swait.ge [sflag:s21], $0x2000  }
0xfb: {  	s5 =	simm.s32 $0xF  }
0xfc: {  	s4 =	simm.s32 $0x40;
	s6 =	simm.s32 $0xB000;
	[sflag:s5] =	ssyncset.done $0x0  }
0xfd: {  	s17 =	simm.s32 $0x10;
	s0 =	sor.u32 s13, s14;
	[sflag:s5] =	ssyncadd.s32 $0xFFFFE000  }
0xfe: {  	s7 =	simm.s32 $0xD000;
	s2 =	sand.u32 $0x7000, s18;
	s3 =	rddreg [dreg:$0x3]  }
0xff: {  	[tilespmem:s6], [sflag:$0x5] =	stream.indirect.gather [spmem:s3], $0x80, s19, s4, $0xb8;
	[tilespmem:$0x19000] =	vst v63  }
0x100: {  	s1 =	sshll.u32 s11, $0x4;
	s14 =	simm.s32 $0x11;
	_ =	swait.ge [sflag:s17], $0x2000  }
0x101: {  	s11 =	simm.s32 $0xF000;
	s13 =	simm.s32 $0x12;
	[sflag:s17] =	ssyncset.done $0x0  }
0x102: {  	s0 =	sor.u32 $0x40, s0;
	s1 =	sand.u32 $0x380, s1;
	[sflag:s17] =	ssyncadd.s32 $0xFFFFE000  }
0x103: {  	[tilespmem:s7], [sflag:$0x6] =	stream.indirect.gather [spmem:s3], $0x80, s0, s4, $0xb8;
	[tilespmem:$0x19000] =	vst v63  }
0x104: {  	s0 =	sor.u32 s12, s2;
	s12 =	sor.u32 s10, s15;
	_ =	swait.ge [sflag:s14], $0x2000  }
0x105: {  	s15 =	sadd.s32 $0xFFFFFFFF, s9;
	s9 =	simm.s32 $0x11000;
	[sflag:s14] =	ssyncset.done $0x0  }
0x106: {  	s10 =	simm.s32 $0x14;
	s0 =	sor.u32 s1, s0;
	[sflag:s14] =	ssyncadd.s32 $0xFFFFE000  }
0x107: {  	[tilespmem:s11], [sflag:$0x7] =	stream.indirect.gather [spmem:s3], $0x80, s0, s4, $0xb8;
	[tilespmem:$0x19000] =	vst v63  }
0x108: {  	s2 =	sshll.u32 s15, $0x6;
	s1 =	sshll.u32 s15, $0x4;
	_ =	swait.ge [sflag:s13], $0x2000  }
0x109: {  	s0 =	sor.u32 s16, s12;
	s12 =	simm.s32 $0x13;
	[sflag:s13] =	ssyncset.done $0x0  }
0x10a: {  	s0 =	sor.u32 $0x40, s0;
	s16 =	rddreg [dreg:$0x5];
	[sflag:s13] =	ssyncadd.s32 $0xFFFFE000  }
0x10b: {  	[tilespmem:s9], [sflag:$0x8] =	stream.indirect.gather [spmem:s3], $0x80, s0, s4, $0xb8;
	[tilespmem:$0x19000] =	vst v63  }
0x10c: {  	s2 =	sand.u32 $0x7000, s2;
	s0 =	sand.u32 $0xC00, s16;
	_ =	swait.ge [sflag:s12], $0x2000  }
0x10d: {  	s1 =	sand.u32 $0x380, s1;
	s0 =	sor.u32 s0, s2;
	[sflag:s12] =	ssyncset.done $0x0  }
0x10e: {  	s2 =	simm.s32 $0x13000;
	s0 =	sor.u32 s1, s0;
	[sflag:s12] =	ssyncadd.s32 $0xFFFFE000  }
0x10f: {  	[tilespmem:s2], [sflag:$0x9] =	stream.indirect.gather [spmem:s3], $0x80, s0, s4, $0xb8;
	[tilespmem:$0x19000] =	vst v63  }
0x110: {  	_ =	swait.ge [sflag:s10], $0x2000  }
0x111: {  	s18 =	sor.u32 $0x40, s8;
	[sflag:s10] =	ssyncset.done $0x0  }
0x112: {  	s8 =	simm.s32 $0x15000;
	s19 =	simm.s32 $0x1;
	[sflag:s10] =	ssyncadd.s32 $0xFFFFE000  }
0x113: {  	[tilespmem:s8], [sflag:$0xA] =	stream.indirect.gather [spmem:s3], $0x80, s18, s4, $0xb8;
	[tilespmem:$0x19000] =	vst v63  }
0x114: {  	_ =	swait.ge [sflag:s19], $0x2000  }
0x115: {  	s22 =	simm.s32 $0x2;
	[sflag:s19] =	ssyncset.done $0x0  }
0x116: {  	s0 =	simm.s32 $0x0;
	s21 =	rddreg [dreg:$0x7];
	[sflag:s19] =	ssyncadd.s32 $0xFFFFE000  }
0x117: {  	[hbm4b:s21+s0] =	stream.linear.scatter [tilespmem:s24], [sflag:$0xB], $0x2000, $0x38;
	[tilespmem:$0x19000] =	vst v63  }
0x118: {  	_ =	swait.ge [sflag:s22], $0x2000  }
0x119: {  	[sflag:s22] =	ssyncset.done $0x0  }
0x11a: {  	s24 =	simm.s32 $0x3;
	s23 =	rddreg [dreg:$0x8];
	[sflag:s22] =	ssyncadd.s32 $0xFFFFE000  }
0x11b: {  	[hbm4b:s23+s0] =	stream.linear.scatter [tilespmem:s25], [sflag:$0xC], $0x2000, $0x38;
	[tilespmem:$0x19000] =	vst v63  }
0x11c: {  	_ =	swait.ge [sflag:s24], $0x2000  }
0x11d: {  	[sflag:s24] =	ssyncset.done $0x0  }
0x11e: {  	s28 =	simm.s32 $0x4;
	s25 =	rddreg [dreg:$0xd];
	[sflag:s24] =	ssyncadd.s32 $0xFFFFE000  }
0x11f: {  	[hbm4b:s25+s0] =	stream.linear.scatter [tilespmem:s29], [sflag:$0xD], $0x2000, $0x38;
	[tilespmem:$0x19000] =	vst v63  }
0x120: {  	_ =	swait.ge [sflag:s28], $0x2000  }
0x121: {  	[sflag:s28] =	ssyncset.done $0x0  }
0x122: {  	s30 =	simm.s32 $0x5;
	s29 =	rddreg [dreg:$0x9];
	[sflag:s28] =	ssyncadd.s32 $0xFFFFE000  }
0x123: {  	[hbm4b:s29+s0] =	stream.linear.scatter [tilespmem:s20], [sflag:$0xE], $0x2000, $0x38;
	[tilespmem:$0x19000] =	vst v63  }
0x124: {  	_ =	swait.ge [sflag:s30], $0x2000  }
0x125: {  	[sflag:s30] =	ssyncset.done $0x0  }
0x126: {  	s4 =	simm.s32 $0x6;
	s3 =	rddreg [dreg:$0xb];
	[sflag:s30] =	ssyncadd.s32 $0xFFFFE000  }
0x127: {  	[hbm4b:s3+s0] =	stream.linear.scatter [tilespmem:s6], [sflag:$0xF], $0x2000, $0x38;
	[tilespmem:$0x19000] =	vst v63  }
0x128: {  	_ =	swait.ge [sflag:s4], $0x2000  }
0x129: {  	[sflag:s4] =	ssyncset.done $0x0  }
0x12a: {  	s6 =	rddreg [dreg:$0xc];
	[sflag:s4] =	ssyncadd.s32 $0xFFFFE000  }
0x12b: {  	[hbm4b:s6+s0] =	stream.linear.scatter [tilespmem:s7], [sflag:$0x10], $0x2000, $0x38;
	[tilespmem:$0x19000] =	vst v63  }
0x12c: {  	s7 =	simm.s32 $0x7  }
0x12d: {  	_ =	swait.ge [sflag:s7], $0x2000  }
0x12e: {  	[sflag:s7] =	ssyncset.done $0x0  }
0x12f: {  	s16 =	simm.s32 $0x8;
	s15 =	rddreg [dreg:$0xe];
	[sflag:s7] =	ssyncadd.s32 $0xFFFFE000  }
0x130: {  	[hbm4b:s15+s0] =	stream.linear.scatter [tilespmem:s11], [sflag:$0x11], $0x2000, $0x38;
	[tilespmem:$0x19000] =	vst v63  }
0x131: {  	_ =	swait.ge [sflag:s16], $0x2000  }
0x132: {  	[sflag:s16] =	ssyncset.done $0x0  }
0x133: {  	s19 =	simm.s32 $0x9;
	s18 =	rddreg [dreg:$0xf];
	[sflag:s16] =	ssyncadd.s32 $0xFFFFE000  }
0x134: {  	[hbm4b:s18+s0] =	stream.linear.scatter [tilespmem:s9], [sflag:$0x12], $0x2000, $0x38;
	[tilespmem:$0x19000] =	vst v63  }
0x135: {  	_ =	swait.ge [sflag:s19], $0x2000  }
0x136: {  	[sflag:s19] =	ssyncset.done $0x0  }
0x137: {  	s21 =	simm.s32 $0xA;
	s20 =	rddreg [dreg:$0x11];
	[sflag:s19] =	ssyncadd.s32 $0xFFFFE000  }
0x138: {  	[hbm4b:s20+s0] =	stream.linear.scatter [tilespmem:s2], [sflag:$0x13], $0x2000, $0x38;
	[tilespmem:$0x19000] =	vst v63  }
0x139: {  	_ =	swait.ge [sflag:s21], $0x2000  }
0x13a: {  	[sflag:s21] =	ssyncset.done $0x0  }
0x13b: {  	s23 =	simm.s32 $0xB;
	s22 =	rddreg [dreg:$0x12];
	[sflag:s21] =	ssyncadd.s32 $0xFFFFE000  }
0x13c: {  	[hbm4b:s22+s0] =	stream.linear.scatter [tilespmem:s8], [sflag:$0x14], $0x2000, $0x38;
	[tilespmem:$0x19000] =	vst v63  }
0x13d: {  	_ =	swait.ge [sflag:s23], $0x2000  }
0x13e: {  	[sflag:s23] =	ssyncset.done $0x0  }
0x13f: {  	s24 =	simm.s32 $0xC;
	[sflag:s23] =	ssyncadd.s32 $0xFFFFE000  }
0x140: {  	_ =	swait.ge [sflag:s24], $0x2000  }
0x141: {  	[sflag:s24] =	ssyncset.done $0x0  }
0x142: {  	s25 =	simm.s32 $0xD;
	[sflag:s24] =	ssyncadd.s32 $0xFFFFE000  }
0x143: {  	_ =	swait.ge [sflag:s25], $0x2000  }
0x144: {  	[sflag:s25] =	ssyncset.done $0x0  }
0x145: {  	s28 =	simm.s32 $0xE;
	[sflag:s25] =	ssyncadd.s32 $0xFFFFE000  }
0x146: {  	_ =	swait.ge [sflag:s28], $0x2000  }
0x147: {  	[sflag:s28] =	ssyncset.done $0x0  }
0x148: {  	[sflag:s28] =	ssyncadd.s32 $0xFFFFE000  }
0x149: {  	_ =	swait.ge [sflag:s5], $0x2000  }
0x14a: {  	[sflag:s5] =	ssyncset.done $0x0  }
0x14b: {  	[sflag:s5] =	ssyncadd.s32 $0xFFFFE000  }
0x14c: {  	_ =	swait.ge [sflag:s17], $0x2000  }
0x14d: {  	[sflag:s17] =	ssyncset.done $0x0  }
0x14e: {  	[sflag:s17] =	ssyncadd.s32 $0xFFFFE000  }
0x14f: {  	_ =	swait.ge [sflag:s14], $0x2000  }
0x150: {  	[sflag:s14] =	ssyncset.done $0x0  }
0x151: {  	[sflag:s14] =	ssyncadd.s32 $0xFFFFE000  }
0x152: {  	_ =	swait.ge [sflag:s13], $0x2000  }
0x153: {  	[sflag:s13] =	ssyncset.done $0x0  }
0x154: {  	[sflag:s13] =	ssyncadd.s32 $0xFFFFE000  }
0x155: {  	_ =	swait.ge [sflag:s12], $0x2000  }
0x156: {  	[sflag:s12] =	ssyncset.done $0x0  }
0x157: {  	[sflag:s12] =	ssyncadd.s32 $0xFFFFE000  }
0x158: {  	_ =	swait.ge [sflag:s10], $0x2000  }
0x159: {  	s29 =	rddreg [dreg:$0x15]  }
0x15a: {  	s30 =	rddreg [dreg:$0x13];
	s1 =	sadd.s32 $0x1, s29  }
0x15b: {  	p0 =	sne.s32 s1, s30  }
.Ltmp1:
0x15c: {  	_ = 	snop;
	(pc) =	sbr.rel @p0 .LBB2_1-.Ltmp1, $3  }
0x15d: {  	_ =	sdelay $0x1  }
0x15e: {  	[sflag:s10] =	ssyncset.done $0x0  }
0x15f: {  	s24 =	simm.s32 $0xF;
	[sflag:s10] =	ssyncadd.s32 $0xFFFFE000  }
0x160: {  	_ =	sfence.sel $0x180000  }
0x161: {  	[bflag:$0x0] =	sbarrier.arrive $0xFFFF  }
0x162: {  	_ =	strace $0x90000047  }
0x163: {  	s0 =	stileid.u32;
	[bflag:$0x2] =	sbarrier.arrive $0xFFFF  }
0x164: {  	p0 =	sne.s32 s0, $0x0;
	s0 =	rddreg [dreg:$0x4]  }
0x165: {  	s0 =	sadd.s32 @!p0 $0x100000, s0  }
0x166: {  	[sflag:s0] =	ssyncadd.tile.s32 @!p0 $0x1;
	_ =	shalt  }
.Lfunc_end2:
_tile_overlayer_lowered:
.L_overlay_start_2:
0x167: {  	(tag) =	ssettag $0x2  }
0x168: {  	s0 =	rddreg [dreg:$0x0];
	s2 =	stileid.u32  }
0x169: {  	s1 =	rddreg [dreg:$0x1];
	p0 =	sne.s32 s2, $0x0  }
0x16a: {  	s3 =	rddreg [dreg:$0x2];
	[bflag:$0x3] =	sbarrier.arrive $0xFFFF;
	s2 =	simm.s32 @!p0 $0x1C15  }
0x16b: {  	[timem:s3], [sflag:s2] =	dma.local @!p0 [hbm:s0], s1  }
0x16c: {  	s0 =	simm.s32 @!p0 $0x15  }
0x16d: {  	_ =	swait.ge @!p0 [sflag:s0], s1  }
0x16e: {  	s1 =	ssub.s32 @!p0 $0x0, s1;
	[sflag:s0] =	ssyncset.done @!p0 $0x0  }
0x16f: {  	[sflag:s0] =	ssyncadd.s32 @!p0 s1  }
0x170: {  	[bflag:$0x3] =	sbarrier.arrive $0xFFFF  }
0x171: {  	_ =	shalt  }

</sc_bundles>
